<compile_context>
chip_gen: v7x
topology: tpu7x:2x2x1
jax: 0.10.2.dev20260603
libtpu: 0.0.44.dev20260713+nightly
codegen_flags: <defaults>
</compile_context>

<pallas_src>
import functools

import jax
import jax.numpy as jnp
from jax import lax
from jax.experimental import pallas as pl
from jax.experimental.pallas import tpu as pltpu
from jax.experimental.pallas import tpu_sc as plsc

N = 50000
E = 800000
G = 64
F_IN = 4
H = 64
C = 3
EPS = 1e-5

NC = 2
NS = 16

NPAD = 50048
RPT = NPAD // NS
KC = 256
E_PAD = 819200
CHUNKS = E_PAD // KC
CPW1 = CHUNKS // (NC * NS)
CPT2 = CHUNKS // NS

NB = 16
BR = NPAD // NB

_SC_MESH = dict(core_axis_name="c", subcore_axis_name="s")


def _sc_agg8(table, ei, zeros8):
    mesh = plsc.VectorSubcoreMesh(**_SC_MESH)

    @functools.partial(
        pl.kernel,
        out_type=(jax.ShapeDtypeStruct((NPAD, 8), jnp.float32),
                  jax.ShapeDtypeStruct((NPAD, 8), jnp.float32)),
        mesh=mesh,
        compiler_params=pltpu.CompilerParams(use_tc_tiling_on_sc=False),
        scratch_types=[
            pltpu.VMEM((2, KC), jnp.int32),
            pltpu.VMEM((2, KC), jnp.int32),
            pltpu.VMEM((KC, 8), jnp.float32),
            pltpu.VMEM((KC, 8), jnp.float32),
            pltpu.VMEM_SHARED((NPAD, 8), jnp.float32),
            pltpu.SemaphoreType.DMA,
            pltpu.SemaphoreType.DMA,
        ],
    )
    def run(table_h, ei_h, z_h, out0_h, out1_h,
            sd0, sd1, rows0, rows1, acc, sem0, sem1):
        cid = lax.axis_index("c")
        sid = lax.axis_index("s")
        wid = sid * NC + cid
        base = wid * CPW1
        pltpu.sync_copy(z_h, acc.at[pl.ds(sid * RPT, RPT)])
        plsc.subcore_barrier()

        def load(ch, sd_v):
            pltpu.sync_copy(ei_h.at[:, pl.ds(ch * KC, KC)], sd_v)

        load(base, sd0)
        pltpu.async_copy(table_h.at[sd0.at[0]], rows0, sem0)

        def body(j, carry):
            c1 = base + 2 * j + 1
            c2 = jnp.minimum(c1 + 1, base + CPW1 - 1)
            load(c1, sd1)
            pltpu.make_async_copy(table_h.at[sd0.at[0]], rows0, sem0).wait()
            pltpu.async_copy(table_h.at[sd1.at[0]], rows1, sem1)
            pltpu.sync_copy(rows0, acc.at[sd0.at[1]], add=True)
            load(c2, sd0)
            pltpu.make_async_copy(table_h.at[sd1.at[0]], rows1, sem1).wait()
            pltpu.async_copy(table_h.at[sd0.at[0]], rows0, sem0)
            pltpu.sync_copy(rows1, acc.at[sd1.at[1]], add=True)
            return carry

        lax.fori_loop(0, CPW1 // 2, body, 0)
        pltpu.make_async_copy(table_h.at[sd0.at[0]], rows0, sem0).wait()
        plsc.subcore_barrier()

        @pl.when(cid == 0)
        def _():
            pltpu.sync_copy(acc.at[pl.ds(sid * RPT, RPT)], out0_h.at[pl.ds(sid * RPT, RPT)])

        @pl.when(cid == 1)
        def _():
            pltpu.sync_copy(acc.at[pl.ds(sid * RPT, RPT)], out1_h.at[pl.ds(sid * RPT, RPT)])

    return run(table, ei, zeros8)


def _sc_agg32(t0, t1, ei, zeros32):
    mesh = plsc.VectorSubcoreMesh(**_SC_MESH)

    @functools.partial(
        pl.kernel,
        out_type=tuple(jax.ShapeDtypeStruct((NPAD, 32), jnp.float32)
                       for _ in range(2)),
        mesh=mesh,
        compiler_params=pltpu.CompilerParams(use_tc_tiling_on_sc=False),
        scratch_types=[
            pltpu.VMEM((2, KC), jnp.int32),
            pltpu.VMEM((2, KC), jnp.int32),
            pltpu.VMEM((KC, 32), jnp.float32),
            pltpu.VMEM((KC, 32), jnp.float32),
            pltpu.VMEM_SHARED((NPAD, 32), jnp.float32),
            pltpu.SemaphoreType.DMA,
            pltpu.SemaphoreType.DMA,
        ],
    )
    def run(t0_h, t1_h, ei_h, z_h, o0_h, o1_h,
            sd0, sd1, rows0, rows1, acc, sem0, sem1):
        cid = lax.axis_index("c")
        sid = lax.axis_index("s")
        row = pl.ds(sid * RPT, RPT)
        base = sid * CPT2
        pltpu.sync_copy(z_h, acc.at[row])
        plsc.subcore_barrier()

        def load(ch, sd_v):
            pltpu.sync_copy(ei_h.at[:, pl.ds(ch * KC, KC)], sd_v)

        def gstart(sd_v, r_v, sem):
            @pl.when(cid == 0)
            def _():
                pltpu.async_copy(t0_h.at[sd_v.at[0]], r_v, sem)

            @pl.when(cid == 1)
            def _():
                pltpu.async_copy(t1_h.at[sd_v.at[0]], r_v, sem)

        def gwait(sd_v, r_v, sem):
            @pl.when(cid == 0)
            def _():
                pltpu.make_async_copy(t0_h.at[sd_v.at[0]], r_v, sem).wait()

            @pl.when(cid == 1)
            def _():
                pltpu.make_async_copy(t1_h.at[sd_v.at[0]], r_v, sem).wait()

        load(base, sd0)
        gstart(sd0, rows0, sem0)

        def body(j, carry):
            c1 = base + 2 * j + 1
            c2 = jnp.minimum(c1 + 1, base + CPT2 - 1)
            load(c1, sd1)
            gwait(sd0, rows0, sem0)
            gstart(sd1, rows1, sem1)
            pltpu.sync_copy(rows0, acc.at[sd0.at[1]], add=True)
            load(c2, sd0)
            gwait(sd1, rows1, sem1)
            gstart(sd0, rows0, sem0)
            pltpu.sync_copy(rows1, acc.at[sd1.at[1]], add=True)
            return carry

        lax.fori_loop(0, CPT2 // 2, body, 0)
        gwait(sd0, rows0, sem0)
        plsc.subcore_barrier()

        @pl.when(cid == 0)
        def _():
            pltpu.sync_copy(acc.at[row], o0_h.at[row])

        @pl.when(cid == 1)
        def _():
            pltpu.sync_copy(acc.at[row], o1_h.at[row])

    return run(t0, t1, ei, zeros32)


def _rows(shape):
    return pl.BlockSpec(shape, lambda i: (i,) + (0,) * (len(shape) - 1))


def _full(shape):
    return pl.BlockSpec(shape, lambda i: (0,) * len(shape))


def _onehot(b_r):
    return (b_r[...] == lax.broadcasted_iota(jnp.int32, (BR, G), 1)
            ).astype(jnp.float32)


def _phase_a1(a0, a1, table0, bseg, Wl, bl, Wr):

    def body(a0_r, a1_r, t_r, b_r, wl_r, bl_r, wr_r,
             h_r, invd_r, s1_r, s2_r, cnt_r):
        i = pl.program_id(0)
        a8 = a0_r[...] + a1_r[...]
        invd = 1.0 / jnp.maximum(a8[:, 4:5], 1.0)
        agg4 = a8[:, 0:4] * invd
        x4 = t_r[:, 0:4]
        h = (jnp.dot(agg4, wl_r[...], preferred_element_type=jnp.float32)
             + bl_r[...]
             + jnp.dot(x4, wr_r[...], preferred_element_type=jnp.float32))
        m = _onehot(b_r)
        h_r[...] = h
        invd_r[...] = invd

        @pl.when(i == 0)
        def _():
            s1_r[...] = jnp.zeros_like(s1_r)
            s2_r[...] = jnp.zeros_like(s2_r)
            cnt_r[...] = jnp.zeros_like(cnt_r)

        dn = (((0,), (0,)), ((), ()))
        s1_r[...] += lax.dot_general(m, h, dn, preferred_element_type=jnp.float32)
        s2_r[...] += lax.dot_general(m, h * h, dn, preferred_element_type=jnp.float32)
        cnt_r[...] += lax.dot_general(m, jnp.ones((BR, 1), jnp.float32), dn,
                                      preferred_element_type=jnp.float32)

    return pl.pallas_call(
        body,
        grid=(NB,),
        in_specs=[_rows((BR, 8)), _rows((BR, 8)), _rows((BR, 8)), _rows((BR, 1)),
                  _full((F_IN, H)), _full((1, H)), _full((F_IN, H))],
        out_specs=[_rows((BR, H)), _rows((BR, 1)), _full((G, H)), _full((G, H)),
                   _full((G, 1))],
        out_shape=[jax.ShapeDtypeStruct((NPAD, H), jnp.float32),
                   jax.ShapeDtypeStruct((NPAD, 1), jnp.float32),
                   jax.ShapeDtypeStruct((G, H), jnp.float32),
                   jax.ShapeDtypeStruct((G, H), jnp.float32),
                   jax.ShapeDtypeStruct((G, 1), jnp.float32)],
    )(a0, a1, table0, bseg, Wl, bl, Wr)


def _phase_a23(xq, aq, invd, bseg, Wl, bl, Wr):

    def body(x0, x1, a0, a1, iv_r, b_r, wl_r, bl_r, wr_r,
             h_r, s1_r, s2_r):
        i = pl.program_id(0)
        x = jnp.concatenate([x0[...], x1[...]], axis=1)
        agg = jnp.concatenate([a0[...], a1[...]], axis=1) * iv_r[...]
        h = (jnp.dot(agg, wl_r[...], preferred_element_type=jnp.float32)
             + bl_r[...]
             + jnp.dot(x, wr_r[...], preferred_element_type=jnp.float32))
        m = _onehot(b_r)
        h_r[...] = h

        @pl.when(i == 0)
        def _():
            s1_r[...] = jnp.zeros_like(s1_r)
            s2_r[...] = jnp.zeros_like(s2_r)

        dn = (((0,), (0,)), ((), ()))
        s1_r[...] += lax.dot_general(m, h, dn, preferred_element_type=jnp.float32)
        s2_r[...] += lax.dot_general(m, h * h, dn, preferred_element_type=jnp.float32)

    return pl.pallas_call(
        body,
        grid=(NB,),
        in_specs=[_rows((BR, 32))] * 4 + [
                  _rows((BR, 1)), _rows((BR, 1)),
                  _full((H, H)), _full((1, H)), _full((H, H))],
        out_specs=[_rows((BR, H)), _full((G, H)), _full((G, H))],
        out_shape=[jax.ShapeDtypeStruct((NPAD, H), jnp.float32),
                   jax.ShapeDtypeStruct((G, H), jnp.float32),
                   jax.ShapeDtypeStruct((G, H), jnp.float32)],
    )(*xq, *aq, invd, bseg, Wl, bl, Wr)


def _graphnorm_pq(s1, s2, cnt, gnw, gnb, gna):
    rc = 1.0 / jnp.maximum(cnt, 1.0)
    mean = s1 * rc
    ms = gna
    var = s2 * rc - (2.0 - ms) * ms * mean * mean
    inv = lax.rsqrt(var + EPS)
    p = gnw * inv
    q = gnb - p * ms * mean
    return p, q


def _phase_b(h, bseg, s1, s2, cnt, gnw, gnb, gna, resq=None):
    with_res = resq is not None

    def body(*refs):
        if with_res:
            (h_r, b_seg, s1_r, s2_r, cnt_r, w_r, b_r, a_r, r0, r1,
             o0, o1) = refs
        else:
            (h_r, b_seg, s1_r, s2_r, cnt_r, w_r, b_r, a_r,
             o0, o1) = refs
        p, q = _graphnorm_pq(s1_r[...], s2_r[...], cnt_r[...],
                             w_r[...], b_r[...], a_r[...])
        m = _onehot(b_seg)
        pb = jnp.dot(m, p, preferred_element_type=jnp.float32)
        qb = jnp.dot(m, q, preferred_element_type=jnp.float32)
        xn = pb * h_r[...] + qb
        if with_res:
            xn = xn + jnp.concatenate([r0[...], r1[...]], axis=1)
        xn = jnp.maximum(xn, 0.0)
        o0[...] = xn[:, 0:32]
        o1[...] = xn[:, 32:64]

    in_specs = [_rows((BR, H)), _rows((BR, 1)), _full((G, H)), _full((G, H)),
                _full((G, 1)), _full((1, H)), _full((1, H)), _full((1, H))]
    args = [h, bseg, s1, s2, cnt, gnw, gnb, gna]
    if with_res:
        in_specs += [_rows((BR, 32))] * 2
        args += list(resq)
    return pl.pallas_call(
        body,
        grid=(NB,),
        in_specs=in_specs,
        out_specs=[_rows((BR, 32))] * 2,
        out_shape=[jax.ShapeDtypeStruct((NPAD, 32), jnp.float32)] * 2,
    )(*args)


def _phase_b3(h, bseg, s1, s2, cnt, gnw, gnb, gna, resq, Wo, bo):

    def body(h_r, b_seg, s1_r, s2_r, cnt_r, w_r, b_r, a_r, r0, r1,
             wo_r, bo_r, out_r, pool_s):
        i = pl.program_id(0)
        p, q = _graphnorm_pq(s1_r[...], s2_r[...], cnt_r[...],
                             w_r[...], b_r[...], a_r[...])
        m = _onehot(b_seg)
        pb = jnp.dot(m, p, preferred_element_type=jnp.float32)
        qb = jnp.dot(m, q, preferred_element_type=jnp.float32)
        xn = (pb * h_r[...] + qb
              + jnp.concatenate([r0[...], r1[...]], axis=1))
        xn = jnp.maximum(xn, 0.0)

        @pl.when(i == 0)
        def _():
            pool_s[...] = jnp.zeros_like(pool_s)

        dn = (((0,), (0,)), ((), ()))
        pool_s[...] += lax.dot_general(m, xn, dn, preferred_element_type=jnp.float32)

        @pl.when(i == NB - 1)
        def _():
            pooled = pool_s[...] / cnt_r[...]
            out_r[...] = (jnp.dot(pooled, wo_r[...],
                                  preferred_element_type=jnp.float32) + bo_r[...])

    return pl.pallas_call(
        body,
        grid=(NB,),
        in_specs=[_rows((BR, H)), _rows((BR, 1)), _full((G, H)), _full((G, H)),
                  _full((G, 1)), _full((1, H)), _full((1, H)), _full((1, H))]
                 + [_rows((BR, 32))] * 2
                 + [_full((H, C)), _full((1, C))],
        out_specs=[_full((G, C))],
        out_shape=[jax.ShapeDtypeStruct((G, C), jnp.float32)],
        scratch_shapes=[pltpu.VMEM((G, H), jnp.float32)],
    )(h, bseg, s1, s2, cnt, gnw, gnb, gna, *resq, Wo, bo)[0]


def kernel(x, edge_index, batch,
           W1l, b1l, W1r, gn1_w, gn1_b, gn1_a,
           W2l, b2l, W2r, gn2_w, gn2_b, gn2_a,
           W3l, b3l, W3r, gn3_w, gn3_b, gn3_a,
           W_out, b_out):
    pad_e = E_PAD - E
    ei = jnp.stack([jnp.pad(edge_index[0], (0, pad_e)),
                    jnp.pad(edge_index[1], (0, pad_e), constant_values=N)])
    bseg = jnp.pad(batch, (0, NPAD - N), constant_values=G).reshape(NPAD, 1)
    table0 = jnp.pad(
        jnp.concatenate([x, jnp.ones((N, 1), jnp.float32)], axis=1),
        ((0, NPAD - N), (0, 8 - F_IN - 1)))
    z8 = jnp.zeros((RPT, 8), jnp.float32)
    z32 = jnp.zeros((RPT, 32), jnp.float32)

    r1 = lambda v: v.reshape(1, -1)

    a0, a1 = _sc_agg8(table0, ei, z8)
    h1, invd, s1, s2, cnt = _phase_a1(a0, a1, table0, bseg, W1l, r1(b1l), W1r)
    x1q = _phase_b(h1, bseg, s1, s2, cnt, r1(gn1_w), r1(gn1_b), r1(gn1_a))

    g1q = _sc_agg32(*x1q, ei, z32)
    h2, s1b, s2b = _phase_a23(x1q, g1q, invd, bseg, W2l, r1(b2l), W2r)
    x2q = _phase_b(h2, bseg, s1b, s2b, cnt, r1(gn2_w), r1(gn2_b), r1(gn2_a),
                   x1q)

    g2q = _sc_agg32(*x2q, ei, z32)
    h3, s1c, s2c = _phase_a23(x2q, g2q, invd, bseg, W3l, r1(b3l), W3r)
    return _phase_b3(h3, bseg, s1c, s2c, cnt, r1(gn3_w), r1(gn3_b), r1(gn3_a),
                     x2q, W_out, r1(b_out))

# --- scband reference (transcript-rebuilt; emitter-appended) ---
"""Pipeline reference for scband-gcngraph-classifier-85684597555422 (READ-ONLY COPY).

The authoritative reference and input builder live on the scoring server;
editing this copy changes nothing except your own understanding.
"""

import jax, jax.numpy as jnp
import numpy as np

N = 50000
E = 800000
G = 64
F_IN = 4
H = 64
C = 3
EPS = 1e-5


def setup_inputs(seed: int = 0) -> dict:
    key = jax.random.key(seed)
    ks = jax.random.split(key, 32)
    inp = {}
    inp['x'] = jax.random.normal(ks[0], (N, F_IN), dtype=jnp.float32)
    inp['edge_index'] = jax.random.randint(ks[1], (2, E), 0, N, dtype=jnp.int32)
    inp['batch'] = jnp.sort(jax.random.randint(ks[2], (N,), 0, G, dtype=jnp.int32))
    # SAGEConv params: lin_l (with bias) applied to mean-aggregated neighbors, lin_r (no bias) to root
    dims = [(F_IN, H), (H, H), (H, H)]
    k = 3
    for i, (din, dout) in enumerate(dims, start=1):
        inp[f'W{i}l'] = 0.1 * jax.random.normal(ks[k], (din, dout), dtype=jnp.float32); k += 1
        inp[f'b{i}l'] = 0.01 * jax.random.normal(ks[k], (dout,), dtype=jnp.float32); k += 1
        inp[f'W{i}r'] = 0.1 * jax.random.normal(ks[k], (din, dout), dtype=jnp.float32); k += 1
        inp[f'gn{i}_w'] = 1.0 + 0.05 * jax.random.normal(ks[k], (dout,), dtype=jnp.float32); k += 1
        inp[f'gn{i}_b'] = 0.01 * jax.random.normal(ks[k], (dout,), dtype=jnp.float32); k += 1
        inp[f'gn{i}_a'] = 1.0 + 0.05 * jax.random.normal(ks[k], (dout,), dtype=jnp.float32); k += 1
    inp['W_out'] = 0.1 * jax.random.normal(ks[k], (H, C), dtype=jnp.float32); k += 1
    inp['b_out'] = 0.01 * jax.random.normal(ks[k], (C,), dtype=jnp.float32)
    return inp


def _sage_conv(x, src, dst, Wl, bl, Wr):
    msg = jnp.take(x, src, axis=0)
    agg = jax.ops.segment_sum(msg, dst, num_segments=N)
    cnt = jax.ops.segment_sum(jnp.ones((src.shape[0],), dtype=x.dtype), dst, num_segments=N)
    agg = agg / jnp.clip(cnt, 1.0, None)[:, None]
    return agg @ Wl + bl + x @ Wr


def _graph_norm(x, batch, weight, bias, mean_scale):
    cnt = jnp.clip(jax.ops.segment_sum(jnp.ones((x.shape[0],), dtype=x.dtype), batch, num_segments=G), 1.0, None)[:, None]
    mean = jax.ops.segment_sum(x, batch, num_segments=G) / cnt
    out = x - mean_scale * jnp.take(mean, batch, axis=0)
    var = jax.ops.segment_sum(out * out, batch, num_segments=G) / cnt
    std = jnp.sqrt(var + EPS)
    return weight * out / jnp.take(std, batch, axis=0) + bias


def reference(x, edge_index, batch,
              W1l, b1l, W1r, gn1_w, gn1_b, gn1_a,
              W2l, b2l, W2r, gn2_w, gn2_b, gn2_a,
              W3l, b3l, W3r, gn3_w, gn3_b, gn3_a,
              W_out, b_out):
    # eval mode: feat_mask / edge dropout / Dropout are identity
    src = edge_index[0]
    dst = edge_index[1]
    x1 = jax.nn.relu(_graph_norm(_sage_conv(x, src, dst, W1l, b1l, W1r), batch, gn1_w, gn1_b, gn1_a))
    h2 = _graph_norm(_sage_conv(x1, src, dst, W2l, b2l, W2r), batch, gn2_w, gn2_b, gn2_a)
    x2 = jax.nn.relu(h2 + x1)
    h3 = _graph_norm(_sage_conv(x2, src, dst, W3l, b3l, W3r), batch, gn3_w, gn3_b, gn3_a)
    x3 = jax.nn.relu(h3 + x2)
    pooled = jax.ops.segment_sum(x3, batch, num_segments=G)
    counts = jnp.bincount(batch, length=G).astype(jnp.float32)[:, None]
    pooled = pooled / counts
    return pooled @ W_out + b_out

if __name__ == "__main__":
    import jax
    _d = setup_inputs()
    print(jax.jit(kernel)(*tuple(_d.values())))

</pallas_src>

<mosaic_0001>
#map = affine_map<(d0, d1) -> (0, 0)>
module attributes {stable_mosaic.version = 14 : i64} {
  func.func @run(%arg0: i32, %arg1: i32, %arg2: memref<50048x8xf32, #tpu.memory_space<hbm>>, %arg3: memref<2x819200xi32, #tpu.memory_space<hbm>>, %arg4: memref<3128x8xf32, #tpu.memory_space<hbm>>, %arg5: memref<50048x8xf32, #tpu.memory_space<hbm>>, %arg6: memref<50048x8xf32, #tpu.memory_space<hbm>>, %arg7: memref<2x256xi32, #tpu.memory_space<vmem>>, %arg8: memref<2x256xi32, #tpu.memory_space<vmem>>, %arg9: memref<256x8xf32, #tpu.memory_space<vmem>>, %arg10: memref<256x8xf32, #tpu.memory_space<vmem>>, %arg11: memref<50048x8xf32, #tpu.memory_space<vmem_shared>>, %arg12: memref<!tpu.dma_semaphore, #tpu.memory_space<semaphore_mem>>, %arg13: memref<!tpu.dma_semaphore, #tpu.memory_space<semaphore_mem>>) attributes {dimension_semantics = [#tpu.dimension_semantics<core_parallel>, #tpu.dimension_semantics<subcore_parallel>], iteration_bounds = array<i64: 2, 16>, scalar_prefetch = 0 : i64, scratch_operands = 7 : i64, tpu.core_type = #tpu.core_type<sc_vector_subcore>, window_params = [{transform_indices = #map}, {transform_indices = #map}, {transform_indices = #map}, {transform_indices = #map}, {transform_indices = #map}]} {
    %mul3A = arith.constant 2 : i32
    %mul3A_0 = arith.muli %arg1, %mul3A : i32
    %add3A = arith.addi %mul3A_0, %arg0 : i32
    %mul3A_1 = arith.constant 100 : i32
    %mul3A_2 = arith.muli %add3A, %mul3A_1 : i32
    %mul3A_3 = arith.constant 3128 : i32
    %mul3A_4 = arith.muli %arg1, %mul3A_3 : i32
    "tpu.region"() ({
      %run_scoped3A = tpu.sem_alloc : memref<!tpu.dma_semaphore, #tpu.memory_space<semaphore_mem>>
      %dma_start3A_32 = arith.constant 0 : i32
      %dma_start3A_33 = tpu.memref_slice %arg11[%mul3A_4, %dma_start3A_32] : memref<50048x8xf32, #tpu.memory_space<vmem_shared>> -> memref<3128x8xf32, #tpu.memory_space<vmem_shared>>
      tpu.enqueue_dma source(%arg4 : memref<3128x8xf32, #tpu.memory_space<hbm>>) target(%dma_start3A_33 : memref<3128x8xf32, #tpu.memory_space<vmem_shared>>) target_semaphore(%run_scoped3A : memref<!tpu.dma_semaphore, #tpu.memory_space<semaphore_mem>>)
      %dma_wait3A_34 = arith.constant 0 : i32
      %dma_wait3A_35 = tpu.memref_slice %arg11[%mul3A_4, %dma_wait3A_34] : memref<50048x8xf32, #tpu.memory_space<vmem_shared>> -> memref<3128x8xf32, #tpu.memory_space<vmem_shared>>
      tpu.wait_dma2 semaphore(%run_scoped3A : memref<!tpu.dma_semaphore, #tpu.memory_space<semaphore_mem>>) src(%arg4 : memref<3128x8xf32, #tpu.memory_space<hbm>>) dst(%dma_wait3A_35 : memref<3128x8xf32, #tpu.memory_space<vmem_shared>>)
      tpu.yield
    }) : () -> ()
    %barrier3A = arith.constant 0 : index
    tpu.barrier barrier_id(%barrier3A)
    %mul3A_5 = arith.constant 256 : i32
    %mul3A_6 = arith.muli %mul3A_2, %mul3A_5 : i32
    "tpu.region"() ({
      %run_scoped3A = tpu.sem_alloc : memref<!tpu.dma_semaphore, #tpu.memory_space<semaphore_mem>>
      %dma_start3A_32 = arith.constant 0 : i32
      %dma_start3A_33 = tpu.memref_slice %arg3[%dma_start3A_32, %mul3A_6] : memref<2x819200xi32, #tpu.memory_space<hbm>> -> memref<2x256xi32, #tpu.memory_space<hbm>>
      %dma_start3A_34 = arith.constant 0 : i32
      %dma_start3A_35 = tpu.memref_slice %arg3[%dma_start3A_34, %mul3A_6] : memref<2x819200xi32, #tpu.memory_space<hbm>> -> memref<2x256xi32, #tpu.memory_space<hbm>>
      tpu.enqueue_dma source(%dma_start3A_35 : memref<2x256xi32, #tpu.memory_space<hbm>>) target(%arg7 : memref<2x256xi32, #tpu.memory_space<vmem>>) target_semaphore(%run_scoped3A : memref<!tpu.dma_semaphore, #tpu.memory_space<semaphore_mem>>)
      %dma_wait3A_36 = arith.constant 0 : i32
      %dma_wait3A_37 = tpu.memref_slice %arg3[%dma_wait3A_36, %mul3A_6] : memref<2x819200xi32, #tpu.memory_space<hbm>> -> memref<2x256xi32, #tpu.memory_space<hbm>>
      %dma_wait3A_38 = arith.constant 0 : i32
      %dma_wait3A_39 = tpu.memref_slice %arg3[%dma_wait3A_38, %mul3A_6] : memref<2x819200xi32, #tpu.memory_space<hbm>> -> memref<2x256xi32, #tpu.memory_space<hbm>>
      tpu.wait_dma2 semaphore(%run_scoped3A : memref<!tpu.dma_semaphore, #tpu.memory_space<semaphore_mem>>) src(%dma_wait3A_39 : memref<2x256xi32, #tpu.memory_space<hbm>>) dst(%arg7 : memref<2x256xi32, #tpu.memory_space<vmem>>)
      tpu.yield
    }) : () -> ()
    %dma_start3A = arith.constant 0 : i32
    %dma_start3A_7 = arith.constant 0 : i32
    %dma_start3A_8 = tpu.memref_slice %arg7[%dma_start3A, %dma_start3A_7] : memref<2x256xi32, #tpu.memory_space<vmem>> -> memref<1x256xi32, #tpu.memory_space<vmem>>
    %dma_start3A_9 = tpu.memref_squeeze %dma_start3A_8 : memref<1x256xi32, #tpu.memory_space<vmem>> -> memref<256xi32, #tpu.memory_space<vmem>>
    %dma_start3A_10 = arith.constant 0 : i32
    %dma_start3A_11 = arith.constant 0 : i32
    %dma_start3A_12 = tpu.memref_slice %arg2[%dma_start3A_10, %dma_start3A_11] : memref<50048x8xf32, #tpu.memory_space<hbm>> -> memref<50048x8xf32, #tpu.memory_space<hbm>>
    tpu.enqueue_indirect_dma source(%dma_start3A_12 : memref<50048x8xf32, #tpu.memory_space<hbm>>) target(%arg9 : memref<256x8xf32, #tpu.memory_space<vmem>>) offsets(%dma_start3A_9 : memref<256xi32, #tpu.memory_space<vmem>>) semaphore(%arg12 : memref<!tpu.dma_semaphore, #tpu.memory_space<semaphore_mem>>)
    %scan3A = arith.constant 0 : i32
    %scan3A_13 = arith.constant 0 : i32
    %scan3A_14 = arith.constant 50 : i32
    %scan3A_15 = arith.addi %scan3A_13, %scan3A_14 : i32
    %scan3A_16 = arith.constant 1 : i32
    scf.for %scan3A_32 = %scan3A_13 to %scan3A_15 step %scan3A_16  : i32 {
      %mul3A_33 = arith.constant 2 : i32
      %mul3A_34 = arith.muli %mul3A_33, %scan3A_32 : i32
      %add3A_35 = arith.addi %mul3A_2, %mul3A_34 : i32
      %add3A_36 = arith.constant 1 : i32
      %add3A_37 = arith.addi %add3A_35, %add3A_36 : i32
      %add3A_38 = arith.constant 1 : i32
      %add3A_39 = arith.addi %add3A_37, %add3A_38 : i32
      %add3A_40 = arith.constant 100 : i32
      %add3A_41 = arith.addi %mul3A_2, %add3A_40 : i32
      %sub3A = arith.constant 1 : i32
      %sub3A_42 = arith.subi %add3A_41, %sub3A : i32
      %min3A = arith.minsi %add3A_39, %sub3A_42 : i32
      %mul3A_43 = arith.constant 256 : i32
      %mul3A_44 = arith.muli %add3A_37, %mul3A_43 : i32
      "tpu.region"() ({
        %run_scoped3A_76 = tpu.sem_alloc : memref<!tpu.dma_semaphore, #tpu.memory_space<semaphore_mem>>
        %dma_start3A_77 = arith.constant 0 : i32
        %dma_start3A_78 = tpu.memref_slice %arg3[%dma_start3A_77, %mul3A_44] : memref<2x819200xi32, #tpu.memory_space<hbm>> -> memref<2x256xi32, #tpu.memory_space<hbm>>
        %dma_start3A_79 = arith.constant 0 : i32
        %dma_start3A_80 = tpu.memref_slice %arg3[%dma_start3A_79, %mul3A_44] : memref<2x819200xi32, #tpu.memory_space<hbm>> -> memref<2x256xi32, #tpu.memory_space<hbm>>
        tpu.enqueue_dma source(%dma_start3A_80 : memref<2x256xi32, #tpu.memory_space<hbm>>) target(%arg8 : memref<2x256xi32, #tpu.memory_space<vmem>>) target_semaphore(%run_scoped3A_76 : memref<!tpu.dma_semaphore, #tpu.memory_space<semaphore_mem>>)
        %dma_wait3A_81 = arith.constant 0 : i32
        %dma_wait3A_82 = tpu.memref_slice %arg3[%dma_wait3A_81, %mul3A_44] : memref<2x819200xi32, #tpu.memory_space<hbm>> -> memref<2x256xi32, #tpu.memory_space<hbm>>
        %dma_wait3A_83 = arith.constant 0 : i32
        %dma_wait3A_84 = tpu.memref_slice %arg3[%dma_wait3A_83, %mul3A_44] : memref<2x819200xi32, #tpu.memory_space<hbm>> -> memref<2x256xi32, #tpu.memory_space<hbm>>
        tpu.wait_dma2 semaphore(%run_scoped3A_76 : memref<!tpu.dma_semaphore, #tpu.memory_space<semaphore_mem>>) src(%dma_wait3A_84 : memref<2x256xi32, #tpu.memory_space<hbm>>) dst(%arg8 : memref<2x256xi32, #tpu.memory_space<vmem>>)
        tpu.yield
      }) : () -> ()
      %dma_wait3A_45 = arith.constant 0 : i32
      %dma_wait3A_46 = arith.constant 0 : i32
      %dma_wait3A_47 = tpu.memref_slice %arg7[%dma_wait3A_45, %dma_wait3A_46] : memref<2x256xi32, #tpu.memory_space<vmem>> -> memref<1x256xi32, #tpu.memory_space<vmem>>
      %dma_wait3A_48 = tpu.memref_squeeze %dma_wait3A_47 : memref<1x256xi32, #tpu.memory_space<vmem>> -> memref<256xi32, #tpu.memory_space<vmem>>
      %dma_wait3A_49 = arith.constant 0 : i32
      %dma_wait3A_50 = arith.constant 0 : i32
      %dma_wait3A_51 = tpu.memref_slice %arg2[%dma_wait3A_49, %dma_wait3A_50] : memref<50048x8xf32, #tpu.memory_space<hbm>> -> memref<50048x8xf32, #tpu.memory_space<hbm>>
      tpu.wait_indirect_dma semaphore(%arg12 : memref<!tpu.dma_semaphore, #tpu.memory_space<semaphore_mem>>) src(%dma_wait3A_51 : memref<50048x8xf32, #tpu.memory_space<hbm>>) dst(%arg9 : memref<256x8xf32, #tpu.memory_space<vmem>>)
      %dma_start3A_52 = arith.constant 0 : i32
      %dma_start3A_53 = arith.constant 0 : i32
      %dma_start3A_54 = tpu.memref_slice %arg8[%dma_start3A_52, %dma_start3A_53] : memref<2x256xi32, #tpu.memory_space<vmem>> -> memref<1x256xi32, #tpu.memory_space<vmem>>
      %dma_start3A_55 = tpu.memref_squeeze %dma_start3A_54 : memref<1x256xi32, #tpu.memory_space<vmem>> -> memref<256xi32, #tpu.memory_space<vmem>>
      %dma_start3A_56 = arith.constant 0 : i32
      %dma_start3A_57 = arith.constant 0 : i32
      %dma_start3A_58 = tpu.memref_slice %arg2[%dma_start3A_56, %dma_start3A_57] : memref<50048x8xf32, #tpu.memory_space<hbm>> -> memref<50048x8xf32, #tpu.memory_space<hbm>>
      tpu.enqueue_indirect_dma source(%dma_start3A_58 : memref<50048x8xf32, #tpu.memory_space<hbm>>) target(%arg10 : memref<256x8xf32, #tpu.memory_space<vmem>>) offsets(%dma_start3A_55 : memref<256xi32, #tpu.memory_space<vmem>>) semaphore(%arg13 : memref<!tpu.dma_semaphore, #tpu.memory_space<semaphore_mem>>)
      %run_scoped3A = arith.constant 1 : i32
      "tpu.region"() ({
        %run_scoped3A_76 = tpu.sem_alloc : memref<!tpu.dma_semaphore, #tpu.memory_space<semaphore_mem>>
        %dma_start3A_77 = arith.constant 0 : i32
        %dma_start3A_78 = tpu.memref_slice %arg7[%run_scoped3A, %dma_start3A_77] : memref<2x256xi32, #tpu.memory_space<vmem>> -> memref<1x256xi32, #tpu.memory_space<vmem>>
        %dma_start3A_79 = tpu.memref_squeeze %dma_start3A_78 : memref<1x256xi32, #tpu.memory_space<vmem>> -> memref<256xi32, #tpu.memory_space<vmem>>
        %dma_start3A_80 = arith.constant 0 : i32
        %dma_start3A_81 = arith.constant 0 : i32
        %dma_start3A_82 = tpu.memref_slice %arg11[%dma_start3A_80, %dma_start3A_81] : memref<50048x8xf32, #tpu.memory_space<vmem_shared>> -> memref<50048x8xf32, #tpu.memory_space<vmem_shared>>
        tpu.enqueue_indirect_dma source(%arg9 : memref<256x8xf32, #tpu.memory_space<vmem>>) target(%dma_start3A_82 : memref<50048x8xf32, #tpu.memory_space<vmem_shared>>) offsets(%dma_start3A_79 : memref<256xi32, #tpu.memory_space<vmem>>) semaphore(%run_scoped3A_76 : memref<!tpu.dma_semaphore, #tpu.memory_space<semaphore_mem>>) {add = true}
        %dma_wait3A_83 = arith.constant 0 : i32
        %dma_wait3A_84 = tpu.memref_slice %arg7[%run_scoped3A, %dma_wait3A_83] : memref<2x256xi32, #tpu.memory_space<vmem>> -> memref<1x256xi32, #tpu.memory_space<vmem>>
        %dma_wait3A_85 = tpu.memref_squeeze %dma_wait3A_84 : memref<1x256xi32, #tpu.memory_space<vmem>> -> memref<256xi32, #tpu.memory_space<vmem>>
        %dma_wait3A_86 = arith.constant 0 : i32
        %dma_wait3A_87 = arith.constant 0 : i32
        %dma_wait3A_88 = tpu.memref_slice %arg11[%dma_wait3A_86, %dma_wait3A_87] : memref<50048x8xf32, #tpu.memory_space<vmem_shared>> -> memref<50048x8xf32, #tpu.memory_space<vmem_shared>>
        tpu.wait_indirect_dma semaphore(%run_scoped3A_76 : memref<!tpu.dma_semaphore, #tpu.memory_space<semaphore_mem>>) src(%arg9 : memref<256x8xf32, #tpu.memory_space<vmem>>) dst(%dma_wait3A_88 : memref<50048x8xf32, #tpu.memory_space<vmem_shared>>)
        tpu.yield
      }) : () -> ()
      %mul3A_59 = arith.constant 256 : i32
      %mul3A_60 = arith.muli %min3A, %mul3A_59 : i32
      "tpu.region"() ({
        %run_scoped3A_76 = tpu.sem_alloc : memref<!tpu.dma_semaphore, #tpu.memory_space<semaphore_mem>>
        %dma_start3A_77 = arith.constant 0 : i32
        %dma_start3A_78 = tpu.memref_slice %arg3[%dma_start3A_77, %mul3A_60] : memref<2x819200xi32, #tpu.memory_space<hbm>> -> memref<2x256xi32, #tpu.memory_space<hbm>>
        %dma_start3A_79 = arith.constant 0 : i32
        %dma_start3A_80 = tpu.memref_slice %arg3[%dma_start3A_79, %mul3A_60] : memref<2x819200xi32, #tpu.memory_space<hbm>> -> memref<2x256xi32, #tpu.memory_space<hbm>>
        tpu.enqueue_dma source(%dma_start3A_80 : memref<2x256xi32, #tpu.memory_space<hbm>>) target(%arg7 : memref<2x256xi32, #tpu.memory_space<vmem>>) target_semaphore(%run_scoped3A_76 : memref<!tpu.dma_semaphore, #tpu.memory_space<semaphore_mem>>)
        %dma_wait3A_81 = arith.constant 0 : i32
        %dma_wait3A_82 = tpu.memref_slice %arg3[%dma_wait3A_81, %mul3A_60] : memref<2x819200xi32, #tpu.memory_space<hbm>> -> memref<2x256xi32, #tpu.memory_space<hbm>>
        %dma_wait3A_83 = arith.constant 0 : i32
        %dma_wait3A_84 = tpu.memref_slice %arg3[%dma_wait3A_83, %mul3A_60] : memref<2x819200xi32, #tpu.memory_space<hbm>> -> memref<2x256xi32, #tpu.memory_space<hbm>>
        tpu.wait_dma2 semaphore(%run_scoped3A_76 : memref<!tpu.dma_semaphore, #tpu.memory_space<semaphore_mem>>) src(%dma_wait3A_84 : memref<2x256xi32, #tpu.memory_space<hbm>>) dst(%arg7 : memref<2x256xi32, #tpu.memory_space<vmem>>)
        tpu.yield
      }) : () -> ()
      %dma_wait3A_61 = arith.constant 0 : i32
      %dma_wait3A_62 = arith.constant 0 : i32
      %dma_wait3A_63 = tpu.memref_slice %arg8[%dma_wait3A_61, %dma_wait3A_62] : memref<2x256xi32, #tpu.memory_space<vmem>> -> memref<1x256xi32, #tpu.memory_space<vmem>>
      %dma_wait3A_64 = tpu.memref_squeeze %dma_wait3A_63 : memref<1x256xi32, #tpu.memory_space<vmem>> -> memref<256xi32, #tpu.memory_space<vmem>>
      %dma_wait3A_65 = arith.constant 0 : i32
      %dma_wait3A_66 = arith.constant 0 : i32
      %dma_wait3A_67 = tpu.memref_slice %arg2[%dma_wait3A_65, %dma_wait3A_66] : memref<50048x8xf32, #tpu.memory_space<hbm>> -> memref<50048x8xf32, #tpu.memory_space<hbm>>
      tpu.wait_indirect_dma semaphore(%arg13 : memref<!tpu.dma_semaphore, #tpu.memory_space<semaphore_mem>>) src(%dma_wait3A_67 : memref<50048x8xf32, #tpu.memory_space<hbm>>) dst(%arg10 : memref<256x8xf32, #tpu.memory_space<vmem>>)
      %dma_start3A_68 = arith.constant 0 : i32
      %dma_start3A_69 = arith.constant 0 : i32
      %dma_start3A_70 = tpu.memref_slice %arg7[%dma_start3A_68, %dma_start3A_69] : memref<2x256xi32, #tpu.memory_space<vmem>> -> memref<1x256xi32, #tpu.memory_space<vmem>>
      %dma_start3A_71 = tpu.memref_squeeze %dma_start3A_70 : memref<1x256xi32, #tpu.memory_space<vmem>> -> memref<256xi32, #tpu.memory_space<vmem>>
      %dma_start3A_72 = arith.constant 0 : i32
      %dma_start3A_73 = arith.constant 0 : i32
      %dma_start3A_74 = tpu.memref_slice %arg2[%dma_start3A_72, %dma_start3A_73] : memref<50048x8xf32, #tpu.memory_space<hbm>> -> memref<50048x8xf32, #tpu.memory_space<hbm>>
      tpu.enqueue_indirect_dma source(%dma_start3A_74 : memref<50048x8xf32, #tpu.memory_space<hbm>>) target(%arg9 : memref<256x8xf32, #tpu.memory_space<vmem>>) offsets(%dma_start3A_71 : memref<256xi32, #tpu.memory_space<vmem>>) semaphore(%arg12 : memref<!tpu.dma_semaphore, #tpu.memory_space<semaphore_mem>>)
      %run_scoped3A_75 = arith.constant 1 : i32
      "tpu.region"() ({
        %run_scoped3A_76 = tpu.sem_alloc : memref<!tpu.dma_semaphore, #tpu.memory_space<semaphore_mem>>
        %dma_start3A_77 = arith.constant 0 : i32
        %dma_start3A_78 = tpu.memref_slice %arg8[%run_scoped3A_75, %dma_start3A_77] : memref<2x256xi32, #tpu.memory_space<vmem>> -> memref<1x256xi32, #tpu.memory_space<vmem>>
        %dma_start3A_79 = tpu.memref_squeeze %dma_start3A_78 : memref<1x256xi32, #tpu.memory_space<vmem>> -> memref<256xi32, #tpu.memory_space<vmem>>
        %dma_start3A_80 = arith.constant 0 : i32
        %dma_start3A_81 = arith.constant 0 : i32
        %dma_start3A_82 = tpu.memref_slice %arg11[%dma_start3A_80, %dma_start3A_81] : memref<50048x8xf32, #tpu.memory_space<vmem_shared>> -> memref<50048x8xf32, #tpu.memory_space<vmem_shared>>
        tpu.enqueue_indirect_dma source(%arg10 : memref<256x8xf32, #tpu.memory_space<vmem>>) target(%dma_start3A_82 : memref<50048x8xf32, #tpu.memory_space<vmem_shared>>) offsets(%dma_start3A_79 : memref<256xi32, #tpu.memory_space<vmem>>) semaphore(%run_scoped3A_76 : memref<!tpu.dma_semaphore, #tpu.memory_space<semaphore_mem>>) {add = true}
        %dma_wait3A_83 = arith.constant 0 : i32
        %dma_wait3A_84 = tpu.memref_slice %arg8[%run_scoped3A_75, %dma_wait3A_83] : memref<2x256xi32, #tpu.memory_space<vmem>> -> memref<1x256xi32, #tpu.memory_space<vmem>>
        %dma_wait3A_85 = tpu.memref_squeeze %dma_wait3A_84 : memref<1x256xi32, #tpu.memory_space<vmem>> -> memref<256xi32, #tpu.memory_space<vmem>>
        %dma_wait3A_86 = arith.constant 0 : i32
        %dma_wait3A_87 = arith.constant 0 : i32
        %dma_wait3A_88 = tpu.memref_slice %arg11[%dma_wait3A_86, %dma_wait3A_87] : memref<50048x8xf32, #tpu.memory_space<vmem_shared>> -> memref<50048x8xf32, #tpu.memory_space<vmem_shared>>
        tpu.wait_indirect_dma semaphore(%run_scoped3A_76 : memref<!tpu.dma_semaphore, #tpu.memory_space<semaphore_mem>>) src(%arg10 : memref<256x8xf32, #tpu.memory_space<vmem>>) dst(%dma_wait3A_88 : memref<50048x8xf32, #tpu.memory_space<vmem_shared>>)
        tpu.yield
      }) : () -> ()
    }
    %scan3A_17 = arith.constant 50 : i32
    %dma_wait3A = arith.constant 0 : i32
    %dma_wait3A_18 = arith.constant 0 : i32
    %dma_wait3A_19 = tpu.memref_slice %arg7[%dma_wait3A, %dma_wait3A_18] : memref<2x256xi32, #tpu.memory_space<vmem>> -> memref<1x256xi32, #tpu.memory_space<vmem>>
    %dma_wait3A_20 = tpu.memref_squeeze %dma_wait3A_19 : memref<1x256xi32, #tpu.memory_space<vmem>> -> memref<256xi32, #tpu.memory_space<vmem>>
    %dma_wait3A_21 = arith.constant 0 : i32
    %dma_wait3A_22 = arith.constant 0 : i32
    %dma_wait3A_23 = tpu.memref_slice %arg2[%dma_wait3A_21, %dma_wait3A_22] : memref<50048x8xf32, #tpu.memory_space<hbm>> -> memref<50048x8xf32, #tpu.memory_space<hbm>>
    tpu.wait_indirect_dma semaphore(%arg12 : memref<!tpu.dma_semaphore, #tpu.memory_space<semaphore_mem>>) src(%dma_wait3A_23 : memref<50048x8xf32, #tpu.memory_space<hbm>>) dst(%arg9 : memref<256x8xf32, #tpu.memory_space<vmem>>)
    %barrier3A_24 = arith.constant 0 : index
    tpu.barrier barrier_id(%barrier3A_24)
    %eq3A = arith.constant 0 : i32
    %eq3A_25 = arith.cmpi eq, %arg0, %eq3A : i32
    %convert_element_type3A = arith.extui %eq3A_25 : i1 to i32
    %cond3A = arith.constant 0 : i32
    %cond3A_26 = arith.cmpi ne, %convert_element_type3A, %cond3A : i32
    scf.if %cond3A_26 {
      %mul3A_32 = arith.constant 3128 : i32
      %mul3A_33 = arith.muli %arg1, %mul3A_32 : i32
      %mul3A_34 = arith.constant 3128 : i32
      %mul3A_35 = arith.muli %arg1, %mul3A_34 : i32
      "tpu.region"() ({
        %run_scoped3A = tpu.sem_alloc : memref<!tpu.dma_semaphore, #tpu.memory_space<semaphore_mem>>
        %dma_start3A_36 = arith.constant 0 : i32
        %dma_start3A_37 = tpu.memref_slice %arg5[%mul3A_35, %dma_start3A_36] : memref<50048x8xf32, #tpu.memory_space<hbm>> -> memref<3128x8xf32, #tpu.memory_space<hbm>>
        %dma_start3A_38 = arith.constant 0 : i32
        %dma_start3A_39 = tpu.memref_slice %arg11[%mul3A_33, %dma_start3A_38] : memref<50048x8xf32, #tpu.memory_space<vmem_shared>> -> memref<3128x8xf32, #tpu.memory_space<vmem_shared>>
        tpu.enqueue_dma source(%dma_start3A_39 : memref<3128x8xf32, #tpu.memory_space<vmem_shared>>) target(%dma_start3A_37 : memref<3128x8xf32, #tpu.memory_space<hbm>>) target_semaphore(%run_scoped3A : memref<!tpu.dma_semaphore, #tpu.memory_space<semaphore_mem>>)
        %dma_wait3A_40 = arith.constant 0 : i32
        %dma_wait3A_41 = tpu.memref_slice %arg5[%mul3A_35, %dma_wait3A_40] : memref<50048x8xf32, #tpu.memory_space<hbm>> -> memref<3128x8xf32, #tpu.memory_space<hbm>>
        %dma_wait3A_42 = arith.constant 0 : i32
        %dma_wait3A_43 = tpu.memref_slice %arg11[%mul3A_33, %dma_wait3A_42] : memref<50048x8xf32, #tpu.memory_space<vmem_shared>> -> memref<3128x8xf32, #tpu.memory_space<vmem_shared>>
        tpu.wait_dma2 semaphore(%run_scoped3A : memref<!tpu.dma_semaphore, #tpu.memory_space<semaphore_mem>>) src(%dma_wait3A_43 : memref<3128x8xf32, #tpu.memory_space<vmem_shared>>) dst(%dma_wait3A_41 : memref<3128x8xf32, #tpu.memory_space<hbm>>)
        tpu.yield
      }) : () -> ()
    } else {
    }
    %eq3A_27 = arith.constant 1 : i32
    %eq3A_28 = arith.cmpi eq, %arg0, %eq3A_27 : i32
    %convert_element_type3A_29 = arith.extui %eq3A_28 : i1 to i32
    %cond3A_30 = arith.constant 0 : i32
    %cond3A_31 = arith.cmpi ne, %convert_element_type3A_29, %cond3A_30 : i32
    scf.if %cond3A_31 {
      %mul3A_32 = arith.constant 3128 : i32
      %mul3A_33 = arith.muli %arg1, %mul3A_32 : i32
      %mul3A_34 = arith.constant 3128 : i32
      %mul3A_35 = arith.muli %arg1, %mul3A_34 : i32
      "tpu.region"() ({
        %run_scoped3A = tpu.sem_alloc : memref<!tpu.dma_semaphore, #tpu.memory_space<semaphore_mem>>
        %dma_start3A_36 = arith.constant 0 : i32
        %dma_start3A_37 = tpu.memref_slice %arg6[%mul3A_35, %dma_start3A_36] : memref<50048x8xf32, #tpu.memory_space<hbm>> -> memref<3128x8xf32, #tpu.memory_space<hbm>>
        %dma_start3A_38 = arith.constant 0 : i32
        %dma_start3A_39 = tpu.memref_slice %arg11[%mul3A_33, %dma_start3A_38] : memref<50048x8xf32, #tpu.memory_space<vmem_shared>> -> memref<3128x8xf32, #tpu.memory_space<vmem_shared>>
        tpu.enqueue_dma source(%dma_start3A_39 : memref<3128x8xf32, #tpu.memory_space<vmem_shared>>) target(%dma_start3A_37 : memref<3128x8xf32, #tpu.memory_space<hbm>>) target_semaphore(%run_scoped3A : memref<!tpu.dma_semaphore, #tpu.memory_space<semaphore_mem>>)
        %dma_wait3A_40 = arith.constant 0 : i32
        %dma_wait3A_41 = tpu.memref_slice %arg6[%mul3A_35, %dma_wait3A_40] : memref<50048x8xf32, #tpu.memory_space<hbm>> -> memref<3128x8xf32, #tpu.memory_space<hbm>>
        %dma_wait3A_42 = arith.constant 0 : i32
        %dma_wait3A_43 = tpu.memref_slice %arg11[%mul3A_33, %dma_wait3A_42] : memref<50048x8xf32, #tpu.memory_space<vmem_shared>> -> memref<3128x8xf32, #tpu.memory_space<vmem_shared>>
        tpu.wait_dma2 semaphore(%run_scoped3A : memref<!tpu.dma_semaphore, #tpu.memory_space<semaphore_mem>>) src(%dma_wait3A_43 : memref<3128x8xf32, #tpu.memory_space<vmem_shared>>) dst(%dma_wait3A_41 : memref<3128x8xf32, #tpu.memory_space<hbm>>)
        tpu.yield
      }) : () -> ()
    } else {
    }
    return
  }
}

#map = affine_map<(d0, d1) -> (0, 0)>
module attributes {stable_mosaic.version = 14 : i64} {
  func.func @run(%arg0: i32, %arg1: i32, %arg2: memref<50048x32xf32, #tpu.memory_space<hbm>>, %arg3: memref<50048x32xf32, #tpu.memory_space<hbm>>, %arg4: memref<2x819200xi32, #tpu.memory_space<hbm>>, %arg5: memref<3128x32xf32, #tpu.memory_space<hbm>>, %arg6: memref<50048x32xf32, #tpu.memory_space<hbm>>, %arg7: memref<50048x32xf32, #tpu.memory_space<hbm>>, %arg8: memref<2x256xi32, #tpu.memory_space<vmem>>, %arg9: memref<2x256xi32, #tpu.memory_space<vmem>>, %arg10: memref<256x32xf32, #tpu.memory_space<vmem>>, %arg11: memref<256x32xf32, #tpu.memory_space<vmem>>, %arg12: memref<50048x32xf32, #tpu.memory_space<vmem_shared>>, %arg13: memref<!tpu.dma_semaphore, #tpu.memory_space<semaphore_mem>>, %arg14: memref<!tpu.dma_semaphore, #tpu.memory_space<semaphore_mem>>) attributes {dimension_semantics = [#tpu.dimension_semantics<core_parallel>, #tpu.dimension_semantics<subcore_parallel>], iteration_bounds = array<i64: 2, 16>, scalar_prefetch = 0 : i64, scratch_operands = 7 : i64, tpu.core_type = #tpu.core_type<sc_vector_subcore>, window_params = [{transform_indices = #map}, {transform_indices = #map}, {transform_indices = #map}, {transform_indices = #map}, {transform_indices = #map}, {transform_indices = #map}]} {
    %mul3A = arith.constant 3128 : i32
    %mul3A_0 = arith.muli %arg1, %mul3A : i32
    %mul3A_1 = arith.constant 200 : i32
    %mul3A_2 = arith.muli %arg1, %mul3A_1 : i32
    "tpu.region"() ({
      %run_scoped3A = tpu.sem_alloc : memref<!tpu.dma_semaphore, #tpu.memory_space<semaphore_mem>>
      %dma_start3A = arith.constant 0 : i32
      %dma_start3A_38 = tpu.memref_slice %arg12[%mul3A_0, %dma_start3A] : memref<50048x32xf32, #tpu.memory_space<vmem_shared>> -> memref<3128x32xf32, #tpu.memory_space<vmem_shared>>
      tpu.enqueue_dma source(%arg5 : memref<3128x32xf32, #tpu.memory_space<hbm>>) target(%dma_start3A_38 : memref<3128x32xf32, #tpu.memory_space<vmem_shared>>) target_semaphore(%run_scoped3A : memref<!tpu.dma_semaphore, #tpu.memory_space<semaphore_mem>>)
      %dma_wait3A = arith.constant 0 : i32
      %dma_wait3A_39 = tpu.memref_slice %arg12[%mul3A_0, %dma_wait3A] : memref<50048x32xf32, #tpu.memory_space<vmem_shared>> -> memref<3128x32xf32, #tpu.memory_space<vmem_shared>>
      tpu.wait_dma2 semaphore(%run_scoped3A : memref<!tpu.dma_semaphore, #tpu.memory_space<semaphore_mem>>) src(%arg5 : memref<3128x32xf32, #tpu.memory_space<hbm>>) dst(%dma_wait3A_39 : memref<3128x32xf32, #tpu.memory_space<vmem_shared>>)
      tpu.yield
    }) : () -> ()
    %barrier3A = arith.constant 0 : index
    tpu.barrier barrier_id(%barrier3A)
    %mul3A_3 = arith.constant 256 : i32
    %mul3A_4 = arith.muli %mul3A_2, %mul3A_3 : i32
    "tpu.region"() ({
      %run_scoped3A = tpu.sem_alloc : memref<!tpu.dma_semaphore, #tpu.memory_space<semaphore_mem>>
      %dma_start3A = arith.constant 0 : i32
      %dma_start3A_38 = tpu.memref_slice %arg4[%dma_start3A, %mul3A_4] : memref<2x819200xi32, #tpu.memory_space<hbm>> -> memref<2x256xi32, #tpu.memory_space<hbm>>
      %dma_start3A_39 = arith.constant 0 : i32
      %dma_start3A_40 = tpu.memref_slice %arg4[%dma_start3A_39, %mul3A_4] : memref<2x819200xi32, #tpu.memory_space<hbm>> -> memref<2x256xi32, #tpu.memory_space<hbm>>
      tpu.enqueue_dma source(%dma_start3A_40 : memref<2x256xi32, #tpu.memory_space<hbm>>) target(%arg8 : memref<2x256xi32, #tpu.memory_space<vmem>>) target_semaphore(%run_scoped3A : memref<!tpu.dma_semaphore, #tpu.memory_space<semaphore_mem>>)
      %dma_wait3A = arith.constant 0 : i32
      %dma_wait3A_41 = tpu.memref_slice %arg4[%dma_wait3A, %mul3A_4] : memref<2x819200xi32, #tpu.memory_space<hbm>> -> memref<2x256xi32, #tpu.memory_space<hbm>>
      %dma_wait3A_42 = arith.constant 0 : i32
      %dma_wait3A_43 = tpu.memref_slice %arg4[%dma_wait3A_42, %mul3A_4] : memref<2x819200xi32, #tpu.memory_space<hbm>> -> memref<2x256xi32, #tpu.memory_space<hbm>>
      tpu.wait_dma2 semaphore(%run_scoped3A : memref<!tpu.dma_semaphore, #tpu.memory_space<semaphore_mem>>) src(%dma_wait3A_43 : memref<2x256xi32, #tpu.memory_space<hbm>>) dst(%arg8 : memref<2x256xi32, #tpu.memory_space<vmem>>)
      tpu.yield
    }) : () -> ()
    %eq3A = arith.constant 0 : i32
    %eq3A_5 = arith.cmpi eq, %arg0, %eq3A : i32
    %convert_element_type3A = arith.extui %eq3A_5 : i1 to i32
    %cond3A = arith.constant 0 : i32
    %cond3A_6 = arith.cmpi ne, %convert_element_type3A, %cond3A : i32
    scf.if %cond3A_6 {
      %dma_start3A = arith.constant 0 : i32
      %dma_start3A_38 = arith.constant 0 : i32
      %dma_start3A_39 = tpu.memref_slice %arg8[%dma_start3A, %dma_start3A_38] : memref<2x256xi32, #tpu.memory_space<vmem>> -> memref<1x256xi32, #tpu.memory_space<vmem>>
      %dma_start3A_40 = tpu.memref_squeeze %dma_start3A_39 : memref<1x256xi32, #tpu.memory_space<vmem>> -> memref<256xi32, #tpu.memory_space<vmem>>
      %dma_start3A_41 = arith.constant 0 : i32
      %dma_start3A_42 = arith.constant 0 : i32
      %dma_start3A_43 = tpu.memref_slice %arg2[%dma_start3A_41, %dma_start3A_42] : memref<50048x32xf32, #tpu.memory_space<hbm>> -> memref<50048x32xf32, #tpu.memory_space<hbm>>
      tpu.enqueue_indirect_dma source(%dma_start3A_43 : memref<50048x32xf32, #tpu.memory_space<hbm>>) target(%arg10 : memref<256x32xf32, #tpu.memory_space<vmem>>) offsets(%dma_start3A_40 : memref<256xi32, #tpu.memory_space<vmem>>) semaphore(%arg13 : memref<!tpu.dma_semaphore, #tpu.memory_space<semaphore_mem>>)
    } else {
    }
    %eq3A_7 = arith.constant 1 : i32
    %eq3A_8 = arith.cmpi eq, %arg0, %eq3A_7 : i32
    %convert_element_type3A_9 = arith.extui %eq3A_8 : i1 to i32
    %cond3A_10 = arith.constant 0 : i32
    %cond3A_11 = arith.cmpi ne, %convert_element_type3A_9, %cond3A_10 : i32
    scf.if %cond3A_11 {
      %dma_start3A = arith.constant 0 : i32
      %dma_start3A_38 = arith.constant 0 : i32
      %dma_start3A_39 = tpu.memref_slice %arg8[%dma_start3A, %dma_start3A_38] : memref<2x256xi32, #tpu.memory_space<vmem>> -> memref<1x256xi32, #tpu.memory_space<vmem>>
      %dma_start3A_40 = tpu.memref_squeeze %dma_start3A_39 : memref<1x256xi32, #tpu.memory_space<vmem>> -> memref<256xi32, #tpu.memory_space<vmem>>
      %dma_start3A_41 = arith.constant 0 : i32
      %dma_start3A_42 = arith.constant 0 : i32
      %dma_start3A_43 = tpu.memref_slice %arg3[%dma_start3A_41, %dma_start3A_42] : memref<50048x32xf32, #tpu.memory_space<hbm>> -> memref<50048x32xf32, #tpu.memory_space<hbm>>
      tpu.enqueue_indirect_dma source(%dma_start3A_43 : memref<50048x32xf32, #tpu.memory_space<hbm>>) target(%arg10 : memref<256x32xf32, #tpu.memory_space<vmem>>) offsets(%dma_start3A_40 : memref<256xi32, #tpu.memory_space<vmem>>) semaphore(%arg13 : memref<!tpu.dma_semaphore, #tpu.memory_space<semaphore_mem>>)
    } else {
    }
    %scan3A = arith.constant 0 : i32
    %scan3A_12 = arith.constant 0 : i32
    %scan3A_13 = arith.constant 100 : i32
    %scan3A_14 = arith.addi %scan3A_12, %scan3A_13 : i32
    %scan3A_15 = arith.constant 1 : i32
    scf.for %scan3A_38 = %scan3A_12 to %scan3A_14 step %scan3A_15  : i32 {
      %mul3A_39 = arith.constant 2 : i32
      %mul3A_40 = arith.muli %mul3A_39, %scan3A_38 : i32
      %add3A = arith.addi %mul3A_2, %mul3A_40 : i32
      %add3A_41 = arith.constant 1 : i32
      %add3A_42 = arith.addi %add3A, %add3A_41 : i32
      %add3A_43 = arith.constant 1 : i32
      %add3A_44 = arith.addi %add3A_42, %add3A_43 : i32
      %add3A_45 = arith.constant 200 : i32
      %add3A_46 = arith.addi %mul3A_2, %add3A_45 : i32
      %sub3A = arith.constant 1 : i32
      %sub3A_47 = arith.subi %add3A_46, %sub3A : i32
      %min3A = arith.minsi %add3A_44, %sub3A_47 : i32
      %mul3A_48 = arith.constant 256 : i32
      %mul3A_49 = arith.muli %add3A_42, %mul3A_48 : i32
      "tpu.region"() ({
        %run_scoped3A_93 = tpu.sem_alloc : memref<!tpu.dma_semaphore, #tpu.memory_space<semaphore_mem>>
        %dma_start3A = arith.constant 0 : i32
        %dma_start3A_94 = tpu.memref_slice %arg4[%dma_start3A, %mul3A_49] : memref<2x819200xi32, #tpu.memory_space<hbm>> -> memref<2x256xi32, #tpu.memory_space<hbm>>
        %dma_start3A_95 = arith.constant 0 : i32
        %dma_start3A_96 = tpu.memref_slice %arg4[%dma_start3A_95, %mul3A_49] : memref<2x819200xi32, #tpu.memory_space<hbm>> -> memref<2x256xi32, #tpu.memory_space<hbm>>
        tpu.enqueue_dma source(%dma_start3A_96 : memref<2x256xi32, #tpu.memory_space<hbm>>) target(%arg9 : memref<2x256xi32, #tpu.memory_space<vmem>>) target_semaphore(%run_scoped3A_93 : memref<!tpu.dma_semaphore, #tpu.memory_space<semaphore_mem>>)
        %dma_wait3A = arith.constant 0 : i32
        %dma_wait3A_97 = tpu.memref_slice %arg4[%dma_wait3A, %mul3A_49] : memref<2x819200xi32, #tpu.memory_space<hbm>> -> memref<2x256xi32, #tpu.memory_space<hbm>>
        %dma_wait3A_98 = arith.constant 0 : i32
        %dma_wait3A_99 = tpu.memref_slice %arg4[%dma_wait3A_98, %mul3A_49] : memref<2x819200xi32, #tpu.memory_space<hbm>> -> memref<2x256xi32, #tpu.memory_space<hbm>>
        tpu.wait_dma2 semaphore(%run_scoped3A_93 : memref<!tpu.dma_semaphore, #tpu.memory_space<semaphore_mem>>) src(%dma_wait3A_99 : memref<2x256xi32, #tpu.memory_space<hbm>>) dst(%arg9 : memref<2x256xi32, #tpu.memory_space<vmem>>)
        tpu.yield
      }) : () -> ()
      %eq3A_50 = arith.constant 0 : i32
      %eq3A_51 = arith.cmpi eq, %arg0, %eq3A_50 : i32
      %convert_element_type3A_52 = arith.extui %eq3A_51 : i1 to i32
      %cond3A_53 = arith.constant 0 : i32
      %cond3A_54 = arith.cmpi ne, %convert_element_type3A_52, %cond3A_53 : i32
      scf.if %cond3A_54 {
        %dma_wait3A = arith.constant 0 : i32
        %dma_wait3A_93 = arith.constant 0 : i32
        %dma_wait3A_94 = tpu.memref_slice %arg8[%dma_wait3A, %dma_wait3A_93] : memref<2x256xi32, #tpu.memory_space<vmem>> -> memref<1x256xi32, #tpu.memory_space<vmem>>
        %dma_wait3A_95 = tpu.memref_squeeze %dma_wait3A_94 : memref<1x256xi32, #tpu.memory_space<vmem>> -> memref<256xi32, #tpu.memory_space<vmem>>
        %dma_wait3A_96 = arith.constant 0 : i32
        %dma_wait3A_97 = arith.constant 0 : i32
        %dma_wait3A_98 = tpu.memref_slice %arg2[%dma_wait3A_96, %dma_wait3A_97] : memref<50048x32xf32, #tpu.memory_space<hbm>> -> memref<50048x32xf32, #tpu.memory_space<hbm>>
        tpu.wait_indirect_dma semaphore(%arg13 : memref<!tpu.dma_semaphore, #tpu.memory_space<semaphore_mem>>) src(%dma_wait3A_98 : memref<50048x32xf32, #tpu.memory_space<hbm>>) dst(%arg10 : memref<256x32xf32, #tpu.memory_space<vmem>>)
      } else {
      }
      %eq3A_55 = arith.constant 1 : i32
      %eq3A_56 = arith.cmpi eq, %arg0, %eq3A_55 : i32
      %convert_element_type3A_57 = arith.extui %eq3A_56 : i1 to i32
      %cond3A_58 = arith.constant 0 : i32
      %cond3A_59 = arith.cmpi ne, %convert_element_type3A_57, %cond3A_58 : i32
      scf.if %cond3A_59 {
        %dma_wait3A = arith.constant 0 : i32
        %dma_wait3A_93 = arith.constant 0 : i32
        %dma_wait3A_94 = tpu.memref_slice %arg8[%dma_wait3A, %dma_wait3A_93] : memref<2x256xi32, #tpu.memory_space<vmem>> -> memref<1x256xi32, #tpu.memory_space<vmem>>
        %dma_wait3A_95 = tpu.memref_squeeze %dma_wait3A_94 : memref<1x256xi32, #tpu.memory_space<vmem>> -> memref<256xi32, #tpu.memory_space<vmem>>
        %dma_wait3A_96 = arith.constant 0 : i32
        %dma_wait3A_97 = arith.constant 0 : i32
        %dma_wait3A_98 = tpu.memref_slice %arg3[%dma_wait3A_96, %dma_wait3A_97] : memref<50048x32xf32, #tpu.memory_space<hbm>> -> memref<50048x32xf32, #tpu.memory_space<hbm>>
        tpu.wait_indirect_dma semaphore(%arg13 : memref<!tpu.dma_semaphore, #tpu.memory_space<semaphore_mem>>) src(%dma_wait3A_98 : memref<50048x32xf32, #tpu.memory_space<hbm>>) dst(%arg10 : memref<256x32xf32, #tpu.memory_space<vmem>>)
      } else {
      }
      %eq3A_60 = arith.constant 0 : i32
      %eq3A_61 = arith.cmpi eq, %arg0, %eq3A_60 : i32
      %convert_element_type3A_62 = arith.extui %eq3A_61 : i1 to i32
      %cond3A_63 = arith.constant 0 : i32
      %cond3A_64 = arith.cmpi ne, %convert_element_type3A_62, %cond3A_63 : i32
      scf.if %cond3A_64 {
        %dma_start3A = arith.constant 0 : i32
        %dma_start3A_93 = arith.constant 0 : i32
        %dma_start3A_94 = tpu.memref_slice %arg9[%dma_start3A, %dma_start3A_93] : memref<2x256xi32, #tpu.memory_space<vmem>> -> memref<1x256xi32, #tpu.memory_space<vmem>>
        %dma_start3A_95 = tpu.memref_squeeze %dma_start3A_94 : memref<1x256xi32, #tpu.memory_space<vmem>> -> memref<256xi32, #tpu.memory_space<vmem>>
        %dma_start3A_96 = arith.constant 0 : i32
        %dma_start3A_97 = arith.constant 0 : i32
        %dma_start3A_98 = tpu.memref_slice %arg2[%dma_start3A_96, %dma_start3A_97] : memref<50048x32xf32, #tpu.memory_space<hbm>> -> memref<50048x32xf32, #tpu.memory_space<hbm>>
        tpu.enqueue_indirect_dma source(%dma_start3A_98 : memref<50048x32xf32, #tpu.memory_space<hbm>>) target(%arg11 : memref<256x32xf32, #tpu.memory_space<vmem>>) offsets(%dma_start3A_95 : memref<256xi32, #tpu.memory_space<vmem>>) semaphore(%arg14 : memref<!tpu.dma_semaphore, #tpu.memory_space<semaphore_mem>>)
      } else {
      }
      %eq3A_65 = arith.constant 1 : i32
      %eq3A_66 = arith.cmpi eq, %arg0, %eq3A_65 : i32
      %convert_element_type3A_67 = arith.extui %eq3A_66 : i1 to i32
      %cond3A_68 = arith.constant 0 : i32
      %cond3A_69 = arith.cmpi ne, %convert_element_type3A_67, %cond3A_68 : i32
      scf.if %cond3A_69 {
        %dma_start3A = arith.constant 0 : i32
        %dma_start3A_93 = arith.constant 0 : i32
        %dma_start3A_94 = tpu.memref_slice %arg9[%dma_start3A, %dma_start3A_93] : memref<2x256xi32, #tpu.memory_space<vmem>> -> memref<1x256xi32, #tpu.memory_space<vmem>>
        %dma_start3A_95 = tpu.memref_squeeze %dma_start3A_94 : memref<1x256xi32, #tpu.memory_space<vmem>> -> memref<256xi32, #tpu.memory_space<vmem>>
        %dma_start3A_96 = arith.constant 0 : i32
        %dma_start3A_97 = arith.constant 0 : i32
        %dma_start3A_98 = tpu.memref_slice %arg3[%dma_start3A_96, %dma_start3A_97] : memref<50048x32xf32, #tpu.memory_space<hbm>> -> memref<50048x32xf32, #tpu.memory_space<hbm>>
        tpu.enqueue_indirect_dma source(%dma_start3A_98 : memref<50048x32xf32, #tpu.memory_space<hbm>>) target(%arg11 : memref<256x32xf32, #tpu.memory_space<vmem>>) offsets(%dma_start3A_95 : memref<256xi32, #tpu.memory_space<vmem>>) semaphore(%arg14 : memref<!tpu.dma_semaphore, #tpu.memory_space<semaphore_mem>>)
      } else {
      }
      %run_scoped3A = arith.constant 1 : i32
      "tpu.region"() ({
        %run_scoped3A_93 = tpu.sem_alloc : memref<!tpu.dma_semaphore, #tpu.memory_space<semaphore_mem>>
        %dma_start3A = arith.constant 0 : i32
        %dma_start3A_94 = tpu.memref_slice %arg8[%run_scoped3A, %dma_start3A] : memref<2x256xi32, #tpu.memory_space<vmem>> -> memref<1x256xi32, #tpu.memory_space<vmem>>
        %dma_start3A_95 = tpu.memref_squeeze %dma_start3A_94 : memref<1x256xi32, #tpu.memory_space<vmem>> -> memref<256xi32, #tpu.memory_space<vmem>>
        %dma_start3A_96 = arith.constant 0 : i32
        %dma_start3A_97 = arith.constant 0 : i32
        %dma_start3A_98 = tpu.memref_slice %arg12[%dma_start3A_96, %dma_start3A_97] : memref<50048x32xf32, #tpu.memory_space<vmem_shared>> -> memref<50048x32xf32, #tpu.memory_space<vmem_shared>>
        tpu.enqueue_indirect_dma source(%arg10 : memref<256x32xf32, #tpu.memory_space<vmem>>) target(%dma_start3A_98 : memref<50048x32xf32, #tpu.memory_space<vmem_shared>>) offsets(%dma_start3A_95 : memref<256xi32, #tpu.memory_space<vmem>>) semaphore(%run_scoped3A_93 : memref<!tpu.dma_semaphore, #tpu.memory_space<semaphore_mem>>) {add = true}
        %dma_wait3A = arith.constant 0 : i32
        %dma_wait3A_99 = tpu.memref_slice %arg8[%run_scoped3A, %dma_wait3A] : memref<2x256xi32, #tpu.memory_space<vmem>> -> memref<1x256xi32, #tpu.memory_space<vmem>>
        %dma_wait3A_100 = tpu.memref_squeeze %dma_wait3A_99 : memref<1x256xi32, #tpu.memory_space<vmem>> -> memref<256xi32, #tpu.memory_space<vmem>>
        %dma_wait3A_101 = arith.constant 0 : i32
        %dma_wait3A_102 = arith.constant 0 : i32
        %dma_wait3A_103 = tpu.memref_slice %arg12[%dma_wait3A_101, %dma_wait3A_102] : memref<50048x32xf32, #tpu.memory_space<vmem_shared>> -> memref<50048x32xf32, #tpu.memory_space<vmem_shared>>
        tpu.wait_indirect_dma semaphore(%run_scoped3A_93 : memref<!tpu.dma_semaphore, #tpu.memory_space<semaphore_mem>>) src(%arg10 : memref<256x32xf32, #tpu.memory_space<vmem>>) dst(%dma_wait3A_103 : memref<50048x32xf32, #tpu.memory_space<vmem_shared>>)
        tpu.yield
      }) : () -> ()
      %mul3A_70 = arith.constant 256 : i32
      %mul3A_71 = arith.muli %min3A, %mul3A_70 : i32
      "tpu.region"() ({
        %run_scoped3A_93 = tpu.sem_alloc : memref<!tpu.dma_semaphore, #tpu.memory_space<semaphore_mem>>
        %dma_start3A = arith.constant 0 : i32
        %dma_start3A_94 = tpu.memref_slice %arg4[%dma_start3A, %mul3A_71] : memref<2x819200xi32, #tpu.memory_space<hbm>> -> memref<2x256xi32, #tpu.memory_space<hbm>>
        %dma_start3A_95 = arith.constant 0 : i32
        %dma_start3A_96 = tpu.memref_slice %arg4[%dma_start3A_95, %mul3A_71] : memref<2x819200xi32, #tpu.memory_space<hbm>> -> memref<2x256xi32, #tpu.memory_space<hbm>>
        tpu.enqueue_dma source(%dma_start3A_96 : memref<2x256xi32, #tpu.memory_space<hbm>>) target(%arg8 : memref<2x256xi32, #tpu.memory_space<vmem>>) target_semaphore(%run_scoped3A_93 : memref<!tpu.dma_semaphore, #tpu.memory_space<semaphore_mem>>)
        %dma_wait3A = arith.constant 0 : i32
        %dma_wait3A_97 = tpu.memref_slice %arg4[%dma_wait3A, %mul3A_71] : memref<2x819200xi32, #tpu.memory_space<hbm>> -> memref<2x256xi32, #tpu.memory_space<hbm>>
        %dma_wait3A_98 = arith.constant 0 : i32
        %dma_wait3A_99 = tpu.memref_slice %arg4[%dma_wait3A_98, %mul3A_71] : memref<2x819200xi32, #tpu.memory_space<hbm>> -> memref<2x256xi32, #tpu.memory_space<hbm>>
        tpu.wait_dma2 semaphore(%run_scoped3A_93 : memref<!tpu.dma_semaphore, #tpu.memory_space<semaphore_mem>>) src(%dma_wait3A_99 : memref<2x256xi32, #tpu.memory_space<hbm>>) dst(%arg8 : memref<2x256xi32, #tpu.memory_space<vmem>>)
        tpu.yield
      }) : () -> ()
      %eq3A_72 = arith.constant 0 : i32
      %eq3A_73 = arith.cmpi eq, %arg0, %eq3A_72 : i32
      %convert_element_type3A_74 = arith.extui %eq3A_73 : i1 to i32
      %cond3A_75 = arith.constant 0 : i32
      %cond3A_76 = arith.cmpi ne, %convert_element_type3A_74, %cond3A_75 : i32
      scf.if %cond3A_76 {
        %dma_wait3A = arith.constant 0 : i32
        %dma_wait3A_93 = arith.constant 0 : i32
        %dma_wait3A_94 = tpu.memref_slice %arg9[%dma_wait3A, %dma_wait3A_93] : memref<2x256xi32, #tpu.memory_space<vmem>> -> memref<1x256xi32, #tpu.memory_space<vmem>>
        %dma_wait3A_95 = tpu.memref_squeeze %dma_wait3A_94 : memref<1x256xi32, #tpu.memory_space<vmem>> -> memref<256xi32, #tpu.memory_space<vmem>>
        %dma_wait3A_96 = arith.constant 0 : i32
        %dma_wait3A_97 = arith.constant 0 : i32
        %dma_wait3A_98 = tpu.memref_slice %arg2[%dma_wait3A_96, %dma_wait3A_97] : memref<50048x32xf32, #tpu.memory_space<hbm>> -> memref<50048x32xf32, #tpu.memory_space<hbm>>
        tpu.wait_indirect_dma semaphore(%arg14 : memref<!tpu.dma_semaphore, #tpu.memory_space<semaphore_mem>>) src(%dma_wait3A_98 : memref<50048x32xf32, #tpu.memory_space<hbm>>) dst(%arg11 : memref<256x32xf32, #tpu.memory_space<vmem>>)
      } else {
      }
      %eq3A_77 = arith.constant 1 : i32
      %eq3A_78 = arith.cmpi eq, %arg0, %eq3A_77 : i32
      %convert_element_type3A_79 = arith.extui %eq3A_78 : i1 to i32
      %cond3A_80 = arith.constant 0 : i32
      %cond3A_81 = arith.cmpi ne, %convert_element_type3A_79, %cond3A_80 : i32
      scf.if %cond3A_81 {
        %dma_wait3A = arith.constant 0 : i32
        %dma_wait3A_93 = arith.constant 0 : i32
        %dma_wait3A_94 = tpu.memref_slice %arg9[%dma_wait3A, %dma_wait3A_93] : memref<2x256xi32, #tpu.memory_space<vmem>> -> memref<1x256xi32, #tpu.memory_space<vmem>>
        %dma_wait3A_95 = tpu.memref_squeeze %dma_wait3A_94 : memref<1x256xi32, #tpu.memory_space<vmem>> -> memref<256xi32, #tpu.memory_space<vmem>>
        %dma_wait3A_96 = arith.constant 0 : i32
        %dma_wait3A_97 = arith.constant 0 : i32
        %dma_wait3A_98 = tpu.memref_slice %arg3[%dma_wait3A_96, %dma_wait3A_97] : memref<50048x32xf32, #tpu.memory_space<hbm>> -> memref<50048x32xf32, #tpu.memory_space<hbm>>
        tpu.wait_indirect_dma semaphore(%arg14 : memref<!tpu.dma_semaphore, #tpu.memory_space<semaphore_mem>>) src(%dma_wait3A_98 : memref<50048x32xf32, #tpu.memory_space<hbm>>) dst(%arg11 : memref<256x32xf32, #tpu.memory_space<vmem>>)
      } else {
      }
      %eq3A_82 = arith.constant 0 : i32
      %eq3A_83 = arith.cmpi eq, %arg0, %eq3A_82 : i32
      %convert_element_type3A_84 = arith.extui %eq3A_83 : i1 to i32
      %cond3A_85 = arith.constant 0 : i32
      %cond3A_86 = arith.cmpi ne, %convert_element_type3A_84, %cond3A_85 : i32
      scf.if %cond3A_86 {
        %dma_start3A = arith.constant 0 : i32
        %dma_start3A_93 = arith.constant 0 : i32
        %dma_start3A_94 = tpu.memref_slice %arg8[%dma_start3A, %dma_start3A_93] : memref<2x256xi32, #tpu.memory_space<vmem>> -> memref<1x256xi32, #tpu.memory_space<vmem>>
        %dma_start3A_95 = tpu.memref_squeeze %dma_start3A_94 : memref<1x256xi32, #tpu.memory_space<vmem>> -> memref<256xi32, #tpu.memory_space<vmem>>
        %dma_start3A_96 = arith.constant 0 : i32
        %dma_start3A_97 = arith.constant 0 : i32
        %dma_start3A_98 = tpu.memref_slice %arg2[%dma_start3A_96, %dma_start3A_97] : memref<50048x32xf32, #tpu.memory_space<hbm>> -> memref<50048x32xf32, #tpu.memory_space<hbm>>
        tpu.enqueue_indirect_dma source(%dma_start3A_98 : memref<50048x32xf32, #tpu.memory_space<hbm>>) target(%arg10 : memref<256x32xf32, #tpu.memory_space<vmem>>) offsets(%dma_start3A_95 : memref<256xi32, #tpu.memory_space<vmem>>) semaphore(%arg13 : memref<!tpu.dma_semaphore, #tpu.memory_space<semaphore_mem>>)
      } else {
      }
      %eq3A_87 = arith.constant 1 : i32
      %eq3A_88 = arith.cmpi eq, %arg0, %eq3A_87 : i32
      %convert_element_type3A_89 = arith.extui %eq3A_88 : i1 to i32
      %cond3A_90 = arith.constant 0 : i32
      %cond3A_91 = arith.cmpi ne, %convert_element_type3A_89, %cond3A_90 : i32
      scf.if %cond3A_91 {
        %dma_start3A = arith.constant 0 : i32
        %dma_start3A_93 = arith.constant 0 : i32
        %dma_start3A_94 = tpu.memref_slice %arg8[%dma_start3A, %dma_start3A_93] : memref<2x256xi32, #tpu.memory_space<vmem>> -> memref<1x256xi32, #tpu.memory_space<vmem>>
        %dma_start3A_95 = tpu.memref_squeeze %dma_start3A_94 : memref<1x256xi32, #tpu.memory_space<vmem>> -> memref<256xi32, #tpu.memory_space<vmem>>
        %dma_start3A_96 = arith.constant 0 : i32
        %dma_start3A_97 = arith.constant 0 : i32
        %dma_start3A_98 = tpu.memref_slice %arg3[%dma_start3A_96, %dma_start3A_97] : memref<50048x32xf32, #tpu.memory_space<hbm>> -> memref<50048x32xf32, #tpu.memory_space<hbm>>
        tpu.enqueue_indirect_dma source(%dma_start3A_98 : memref<50048x32xf32, #tpu.memory_space<hbm>>) target(%arg10 : memref<256x32xf32, #tpu.memory_space<vmem>>) offsets(%dma_start3A_95 : memref<256xi32, #tpu.memory_space<vmem>>) semaphore(%arg13 : memref<!tpu.dma_semaphore, #tpu.memory_space<semaphore_mem>>)
      } else {
      }
      %run_scoped3A_92 = arith.constant 1 : i32
      "tpu.region"() ({
        %run_scoped3A_93 = tpu.sem_alloc : memref<!tpu.dma_semaphore, #tpu.memory_space<semaphore_mem>>
        %dma_start3A = arith.constant 0 : i32
        %dma_start3A_94 = tpu.memref_slice %arg9[%run_scoped3A_92, %dma_start3A] : memref<2x256xi32, #tpu.memory_space<vmem>> -> memref<1x256xi32, #tpu.memory_space<vmem>>
        %dma_start3A_95 = tpu.memref_squeeze %dma_start3A_94 : memref<1x256xi32, #tpu.memory_space<vmem>> -> memref<256xi32, #tpu.memory_space<vmem>>
        %dma_start3A_96 = arith.constant 0 : i32
        %dma_start3A_97 = arith.constant 0 : i32
        %dma_start3A_98 = tpu.memref_slice %arg12[%dma_start3A_96, %dma_start3A_97] : memref<50048x32xf32, #tpu.memory_space<vmem_shared>> -> memref<50048x32xf32, #tpu.memory_space<vmem_shared>>
        tpu.enqueue_indirect_dma source(%arg11 : memref<256x32xf32, #tpu.memory_space<vmem>>) target(%dma_start3A_98 : memref<50048x32xf32, #tpu.memory_space<vmem_shared>>) offsets(%dma_start3A_95 : memref<256xi32, #tpu.memory_space<vmem>>) semaphore(%run_scoped3A_93 : memref<!tpu.dma_semaphore, #tpu.memory_space<semaphore_mem>>) {add = true}
        %dma_wait3A = arith.constant 0 : i32
        %dma_wait3A_99 = tpu.memref_slice %arg9[%run_scoped3A_92, %dma_wait3A] : memref<2x256xi32, #tpu.memory_space<vmem>> -> memref<1x256xi32, #tpu.memory_space<vmem>>
        %dma_wait3A_100 = tpu.memref_squeeze %dma_wait3A_99 : memref<1x256xi32, #tpu.memory_space<vmem>> -> memref<256xi32, #tpu.memory_space<vmem>>
        %dma_wait3A_101 = arith.constant 0 : i32
        %dma_wait3A_102 = arith.constant 0 : i32
        %dma_wait3A_103 = tpu.memref_slice %arg12[%dma_wait3A_101, %dma_wait3A_102] : memref<50048x32xf32, #tpu.memory_space<vmem_shared>> -> memref<50048x32xf32, #tpu.memory_space<vmem_shared>>
        tpu.wait_indirect_dma semaphore(%run_scoped3A_93 : memref<!tpu.dma_semaphore, #tpu.memory_space<semaphore_mem>>) src(%arg11 : memref<256x32xf32, #tpu.memory_space<vmem>>) dst(%dma_wait3A_103 : memref<50048x32xf32, #tpu.memory_space<vmem_shared>>)
        tpu.yield
      }) : () -> ()
    }
    %scan3A_16 = arith.constant 100 : i32
    %eq3A_17 = arith.constant 0 : i32
    %eq3A_18 = arith.cmpi eq, %arg0, %eq3A_17 : i32
    %convert_element_type3A_19 = arith.extui %eq3A_18 : i1 to i32
    %cond3A_20 = arith.constant 0 : i32
    %cond3A_21 = arith.cmpi ne, %convert_element_type3A_19, %cond3A_20 : i32
    scf.if %cond3A_21 {
      %dma_wait3A = arith.constant 0 : i32
      %dma_wait3A_38 = arith.constant 0 : i32
      %dma_wait3A_39 = tpu.memref_slice %arg8[%dma_wait3A, %dma_wait3A_38] : memref<2x256xi32, #tpu.memory_space<vmem>> -> memref<1x256xi32, #tpu.memory_space<vmem>>
      %dma_wait3A_40 = tpu.memref_squeeze %dma_wait3A_39 : memref<1x256xi32, #tpu.memory_space<vmem>> -> memref<256xi32, #tpu.memory_space<vmem>>
      %dma_wait3A_41 = arith.constant 0 : i32
      %dma_wait3A_42 = arith.constant 0 : i32
      %dma_wait3A_43 = tpu.memref_slice %arg2[%dma_wait3A_41, %dma_wait3A_42] : memref<50048x32xf32, #tpu.memory_space<hbm>> -> memref<50048x32xf32, #tpu.memory_space<hbm>>
      tpu.wait_indirect_dma semaphore(%arg13 : memref<!tpu.dma_semaphore, #tpu.memory_space<semaphore_mem>>) src(%dma_wait3A_43 : memref<50048x32xf32, #tpu.memory_space<hbm>>) dst(%arg10 : memref<256x32xf32, #tpu.memory_space<vmem>>)
    } else {
    }
    %eq3A_22 = arith.constant 1 : i32
    %eq3A_23 = arith.cmpi eq, %arg0, %eq3A_22 : i32
    %convert_element_type3A_24 = arith.extui %eq3A_23 : i1 to i32
    %cond3A_25 = arith.constant 0 : i32
    %cond3A_26 = arith.cmpi ne, %convert_element_type3A_24, %cond3A_25 : i32
    scf.if %cond3A_26 {
      %dma_wait3A = arith.constant 0 : i32
      %dma_wait3A_38 = arith.constant 0 : i32
      %dma_wait3A_39 = tpu.memref_slice %arg8[%dma_wait3A, %dma_wait3A_38] : memref<2x256xi32, #tpu.memory_space<vmem>> -> memref<1x256xi32, #tpu.memory_space<vmem>>
      %dma_wait3A_40 = tpu.memref_squeeze %dma_wait3A_39 : memref<1x256xi32, #tpu.memory_space<vmem>> -> memref<256xi32, #tpu.memory_space<vmem>>
      %dma_wait3A_41 = arith.constant 0 : i32
      %dma_wait3A_42 = arith.constant 0 : i32
      %dma_wait3A_43 = tpu.memref_slice %arg3[%dma_wait3A_41, %dma_wait3A_42] : memref<50048x32xf32, #tpu.memory_space<hbm>> -> memref<50048x32xf32, #tpu.memory_space<hbm>>
      tpu.wait_indirect_dma semaphore(%arg13 : memref<!tpu.dma_semaphore, #tpu.memory_space<semaphore_mem>>) src(%dma_wait3A_43 : memref<50048x32xf32, #tpu.memory_space<hbm>>) dst(%arg10 : memref<256x32xf32, #tpu.memory_space<vmem>>)
    } else {
    }
    %barrier3A_27 = arith.constant 0 : index
    tpu.barrier barrier_id(%barrier3A_27)
    %eq3A_28 = arith.constant 0 : i32
    %eq3A_29 = arith.cmpi eq, %arg0, %eq3A_28 : i32
    %convert_element_type3A_30 = arith.extui %eq3A_29 : i1 to i32
    %cond3A_31 = arith.constant 0 : i32
    %cond3A_32 = arith.cmpi ne, %convert_element_type3A_30, %cond3A_31 : i32
    scf.if %cond3A_32 {
      "tpu.region"() ({
        %run_scoped3A = tpu.sem_alloc : memref<!tpu.dma_semaphore, #tpu.memory_space<semaphore_mem>>
        %dma_start3A = arith.constant 0 : i32
        %dma_start3A_38 = tpu.memref_slice %arg6[%mul3A_0, %dma_start3A] : memref<50048x32xf32, #tpu.memory_space<hbm>> -> memref<3128x32xf32, #tpu.memory_space<hbm>>
        %dma_start3A_39 = arith.constant 0 : i32
        %dma_start3A_40 = tpu.memref_slice %arg12[%mul3A_0, %dma_start3A_39] : memref<50048x32xf32, #tpu.memory_space<vmem_shared>> -> memref<3128x32xf32, #tpu.memory_space<vmem_shared>>
        tpu.enqueue_dma source(%dma_start3A_40 : memref<3128x32xf32, #tpu.memory_space<vmem_shared>>) target(%dma_start3A_38 : memref<3128x32xf32, #tpu.memory_space<hbm>>) target_semaphore(%run_scoped3A : memref<!tpu.dma_semaphore, #tpu.memory_space<semaphore_mem>>)
        %dma_wait3A = arith.constant 0 : i32
        %dma_wait3A_41 = tpu.memref_slice %arg6[%mul3A_0, %dma_wait3A] : memref<50048x32xf32, #tpu.memory_space<hbm>> -> memref<3128x32xf32, #tpu.memory_space<hbm>>
        %dma_wait3A_42 = arith.constant 0 : i32
        %dma_wait3A_43 = tpu.memref_slice %arg12[%mul3A_0, %dma_wait3A_42] : memref<50048x32xf32, #tpu.memory_space<vmem_shared>> -> memref<3128x32xf32, #tpu.memory_space<vmem_shared>>
        tpu.wait_dma2 semaphore(%run_scoped3A : memref<!tpu.dma_semaphore, #tpu.memory_space<semaphore_mem>>) src(%dma_wait3A_43 : memref<3128x32xf32, #tpu.memory_space<vmem_shared>>) dst(%dma_wait3A_41 : memref<3128x32xf32, #tpu.memory_space<hbm>>)
        tpu.yield
      }) : () -> ()
    } else {
    }
    %eq3A_33 = arith.constant 1 : i32
    %eq3A_34 = arith.cmpi eq, %arg0, %eq3A_33 : i32
    %convert_element_type3A_35 = arith.extui %eq3A_34 : i1 to i32
    %cond3A_36 = arith.constant 0 : i32
    %cond3A_37 = arith.cmpi ne, %convert_element_type3A_35, %cond3A_36 : i32
    scf.if %cond3A_37 {
      "tpu.region"() ({
        %run_scoped3A = tpu.sem_alloc : memref<!tpu.dma_semaphore, #tpu.memory_space<semaphore_mem>>
        %dma_start3A = arith.constant 0 : i32
        %dma_start3A_38 = tpu.memref_slice %arg7[%mul3A_0, %dma_start3A] : memref<50048x32xf32, #tpu.memory_space<hbm>> -> memref<3128x32xf32, #tpu.memory_space<hbm>>
        %dma_start3A_39 = arith.constant 0 : i32
        %dma_start3A_40 = tpu.memref_slice %arg12[%mul3A_0, %dma_start3A_39] : memref<50048x32xf32, #tpu.memory_space<vmem_shared>> -> memref<3128x32xf32, #tpu.memory_space<vmem_shared>>
        tpu.enqueue_dma source(%dma_start3A_40 : memref<3128x32xf32, #tpu.memory_space<vmem_shared>>) target(%dma_start3A_38 : memref<3128x32xf32, #tpu.memory_space<hbm>>) target_semaphore(%run_scoped3A : memref<!tpu.dma_semaphore, #tpu.memory_space<semaphore_mem>>)
        %dma_wait3A = arith.constant 0 : i32
        %dma_wait3A_41 = tpu.memref_slice %arg7[%mul3A_0, %dma_wait3A] : memref<50048x32xf32, #tpu.memory_space<hbm>> -> memref<3128x32xf32, #tpu.memory_space<hbm>>
        %dma_wait3A_42 = arith.constant 0 : i32
        %dma_wait3A_43 = tpu.memref_slice %arg12[%mul3A_0, %dma_wait3A_42] : memref<50048x32xf32, #tpu.memory_space<vmem_shared>> -> memref<3128x32xf32, #tpu.memory_space<vmem_shared>>
        tpu.wait_dma2 semaphore(%run_scoped3A : memref<!tpu.dma_semaphore, #tpu.memory_space<semaphore_mem>>) src(%dma_wait3A_43 : memref<3128x32xf32, #tpu.memory_space<vmem_shared>>) dst(%dma_wait3A_41 : memref<3128x32xf32, #tpu.memory_space<hbm>>)
        tpu.yield
      }) : () -> ()
    } else {
    }
    return
  }
}

#map = affine_map<(d0, d1) -> (0, 0)>
module attributes {stable_mosaic.version = 14 : i64} {
  func.func @run(%arg0: i32, %arg1: i32, %arg2: memref<50048x32xf32, #tpu.memory_space<hbm>>, %arg3: memref<50048x32xf32, #tpu.memory_space<hbm>>, %arg4: memref<2x819200xi32, #tpu.memory_space<hbm>>, %arg5: memref<3128x32xf32, #tpu.memory_space<hbm>>, %arg6: memref<50048x32xf32, #tpu.memory_space<hbm>>, %arg7: memref<50048x32xf32, #tpu.memory_space<hbm>>, %arg8: memref<2x256xi32, #tpu.memory_space<vmem>>, %arg9: memref<2x256xi32, #tpu.memory_space<vmem>>, %arg10: memref<256x32xf32, #tpu.memory_space<vmem>>, %arg11: memref<256x32xf32, #tpu.memory_space<vmem>>, %arg12: memref<50048x32xf32, #tpu.memory_space<vmem_shared>>, %arg13: memref<!tpu.dma_semaphore, #tpu.memory_space<semaphore_mem>>, %arg14: memref<!tpu.dma_semaphore, #tpu.memory_space<semaphore_mem>>) attributes {dimension_semantics = [#tpu.dimension_semantics<core_parallel>, #tpu.dimension_semantics<subcore_parallel>], iteration_bounds = array<i64: 2, 16>, scalar_prefetch = 0 : i64, scratch_operands = 7 : i64, tpu.core_type = #tpu.core_type<sc_vector_subcore>, window_params = [{transform_indices = #map}, {transform_indices = #map}, {transform_indices = #map}, {transform_indices = #map}, {transform_indices = #map}, {transform_indices = #map}]} {
    %mul3A = arith.constant 3128 : i32
    %mul3A_0 = arith.muli %arg1, %mul3A : i32
    %mul3A_1 = arith.constant 200 : i32
    %mul3A_2 = arith.muli %arg1, %mul3A_1 : i32
    "tpu.region"() ({
      %run_scoped3A = tpu.sem_alloc : memref<!tpu.dma_semaphore, #tpu.memory_space<semaphore_mem>>
      %dma_start3A = arith.constant 0 : i32
      %dma_start3A_38 = tpu.memref_slice %arg12[%mul3A_0, %dma_start3A] : memref<50048x32xf32, #tpu.memory_space<vmem_shared>> -> memref<3128x32xf32, #tpu.memory_space<vmem_shared>>
      tpu.enqueue_dma source(%arg5 : memref<3128x32xf32, #tpu.memory_space<hbm>>) target(%dma_start3A_38 : memref<3128x32xf32, #tpu.memory_space<vmem_shared>>) target_semaphore(%run_scoped3A : memref<!tpu.dma_semaphore, #tpu.memory_space<semaphore_mem>>)
      %dma_wait3A = arith.constant 0 : i32
      %dma_wait3A_39 = tpu.memref_slice %arg12[%mul3A_0, %dma_wait3A] : memref<50048x32xf32, #tpu.memory_space<vmem_shared>> -> memref<3128x32xf32, #tpu.memory_space<vmem_shared>>
      tpu.wait_dma2 semaphore(%run_scoped3A : memref<!tpu.dma_semaphore, #tpu.memory_space<semaphore_mem>>) src(%arg5 : memref<3128x32xf32, #tpu.memory_space<hbm>>) dst(%dma_wait3A_39 : memref<3128x32xf32, #tpu.memory_space<vmem_shared>>)
      tpu.yield
    }) : () -> ()
    %barrier3A = arith.constant 0 : index
    tpu.barrier barrier_id(%barrier3A)
    %mul3A_3 = arith.constant 256 : i32
    %mul3A_4 = arith.muli %mul3A_2, %mul3A_3 : i32
    "tpu.region"() ({
      %run_scoped3A = tpu.sem_alloc : memref<!tpu.dma_semaphore, #tpu.memory_space<semaphore_mem>>
      %dma_start3A = arith.constant 0 : i32
      %dma_start3A_38 = tpu.memref_slice %arg4[%dma_start3A, %mul3A_4] : memref<2x819200xi32, #tpu.memory_space<hbm>> -> memref<2x256xi32, #tpu.memory_space<hbm>>
      %dma_start3A_39 = arith.constant 0 : i32
      %dma_start3A_40 = tpu.memref_slice %arg4[%dma_start3A_39, %mul3A_4] : memref<2x819200xi32, #tpu.memory_space<hbm>> -> memref<2x256xi32, #tpu.memory_space<hbm>>
      tpu.enqueue_dma source(%dma_start3A_40 : memref<2x256xi32, #tpu.memory_space<hbm>>) target(%arg8 : memref<2x256xi32, #tpu.memory_space<vmem>>) target_semaphore(%run_scoped3A : memref<!tpu.dma_semaphore, #tpu.memory_space<semaphore_mem>>)
      %dma_wait3A = arith.constant 0 : i32
      %dma_wait3A_41 = tpu.memref_slice %arg4[%dma_wait3A, %mul3A_4] : memref<2x819200xi32, #tpu.memory_space<hbm>> -> memref<2x256xi32, #tpu.memory_space<hbm>>
      %dma_wait3A_42 = arith.constant 0 : i32
      %dma_wait3A_43 = tpu.memref_slice %arg4[%dma_wait3A_42, %mul3A_4] : memref<2x819200xi32, #tpu.memory_space<hbm>> -> memref<2x256xi32, #tpu.memory_space<hbm>>
      tpu.wait_dma2 semaphore(%run_scoped3A : memref<!tpu.dma_semaphore, #tpu.memory_space<semaphore_mem>>) src(%dma_wait3A_43 : memref<2x256xi32, #tpu.memory_space<hbm>>) dst(%arg8 : memref<2x256xi32, #tpu.memory_space<vmem>>)
      tpu.yield
    }) : () -> ()
    %eq3A = arith.constant 0 : i32
    %eq3A_5 = arith.cmpi eq, %arg0, %eq3A : i32
    %convert_element_type3A = arith.extui %eq3A_5 : i1 to i32
    %cond3A = arith.constant 0 : i32
    %cond3A_6 = arith.cmpi ne, %convert_element_type3A, %cond3A : i32
    scf.if %cond3A_6 {
      %dma_start3A = arith.constant 0 : i32
      %dma_start3A_38 = arith.constant 0 : i32
      %dma_start3A_39 = tpu.memref_slice %arg8[%dma_start3A, %dma_start3A_38] : memref<2x256xi32, #tpu.memory_space<vmem>> -> memref<1x256xi32, #tpu.memory_space<vmem>>
      %dma_start3A_40 = tpu.memref_squeeze %dma_start3A_39 : memref<1x256xi32, #tpu.memory_space<vmem>> -> memref<256xi32, #tpu.memory_space<vmem>>
      %dma_start3A_41 = arith.constant 0 : i32
      %dma_start3A_42 = arith.constant 0 : i32
      %dma_start3A_43 = tpu.memref_slice %arg2[%dma_start3A_41, %dma_start3A_42] : memref<50048x32xf32, #tpu.memory_space<hbm>> -> memref<50048x32xf32, #tpu.memory_space<hbm>>
      tpu.enqueue_indirect_dma source(%dma_start3A_43 : memref<50048x32xf32, #tpu.memory_space<hbm>>) target(%arg10 : memref<256x32xf32, #tpu.memory_space<vmem>>) offsets(%dma_start3A_40 : memref<256xi32, #tpu.memory_space<vmem>>) semaphore(%arg13 : memref<!tpu.dma_semaphore, #tpu.memory_space<semaphore_mem>>)
    } else {
    }
    %eq3A_7 = arith.constant 1 : i32
    %eq3A_8 = arith.cmpi eq, %arg0, %eq3A_7 : i32
    %convert_element_type3A_9 = arith.extui %eq3A_8 : i1 to i32
    %cond3A_10 = arith.constant 0 : i32
    %cond3A_11 = arith.cmpi ne, %convert_element_type3A_9, %cond3A_10 : i32
    scf.if %cond3A_11 {
      %dma_start3A = arith.constant 0 : i32
      %dma_start3A_38 = arith.constant 0 : i32
      %dma_start3A_39 = tpu.memref_slice %arg8[%dma_start3A, %dma_start3A_38] : memref<2x256xi32, #tpu.memory_space<vmem>> -> memref<1x256xi32, #tpu.memory_space<vmem>>
      %dma_start3A_40 = tpu.memref_squeeze %dma_start3A_39 : memref<1x256xi32, #tpu.memory_space<vmem>> -> memref<256xi32, #tpu.memory_space<vmem>>
      %dma_start3A_41 = arith.constant 0 : i32
      %dma_start3A_42 = arith.constant 0 : i32
      %dma_start3A_43 = tpu.memref_slice %arg3[%dma_start3A_41, %dma_start3A_42] : memref<50048x32xf32, #tpu.memory_space<hbm>> -> memref<50048x32xf32, #tpu.memory_space<hbm>>
      tpu.enqueue_indirect_dma source(%dma_start3A_43 : memref<50048x32xf32, #tpu.memory_space<hbm>>) target(%arg10 : memref<256x32xf32, #tpu.memory_space<vmem>>) offsets(%dma_start3A_40 : memref<256xi32, #tpu.memory_space<vmem>>) semaphore(%arg13 : memref<!tpu.dma_semaphore, #tpu.memory_space<semaphore_mem>>)
    } else {
    }
    %scan3A = arith.constant 0 : i32
    %scan3A_12 = arith.constant 0 : i32
    %scan3A_13 = arith.constant 100 : i32
    %scan3A_14 = arith.addi %scan3A_12, %scan3A_13 : i32
    %scan3A_15 = arith.constant 1 : i32
    scf.for %scan3A_38 = %scan3A_12 to %scan3A_14 step %scan3A_15  : i32 {
      %mul3A_39 = arith.constant 2 : i32
      %mul3A_40 = arith.muli %mul3A_39, %scan3A_38 : i32
      %add3A = arith.addi %mul3A_2, %mul3A_40 : i32
      %add3A_41 = arith.constant 1 : i32
      %add3A_42 = arith.addi %add3A, %add3A_41 : i32
      %add3A_43 = arith.constant 1 : i32
      %add3A_44 = arith.addi %add3A_42, %add3A_43 : i32
      %add3A_45 = arith.constant 200 : i32
      %add3A_46 = arith.addi %mul3A_2, %add3A_45 : i32
      %sub3A = arith.constant 1 : i32
      %sub3A_47 = arith.subi %add3A_46, %sub3A : i32
      %min3A = arith.minsi %add3A_44, %sub3A_47 : i32
      %mul3A_48 = arith.constant 256 : i32
      %mul3A_49 = arith.muli %add3A_42, %mul3A_48 : i32
      "tpu.region"() ({
        %run_scoped3A_93 = tpu.sem_alloc : memref<!tpu.dma_semaphore, #tpu.memory_space<semaphore_mem>>
        %dma_start3A = arith.constant 0 : i32
        %dma_start3A_94 = tpu.memref_slice %arg4[%dma_start3A, %mul3A_49] : memref<2x819200xi32, #tpu.memory_space<hbm>> -> memref<2x256xi32, #tpu.memory_space<hbm>>
        %dma_start3A_95 = arith.constant 0 : i32
        %dma_start3A_96 = tpu.memref_slice %arg4[%dma_start3A_95, %mul3A_49] : memref<2x819200xi32, #tpu.memory_space<hbm>> -> memref<2x256xi32, #tpu.memory_space<hbm>>
        tpu.enqueue_dma source(%dma_start3A_96 : memref<2x256xi32, #tpu.memory_space<hbm>>) target(%arg9 : memref<2x256xi32, #tpu.memory_space<vmem>>) target_semaphore(%run_scoped3A_93 : memref<!tpu.dma_semaphore, #tpu.memory_space<semaphore_mem>>)
        %dma_wait3A = arith.constant 0 : i32
        %dma_wait3A_97 = tpu.memref_slice %arg4[%dma_wait3A, %mul3A_49] : memref<2x819200xi32, #tpu.memory_space<hbm>> -> memref<2x256xi32, #tpu.memory_space<hbm>>
        %dma_wait3A_98 = arith.constant 0 : i32
        %dma_wait3A_99 = tpu.memref_slice %arg4[%dma_wait3A_98, %mul3A_49] : memref<2x819200xi32, #tpu.memory_space<hbm>> -> memref<2x256xi32, #tpu.memory_space<hbm>>
        tpu.wait_dma2 semaphore(%run_scoped3A_93 : memref<!tpu.dma_semaphore, #tpu.memory_space<semaphore_mem>>) src(%dma_wait3A_99 : memref<2x256xi32, #tpu.memory_space<hbm>>) dst(%arg9 : memref<2x256xi32, #tpu.memory_space<vmem>>)
        tpu.yield
      }) : () -> ()
      %eq3A_50 = arith.constant 0 : i32
      %eq3A_51 = arith.cmpi eq, %arg0, %eq3A_50 : i32
      %convert_element_type3A_52 = arith.extui %eq3A_51 : i1 to i32
      %cond3A_53 = arith.constant 0 : i32
      %cond3A_54 = arith.cmpi ne, %convert_element_type3A_52, %cond3A_53 : i32
      scf.if %cond3A_54 {
        %dma_wait3A = arith.constant 0 : i32
        %dma_wait3A_93 = arith.constant 0 : i32
        %dma_wait3A_94 = tpu.memref_slice %arg8[%dma_wait3A, %dma_wait3A_93] : memref<2x256xi32, #tpu.memory_space<vmem>> -> memref<1x256xi32, #tpu.memory_space<vmem>>
        %dma_wait3A_95 = tpu.memref_squeeze %dma_wait3A_94 : memref<1x256xi32, #tpu.memory_space<vmem>> -> memref<256xi32, #tpu.memory_space<vmem>>
        %dma_wait3A_96 = arith.constant 0 : i32
        %dma_wait3A_97 = arith.constant 0 : i32
        %dma_wait3A_98 = tpu.memref_slice %arg2[%dma_wait3A_96, %dma_wait3A_97] : memref<50048x32xf32, #tpu.memory_space<hbm>> -> memref<50048x32xf32, #tpu.memory_space<hbm>>
        tpu.wait_indirect_dma semaphore(%arg13 : memref<!tpu.dma_semaphore, #tpu.memory_space<semaphore_mem>>) src(%dma_wait3A_98 : memref<50048x32xf32, #tpu.memory_space<hbm>>) dst(%arg10 : memref<256x32xf32, #tpu.memory_space<vmem>>)
      } else {
      }
      %eq3A_55 = arith.constant 1 : i32
      %eq3A_56 = arith.cmpi eq, %arg0, %eq3A_55 : i32
      %convert_element_type3A_57 = arith.extui %eq3A_56 : i1 to i32
      %cond3A_58 = arith.constant 0 : i32
      %cond3A_59 = arith.cmpi ne, %convert_element_type3A_57, %cond3A_58 : i32
      scf.if %cond3A_59 {
        %dma_wait3A = arith.constant 0 : i32
        %dma_wait3A_93 = arith.constant 0 : i32
        %dma_wait3A_94 = tpu.memref_slice %arg8[%dma_wait3A, %dma_wait3A_93] : memref<2x256xi32, #tpu.memory_space<vmem>> -> memref<1x256xi32, #tpu.memory_space<vmem>>
        %dma_wait3A_95 = tpu.memref_squeeze %dma_wait3A_94 : memref<1x256xi32, #tpu.memory_space<vmem>> -> memref<256xi32, #tpu.memory_space<vmem>>
        %dma_wait3A_96 = arith.constant 0 : i32
        %dma_wait3A_97 = arith.constant 0 : i32
        %dma_wait3A_98 = tpu.memref_slice %arg3[%dma_wait3A_96, %dma_wait3A_97] : memref<50048x32xf32, #tpu.memory_space<hbm>> -> memref<50048x32xf32, #tpu.memory_space<hbm>>
        tpu.wait_indirect_dma semaphore(%arg13 : memref<!tpu.dma_semaphore, #tpu.memory_space<semaphore_mem>>) src(%dma_wait3A_98 : memref<50048x32xf32, #tpu.memory_space<hbm>>) dst(%arg10 : memref<256x32xf32, #tpu.memory_space<vmem>>)
      } else {
      }
      %eq3A_60 = arith.constant 0 : i32
      %eq3A_61 = arith.cmpi eq, %arg0, %eq3A_60 : i32
      %convert_element_type3A_62 = arith.extui %eq3A_61 : i1 to i32
      %cond3A_63 = arith.constant 0 : i32
      %cond3A_64 = arith.cmpi ne, %convert_element_type3A_62, %cond3A_63 : i32
      scf.if %cond3A_64 {
        %dma_start3A = arith.constant 0 : i32
        %dma_start3A_93 = arith.constant 0 : i32
        %dma_start3A_94 = tpu.memref_slice %arg9[%dma_start3A, %dma_start3A_93] : memref<2x256xi32, #tpu.memory_space<vmem>> -> memref<1x256xi32, #tpu.memory_space<vmem>>
        %dma_start3A_95 = tpu.memref_squeeze %dma_start3A_94 : memref<1x256xi32, #tpu.memory_space<vmem>> -> memref<256xi32, #tpu.memory_space<vmem>>
        %dma_start3A_96 = arith.constant 0 : i32
        %dma_start3A_97 = arith.constant 0 : i32
        %dma_start3A_98 = tpu.memref_slice %arg2[%dma_start3A_96, %dma_start3A_97] : memref<50048x32xf32, #tpu.memory_space<hbm>> -> memref<50048x32xf32, #tpu.memory_space<hbm>>
        tpu.enqueue_indirect_dma source(%dma_start3A_98 : memref<50048x32xf32, #tpu.memory_space<hbm>>) target(%arg11 : memref<256x32xf32, #tpu.memory_space<vmem>>) offsets(%dma_start3A_95 : memref<256xi32, #tpu.memory_space<vmem>>) semaphore(%arg14 : memref<!tpu.dma_semaphore, #tpu.memory_space<semaphore_mem>>)
      } else {
      }
      %eq3A_65 = arith.constant 1 : i32
      %eq3A_66 = arith.cmpi eq, %arg0, %eq3A_65 : i32
      %convert_element_type3A_67 = arith.extui %eq3A_66 : i1 to i32
      %cond3A_68 = arith.constant 0 : i32
      %cond3A_69 = arith.cmpi ne, %convert_element_type3A_67, %cond3A_68 : i32
      scf.if %cond3A_69 {
        %dma_start3A = arith.constant 0 : i32
        %dma_start3A_93 = arith.constant 0 : i32
        %dma_start3A_94 = tpu.memref_slice %arg9[%dma_start3A, %dma_start3A_93] : memref<2x256xi32, #tpu.memory_space<vmem>> -> memref<1x256xi32, #tpu.memory_space<vmem>>
        %dma_start3A_95 = tpu.memref_squeeze %dma_start3A_94 : memref<1x256xi32, #tpu.memory_space<vmem>> -> memref<256xi32, #tpu.memory_space<vmem>>
        %dma_start3A_96 = arith.constant 0 : i32
        %dma_start3A_97 = arith.constant 0 : i32
        %dma_start3A_98 = tpu.memref_slice %arg3[%dma_start3A_96, %dma_start3A_97] : memref<50048x32xf32, #tpu.memory_space<hbm>> -> memref<50048x32xf32, #tpu.memory_space<hbm>>
        tpu.enqueue_indirect_dma source(%dma_start3A_98 : memref<50048x32xf32, #tpu.memory_space<hbm>>) target(%arg11 : memref<256x32xf32, #tpu.memory_space<vmem>>) offsets(%dma_start3A_95 : memref<256xi32, #tpu.memory_space<vmem>>) semaphore(%arg14 : memref<!tpu.dma_semaphore, #tpu.memory_space<semaphore_mem>>)
      } else {
      }
      %run_scoped3A = arith.constant 1 : i32
      "tpu.region"() ({
        %run_scoped3A_93 = tpu.sem_alloc : memref<!tpu.dma_semaphore, #tpu.memory_space<semaphore_mem>>
        %dma_start3A = arith.constant 0 : i32
        %dma_start3A_94 = tpu.memref_slice %arg8[%run_scoped3A, %dma_start3A] : memref<2x256xi32, #tpu.memory_space<vmem>> -> memref<1x256xi32, #tpu.memory_space<vmem>>
        %dma_start3A_95 = tpu.memref_squeeze %dma_start3A_94 : memref<1x256xi32, #tpu.memory_space<vmem>> -> memref<256xi32, #tpu.memory_space<vmem>>
        %dma_start3A_96 = arith.constant 0 : i32
        %dma_start3A_97 = arith.constant 0 : i32
        %dma_start3A_98 = tpu.memref_slice %arg12[%dma_start3A_96, %dma_start3A_97] : memref<50048x32xf32, #tpu.memory_space<vmem_shared>> -> memref<50048x32xf32, #tpu.memory_space<vmem_shared>>
        tpu.enqueue_indirect_dma source(%arg10 : memref<256x32xf32, #tpu.memory_space<vmem>>) target(%dma_start3A_98 : memref<50048x32xf32, #tpu.memory_space<vmem_shared>>) offsets(%dma_start3A_95 : memref<256xi32, #tpu.memory_space<vmem>>) semaphore(%run_scoped3A_93 : memref<!tpu.dma_semaphore, #tpu.memory_space<semaphore_mem>>) {add = true}
        %dma_wait3A = arith.constant 0 : i32
        %dma_wait3A_99 = tpu.memref_slice %arg8[%run_scoped3A, %dma_wait3A] : memref<2x256xi32, #tpu.memory_space<vmem>> -> memref<1x256xi32, #tpu.memory_space<vmem>>
        %dma_wait3A_100 = tpu.memref_squeeze %dma_wait3A_99 : memref<1x256xi32, #tpu.memory_space<vmem>> -> memref<256xi32, #tpu.memory_space<vmem>>
        %dma_wait3A_101 = arith.constant 0 : i32
        %dma_wait3A_102 = arith.constant 0 : i32
        %dma_wait3A_103 = tpu.memref_slice %arg12[%dma_wait3A_101, %dma_wait3A_102] : memref<50048x32xf32, #tpu.memory_space<vmem_shared>> -> memref<50048x32xf32, #tpu.memory_space<vmem_shared>>
        tpu.wait_indirect_dma semaphore(%run_scoped3A_93 : memref<!tpu.dma_semaphore, #tpu.memory_space<semaphore_mem>>) src(%arg10 : memref<256x32xf32, #tpu.memory_space<vmem>>) dst(%dma_wait3A_103 : memref<50048x32xf32, #tpu.memory_space<vmem_shared>>)
        tpu.yield
      }) : () -> ()
      %mul3A_70 = arith.constant 256 : i32
      %mul3A_71 = arith.muli %min3A, %mul3A_70 : i32
      "tpu.region"() ({
        %run_scoped3A_93 = tpu.sem_alloc : memref<!tpu.dma_semaphore, #tpu.memory_space<semaphore_mem>>
        %dma_start3A = arith.constant 0 : i32
        %dma_start3A_94 = tpu.memref_slice %arg4[%dma_start3A, %mul3A_71] : memref<2x819200xi32, #tpu.memory_space<hbm>> -> memref<2x256xi32, #tpu.memory_space<hbm>>
        %dma_start3A_95 = arith.constant 0 : i32
        %dma_start3A_96 = tpu.memref_slice %arg4[%dma_start3A_95, %mul3A_71] : memref<2x819200xi32, #tpu.memory_space<hbm>> -> memref<2x256xi32, #tpu.memory_space<hbm>>
        tpu.enqueue_dma source(%dma_start3A_96 : memref<2x256xi32, #tpu.memory_space<hbm>>) target(%arg8 : memref<2x256xi32, #tpu.memory_space<vmem>>) target_semaphore(%run_scoped3A_93 : memref<!tpu.dma_semaphore, #tpu.memory_space<semaphore_mem>>)
        %dma_wait3A = arith.constant 0 : i32
        %dma_wait3A_97 = tpu.memref_slice %arg4[%dma_wait3A, %mul3A_71] : memref<2x819200xi32, #tpu.memory_space<hbm>> -> memref<2x256xi32, #tpu.memory_space<hbm>>
        %dma_wait3A_98 = arith.constant 0 : i32
        %dma_wait3A_99 = tpu.memref_slice %arg4[%dma_wait3A_98, %mul3A_71] : memref<2x819200xi32, #tpu.memory_space<hbm>> -> memref<2x256xi32, #tpu.memory_space<hbm>>
        tpu.wait_dma2 semaphore(%run_scoped3A_93 : memref<!tpu.dma_semaphore, #tpu.memory_space<semaphore_mem>>) src(%dma_wait3A_99 : memref<2x256xi32, #tpu.memory_space<hbm>>) dst(%arg8 : memref<2x256xi32, #tpu.memory_space<vmem>>)
        tpu.yield
      }) : () -> ()
      %eq3A_72 = arith.constant 0 : i32
      %eq3A_73 = arith.cmpi eq, %arg0, %eq3A_72 : i32
      %convert_element_type3A_74 = arith.extui %eq3A_73 : i1 to i32
      %cond3A_75 = arith.constant 0 : i32
      %cond3A_76 = arith.cmpi ne, %convert_element_type3A_74, %cond3A_75 : i32
      scf.if %cond3A_76 {
        %dma_wait3A = arith.constant 0 : i32
        %dma_wait3A_93 = arith.constant 0 : i32
        %dma_wait3A_94 = tpu.memref_slice %arg9[%dma_wait3A, %dma_wait3A_93] : memref<2x256xi32, #tpu.memory_space<vmem>> -> memref<1x256xi32, #tpu.memory_space<vmem>>
        %dma_wait3A_95 = tpu.memref_squeeze %dma_wait3A_94 : memref<1x256xi32, #tpu.memory_space<vmem>> -> memref<256xi32, #tpu.memory_space<vmem>>
        %dma_wait3A_96 = arith.constant 0 : i32
        %dma_wait3A_97 = arith.constant 0 : i32
        %dma_wait3A_98 = tpu.memref_slice %arg2[%dma_wait3A_96, %dma_wait3A_97] : memref<50048x32xf32, #tpu.memory_space<hbm>> -> memref<50048x32xf32, #tpu.memory_space<hbm>>
        tpu.wait_indirect_dma semaphore(%arg14 : memref<!tpu.dma_semaphore, #tpu.memory_space<semaphore_mem>>) src(%dma_wait3A_98 : memref<50048x32xf32, #tpu.memory_space<hbm>>) dst(%arg11 : memref<256x32xf32, #tpu.memory_space<vmem>>)
      } else {
      }
      %eq3A_77 = arith.constant 1 : i32
      %eq3A_78 = arith.cmpi eq, %arg0, %eq3A_77 : i32
      %convert_element_type3A_79 = arith.extui %eq3A_78 : i1 to i32
      %cond3A_80 = arith.constant 0 : i32
      %cond3A_81 = arith.cmpi ne, %convert_element_type3A_79, %cond3A_80 : i32
      scf.if %cond3A_81 {
        %dma_wait3A = arith.constant 0 : i32
        %dma_wait3A_93 = arith.constant 0 : i32
        %dma_wait3A_94 = tpu.memref_slice %arg9[%dma_wait3A, %dma_wait3A_93] : memref<2x256xi32, #tpu.memory_space<vmem>> -> memref<1x256xi32, #tpu.memory_space<vmem>>
        %dma_wait3A_95 = tpu.memref_squeeze %dma_wait3A_94 : memref<1x256xi32, #tpu.memory_space<vmem>> -> memref<256xi32, #tpu.memory_space<vmem>>
        %dma_wait3A_96 = arith.constant 0 : i32
        %dma_wait3A_97 = arith.constant 0 : i32
        %dma_wait3A_98 = tpu.memref_slice %arg3[%dma_wait3A_96, %dma_wait3A_97] : memref<50048x32xf32, #tpu.memory_space<hbm>> -> memref<50048x32xf32, #tpu.memory_space<hbm>>
        tpu.wait_indirect_dma semaphore(%arg14 : memref<!tpu.dma_semaphore, #tpu.memory_space<semaphore_mem>>) src(%dma_wait3A_98 : memref<50048x32xf32, #tpu.memory_space<hbm>>) dst(%arg11 : memref<256x32xf32, #tpu.memory_space<vmem>>)
      } else {
      }
      %eq3A_82 = arith.constant 0 : i32
      %eq3A_83 = arith.cmpi eq, %arg0, %eq3A_82 : i32
      %convert_element_type3A_84 = arith.extui %eq3A_83 : i1 to i32
      %cond3A_85 = arith.constant 0 : i32
      %cond3A_86 = arith.cmpi ne, %convert_element_type3A_84, %cond3A_85 : i32
      scf.if %cond3A_86 {
        %dma_start3A = arith.constant 0 : i32
        %dma_start3A_93 = arith.constant 0 : i32
        %dma_start3A_94 = tpu.memref_slice %arg8[%dma_start3A, %dma_start3A_93] : memref<2x256xi32, #tpu.memory_space<vmem>> -> memref<1x256xi32, #tpu.memory_space<vmem>>
        %dma_start3A_95 = tpu.memref_squeeze %dma_start3A_94 : memref<1x256xi32, #tpu.memory_space<vmem>> -> memref<256xi32, #tpu.memory_space<vmem>>
        %dma_start3A_96 = arith.constant 0 : i32
        %dma_start3A_97 = arith.constant 0 : i32
        %dma_start3A_98 = tpu.memref_slice %arg2[%dma_start3A_96, %dma_start3A_97] : memref<50048x32xf32, #tpu.memory_space<hbm>> -> memref<50048x32xf32, #tpu.memory_space<hbm>>
        tpu.enqueue_indirect_dma source(%dma_start3A_98 : memref<50048x32xf32, #tpu.memory_space<hbm>>) target(%arg10 : memref<256x32xf32, #tpu.memory_space<vmem>>) offsets(%dma_start3A_95 : memref<256xi32, #tpu.memory_space<vmem>>) semaphore(%arg13 : memref<!tpu.dma_semaphore, #tpu.memory_space<semaphore_mem>>)
      } else {
      }
      %eq3A_87 = arith.constant 1 : i32
      %eq3A_88 = arith.cmpi eq, %arg0, %eq3A_87 : i32
      %convert_element_type3A_89 = arith.extui %eq3A_88 : i1 to i32
      %cond3A_90 = arith.constant 0 : i32
      %cond3A_91 = arith.cmpi ne, %convert_element_type3A_89, %cond3A_90 : i32
      scf.if %cond3A_91 {
        %dma_start3A = arith.constant 0 : i32
        %dma_start3A_93 = arith.constant 0 : i32
        %dma_start3A_94 = tpu.memref_slice %arg8[%dma_start3A, %dma_start3A_93] : memref<2x256xi32, #tpu.memory_space<vmem>> -> memref<1x256xi32, #tpu.memory_space<vmem>>
        %dma_start3A_95 = tpu.memref_squeeze %dma_start3A_94 : memref<1x256xi32, #tpu.memory_space<vmem>> -> memref<256xi32, #tpu.memory_space<vmem>>
        %dma_start3A_96 = arith.constant 0 : i32
        %dma_start3A_97 = arith.constant 0 : i32
        %dma_start3A_98 = tpu.memref_slice %arg3[%dma_start3A_96, %dma_start3A_97] : memref<50048x32xf32, #tpu.memory_space<hbm>> -> memref<50048x32xf32, #tpu.memory_space<hbm>>
        tpu.enqueue_indirect_dma source(%dma_start3A_98 : memref<50048x32xf32, #tpu.memory_space<hbm>>) target(%arg10 : memref<256x32xf32, #tpu.memory_space<vmem>>) offsets(%dma_start3A_95 : memref<256xi32, #tpu.memory_space<vmem>>) semaphore(%arg13 : memref<!tpu.dma_semaphore, #tpu.memory_space<semaphore_mem>>)
      } else {
      }
      %run_scoped3A_92 = arith.constant 1 : i32
      "tpu.region"() ({
        %run_scoped3A_93 = tpu.sem_alloc : memref<!tpu.dma_semaphore, #tpu.memory_space<semaphore_mem>>
        %dma_start3A = arith.constant 0 : i32
        %dma_start3A_94 = tpu.memref_slice %arg9[%run_scoped3A_92, %dma_start3A] : memref<2x256xi32, #tpu.memory_space<vmem>> -> memref<1x256xi32, #tpu.memory_space<vmem>>
        %dma_start3A_95 = tpu.memref_squeeze %dma_start3A_94 : memref<1x256xi32, #tpu.memory_space<vmem>> -> memref<256xi32, #tpu.memory_space<vmem>>
        %dma_start3A_96 = arith.constant 0 : i32
        %dma_start3A_97 = arith.constant 0 : i32
        %dma_start3A_98 = tpu.memref_slice %arg12[%dma_start3A_96, %dma_start3A_97] : memref<50048x32xf32, #tpu.memory_space<vmem_shared>> -> memref<50048x32xf32, #tpu.memory_space<vmem_shared>>
        tpu.enqueue_indirect_dma source(%arg11 : memref<256x32xf32, #tpu.memory_space<vmem>>) target(%dma_start3A_98 : memref<50048x32xf32, #tpu.memory_space<vmem_shared>>) offsets(%dma_start3A_95 : memref<256xi32, #tpu.memory_space<vmem>>) semaphore(%run_scoped3A_93 : memref<!tpu.dma_semaphore, #tpu.memory_space<semaphore_mem>>) {add = true}
        %dma_wait3A = arith.constant 0 : i32
        %dma_wait3A_99 = tpu.memref_slice %arg9[%run_scoped3A_92, %dma_wait3A] : memref<2x256xi32, #tpu.memory_space<vmem>> -> memref<1x256xi32, #tpu.memory_space<vmem>>
        %dma_wait3A_100 = tpu.memref_squeeze %dma_wait3A_99 : memref<1x256xi32, #tpu.memory_space<vmem>> -> memref<256xi32, #tpu.memory_space<vmem>>
        %dma_wait3A_101 = arith.constant 0 : i32
        %dma_wait3A_102 = arith.constant 0 : i32
        %dma_wait3A_103 = tpu.memref_slice %arg12[%dma_wait3A_101, %dma_wait3A_102] : memref<50048x32xf32, #tpu.memory_space<vmem_shared>> -> memref<50048x32xf32, #tpu.memory_space<vmem_shared>>
        tpu.wait_indirect_dma semaphore(%run_scoped3A_93 : memref<!tpu.dma_semaphore, #tpu.memory_space<semaphore_mem>>) src(%arg11 : memref<256x32xf32, #tpu.memory_space<vmem>>) dst(%dma_wait3A_103 : memref<50048x32xf32, #tpu.memory_space<vmem_shared>>)
        tpu.yield
      }) : () -> ()
    }
    %scan3A_16 = arith.constant 100 : i32
    %eq3A_17 = arith.constant 0 : i32
    %eq3A_18 = arith.cmpi eq, %arg0, %eq3A_17 : i32
    %convert_element_type3A_19 = arith.extui %eq3A_18 : i1 to i32
    %cond3A_20 = arith.constant 0 : i32
    %cond3A_21 = arith.cmpi ne, %convert_element_type3A_19, %cond3A_20 : i32
    scf.if %cond3A_21 {
      %dma_wait3A = arith.constant 0 : i32
      %dma_wait3A_38 = arith.constant 0 : i32
      %dma_wait3A_39 = tpu.memref_slice %arg8[%dma_wait3A, %dma_wait3A_38] : memref<2x256xi32, #tpu.memory_space<vmem>> -> memref<1x256xi32, #tpu.memory_space<vmem>>
      %dma_wait3A_40 = tpu.memref_squeeze %dma_wait3A_39 : memref<1x256xi32, #tpu.memory_space<vmem>> -> memref<256xi32, #tpu.memory_space<vmem>>
      %dma_wait3A_41 = arith.constant 0 : i32
      %dma_wait3A_42 = arith.constant 0 : i32
      %dma_wait3A_43 = tpu.memref_slice %arg2[%dma_wait3A_41, %dma_wait3A_42] : memref<50048x32xf32, #tpu.memory_space<hbm>> -> memref<50048x32xf32, #tpu.memory_space<hbm>>
      tpu.wait_indirect_dma semaphore(%arg13 : memref<!tpu.dma_semaphore, #tpu.memory_space<semaphore_mem>>) src(%dma_wait3A_43 : memref<50048x32xf32, #tpu.memory_space<hbm>>) dst(%arg10 : memref<256x32xf32, #tpu.memory_space<vmem>>)
    } else {
    }
    %eq3A_22 = arith.constant 1 : i32
    %eq3A_23 = arith.cmpi eq, %arg0, %eq3A_22 : i32
    %convert_element_type3A_24 = arith.extui %eq3A_23 : i1 to i32
    %cond3A_25 = arith.constant 0 : i32
    %cond3A_26 = arith.cmpi ne, %convert_element_type3A_24, %cond3A_25 : i32
    scf.if %cond3A_26 {
      %dma_wait3A = arith.constant 0 : i32
      %dma_wait3A_38 = arith.constant 0 : i32
      %dma_wait3A_39 = tpu.memref_slice %arg8[%dma_wait3A, %dma_wait3A_38] : memref<2x256xi32, #tpu.memory_space<vmem>> -> memref<1x256xi32, #tpu.memory_space<vmem>>
      %dma_wait3A_40 = tpu.memref_squeeze %dma_wait3A_39 : memref<1x256xi32, #tpu.memory_space<vmem>> -> memref<256xi32, #tpu.memory_space<vmem>>
      %dma_wait3A_41 = arith.constant 0 : i32
      %dma_wait3A_42 = arith.constant 0 : i32
      %dma_wait3A_43 = tpu.memref_slice %arg3[%dma_wait3A_41, %dma_wait3A_42] : memref<50048x32xf32, #tpu.memory_space<hbm>> -> memref<50048x32xf32, #tpu.memory_space<hbm>>
      tpu.wait_indirect_dma semaphore(%arg13 : memref<!tpu.dma_semaphore, #tpu.memory_space<semaphore_mem>>) src(%dma_wait3A_43 : memref<50048x32xf32, #tpu.memory_space<hbm>>) dst(%arg10 : memref<256x32xf32, #tpu.memory_space<vmem>>)
    } else {
    }
    %barrier3A_27 = arith.constant 0 : index
    tpu.barrier barrier_id(%barrier3A_27)
    %eq3A_28 = arith.constant 0 : i32
    %eq3A_29 = arith.cmpi eq, %arg0, %eq3A_28 : i32
    %convert_element_type3A_30 = arith.extui %eq3A_29 : i1 to i32
    %cond3A_31 = arith.constant 0 : i32
    %cond3A_32 = arith.cmpi ne, %convert_element_type3A_30, %cond3A_31 : i32
    scf.if %cond3A_32 {
      "tpu.region"() ({
        %run_scoped3A = tpu.sem_alloc : memref<!tpu.dma_semaphore, #tpu.memory_space<semaphore_mem>>
        %dma_start3A = arith.constant 0 : i32
        %dma_start3A_38 = tpu.memref_slice %arg6[%mul3A_0, %dma_start3A] : memref<50048x32xf32, #tpu.memory_space<hbm>> -> memref<3128x32xf32, #tpu.memory_space<hbm>>
        %dma_start3A_39 = arith.constant 0 : i32
        %dma_start3A_40 = tpu.memref_slice %arg12[%mul3A_0, %dma_start3A_39] : memref<50048x32xf32, #tpu.memory_space<vmem_shared>> -> memref<3128x32xf32, #tpu.memory_space<vmem_shared>>
        tpu.enqueue_dma source(%dma_start3A_40 : memref<3128x32xf32, #tpu.memory_space<vmem_shared>>) target(%dma_start3A_38 : memref<3128x32xf32, #tpu.memory_space<hbm>>) target_semaphore(%run_scoped3A : memref<!tpu.dma_semaphore, #tpu.memory_space<semaphore_mem>>)
        %dma_wait3A = arith.constant 0 : i32
        %dma_wait3A_41 = tpu.memref_slice %arg6[%mul3A_0, %dma_wait3A] : memref<50048x32xf32, #tpu.memory_space<hbm>> -> memref<3128x32xf32, #tpu.memory_space<hbm>>
        %dma_wait3A_42 = arith.constant 0 : i32
        %dma_wait3A_43 = tpu.memref_slice %arg12[%mul3A_0, %dma_wait3A_42] : memref<50048x32xf32, #tpu.memory_space<vmem_shared>> -> memref<3128x32xf32, #tpu.memory_space<vmem_shared>>
        tpu.wait_dma2 semaphore(%run_scoped3A : memref<!tpu.dma_semaphore, #tpu.memory_space<semaphore_mem>>) src(%dma_wait3A_43 : memref<3128x32xf32, #tpu.memory_space<vmem_shared>>) dst(%dma_wait3A_41 : memref<3128x32xf32, #tpu.memory_space<hbm>>)
        tpu.yield
      }) : () -> ()
    } else {
    }
    %eq3A_33 = arith.constant 1 : i32
    %eq3A_34 = arith.cmpi eq, %arg0, %eq3A_33 : i32
    %convert_element_type3A_35 = arith.extui %eq3A_34 : i1 to i32
    %cond3A_36 = arith.constant 0 : i32
    %cond3A_37 = arith.cmpi ne, %convert_element_type3A_35, %cond3A_36 : i32
    scf.if %cond3A_37 {
      "tpu.region"() ({
        %run_scoped3A = tpu.sem_alloc : memref<!tpu.dma_semaphore, #tpu.memory_space<semaphore_mem>>
        %dma_start3A = arith.constant 0 : i32
        %dma_start3A_38 = tpu.memref_slice %arg7[%mul3A_0, %dma_start3A] : memref<50048x32xf32, #tpu.memory_space<hbm>> -> memref<3128x32xf32, #tpu.memory_space<hbm>>
        %dma_start3A_39 = arith.constant 0 : i32
        %dma_start3A_40 = tpu.memref_slice %arg12[%mul3A_0, %dma_start3A_39] : memref<50048x32xf32, #tpu.memory_space<vmem_shared>> -> memref<3128x32xf32, #tpu.memory_space<vmem_shared>>
        tpu.enqueue_dma source(%dma_start3A_40 : memref<3128x32xf32, #tpu.memory_space<vmem_shared>>) target(%dma_start3A_38 : memref<3128x32xf32, #tpu.memory_space<hbm>>) target_semaphore(%run_scoped3A : memref<!tpu.dma_semaphore, #tpu.memory_space<semaphore_mem>>)
        %dma_wait3A = arith.constant 0 : i32
        %dma_wait3A_41 = tpu.memref_slice %arg7[%mul3A_0, %dma_wait3A] : memref<50048x32xf32, #tpu.memory_space<hbm>> -> memref<3128x32xf32, #tpu.memory_space<hbm>>
        %dma_wait3A_42 = arith.constant 0 : i32
        %dma_wait3A_43 = tpu.memref_slice %arg12[%mul3A_0, %dma_wait3A_42] : memref<50048x32xf32, #tpu.memory_space<vmem_shared>> -> memref<3128x32xf32, #tpu.memory_space<vmem_shared>>
        tpu.wait_dma2 semaphore(%run_scoped3A : memref<!tpu.dma_semaphore, #tpu.memory_space<semaphore_mem>>) src(%dma_wait3A_43 : memref<3128x32xf32, #tpu.memory_space<vmem_shared>>) dst(%dma_wait3A_41 : memref<3128x32xf32, #tpu.memory_space<hbm>>)
        tpu.yield
      }) : () -> ()
    } else {
    }
    return
  }
}

module attributes {stable_mosaic.version = 14 : i64} {
  func.func @body(%arg0: i32, %arg1: memref<3128x8xf32, #tpu.memory_space<vmem>>, %arg2: memref<3128x8xf32, #tpu.memory_space<vmem>>, %arg3: memref<3128x8xf32, #tpu.memory_space<vmem>>, %arg4: memref<3128x1xi32, #tpu.memory_space<vmem>>, %arg5: memref<4x64xf32, #tpu.memory_space<vmem>>, %arg6: memref<1x64xf32, #tpu.memory_space<vmem>>, %arg7: memref<4x64xf32, #tpu.memory_space<vmem>>, %arg8: memref<3128x64xf32, #tpu.memory_space<vmem>>, %arg9: memref<3128x1xf32, #tpu.memory_space<vmem>>, %arg10: memref<64x64xf32, #tpu.memory_space<vmem>>, %arg11: memref<64x64xf32, #tpu.memory_space<vmem>>, %arg12: memref<64x1xf32, #tpu.memory_space<vmem>>) attributes {dimension_semantics = [#tpu.dimension_semantics<arbitrary>], iteration_bounds = array<i64: 16>, scalar_prefetch = 0 : i64, scratch_operands = 0 : i64, tpu.core_type = #tpu.core_type<tc>, window_params = [{transform_indices = @transform_0, window_bounds = array<i64: 3128, 8>}, {transform_indices = @transform_1, window_bounds = array<i64: 3128, 8>}, {transform_indices = @transform_2, window_bounds = array<i64: 3128, 8>}, {transform_indices = @transform_3, window_bounds = array<i64: 3128, 1>}, {pipeline_mode = #tpu.pipeline_mode<synchronous>, transform_indices = @transform_4, window_bounds = array<i64: 4, 64>}, {pipeline_mode = #tpu.pipeline_mode<synchronous>, transform_indices = @transform_5, window_bounds = array<i64: 1, 64>}, {pipeline_mode = #tpu.pipeline_mode<synchronous>, transform_indices = @transform_6, window_bounds = array<i64: 4, 64>}, {transform_indices = @transform_7, window_bounds = array<i64: 3128, 64>}, {transform_indices = @transform_8, window_bounds = array<i64: 3128, 1>}, {pipeline_mode = #tpu.pipeline_mode<synchronous>, transform_indices = @transform_9, window_bounds = array<i64: 64, 64>}, {pipeline_mode = #tpu.pipeline_mode<synchronous>, transform_indices = @transform_10, window_bounds = array<i64: 64, 64>}, {pipeline_mode = #tpu.pipeline_mode<synchronous>, transform_indices = @transform_11, window_bounds = array<i64: 64, 1>}]} {
    %get3A = arith.constant 0 : index
    %get3A_0 = arith.constant 0 : index
    %get3A_1 = vector.load %arg1[%get3A, %get3A_0] : memref<3128x8xf32, #tpu.memory_space<vmem>>, vector<3128x8xf32>
    %get3A_2 = arith.constant 0 : index
    %get3A_3 = arith.constant 0 : index
    %get3A_4 = vector.load %arg2[%get3A_2, %get3A_3] : memref<3128x8xf32, #tpu.memory_space<vmem>>, vector<3128x8xf32>
    %add3A = arith.addf %get3A_1, %get3A_4 : vector<3128x8xf32>
    %slice3A = vector.extract_strided_slice %add3A {offsets = [0, 4], sizes = [3128, 1], strides = [1, 1]} : vector<3128x8xf32> to vector<3128x1xf32>
    %max3A = arith.constant 1.000000e+00 : f32
    %max3A_5 = vector.broadcast %max3A : f32 to vector<3128x1xf32>
    %max3A_6 = arith.maximumf %slice3A, %max3A_5 : vector<3128x1xf32>
    %div3A = arith.constant 1.000000e+00 : f32
    %div3A_7 = vector.broadcast %div3A : f32 to vector<3128x1xf32>
    %div3A_8 = arith.divf %div3A_7, %max3A_6 : vector<3128x1xf32>
    %slice3A_9 = vector.extract_strided_slice %add3A {offsets = [0, 0], sizes = [3128, 4], strides = [1, 1]} : vector<3128x8xf32> to vector<3128x4xf32>
    %mul3A = vector.broadcast %div3A_8 : vector<3128x1xf32> to vector<3128x4xf32>
    %mul3A_10 = arith.mulf %slice3A_9, %mul3A : vector<3128x4xf32>
    %get3A_11 = arith.constant 0 : index
    %get3A_12 = arith.constant 0 : index
    %get3A_13 = vector.load %arg3[%get3A_11, %get3A_12] : memref<3128x8xf32, #tpu.memory_space<vmem>>, vector<3128x4xf32>
    %get3A_14 = arith.constant 0 : index
    %get3A_15 = arith.constant 0 : index
    %get3A_16 = vector.load %arg5[%get3A_14, %get3A_15] : memref<4x64xf32, #tpu.memory_space<vmem>>, vector<4x64xf32>
    %dot_general3A = arith.constant dense<0.000000e+00> : vector<3128x64xf32>
    %dot_general3A_17 = tpu.matmul %mul3A_10, %get3A_16, %dot_general3A {dimension_numbers = #tpu.dot_dimension_numbers<[1], [0], [0], [1], [0, 0, 1, 1], [], []>, transpose_lhs_hint = false} : vector<3128x4xf32>, vector<4x64xf32>, vector<3128x64xf32> -> vector<3128x64xf32>
    %get3A_18 = arith.constant 0 : index
    %get3A_19 = arith.constant 0 : index
    %get3A_20 = vector.load %arg6[%get3A_18, %get3A_19] : memref<1x64xf32, #tpu.memory_space<vmem>>, vector<1x64xf32>
    %add3A_21 = vector.broadcast %get3A_20 : vector<1x64xf32> to vector<3128x64xf32>
    %add3A_22 = arith.addf %dot_general3A_17, %add3A_21 : vector<3128x64xf32>
    %get3A_23 = arith.constant 0 : index
    %get3A_24 = arith.constant 0 : index
    %get3A_25 = vector.load %arg7[%get3A_23, %get3A_24] : memref<4x64xf32, #tpu.memory_space<vmem>>, vector<4x64xf32>
    %dot_general3A_26 = arith.constant dense<0.000000e+00> : vector<3128x64xf32>
    %dot_general3A_27 = tpu.matmul %get3A_13, %get3A_25, %dot_general3A_26 {dimension_numbers = #tpu.dot_dimension_numbers<[1], [0], [0], [1], [0, 0, 1, 1], [], []>, transpose_lhs_hint = false} : vector<3128x4xf32>, vector<4x64xf32>, vector<3128x64xf32> -> vector<3128x64xf32>
    %add3A_28 = arith.addf %add3A_22, %dot_general3A_27 : vector<3128x64xf32>
    %get3A_29 = arith.constant 0 : index
    %get3A_30 = arith.constant 0 : index
    %get3A_31 = vector.load %arg4[%get3A_29, %get3A_30] : memref<3128x1xi32, #tpu.memory_space<vmem>>, vector<3128x1xi32>
    %iota3A = tpu.iota {dimensions = array<i32: 1>} : vector<3128x64xi32>
    %eq3A = vector.broadcast %get3A_31 : vector<3128x1xi32> to vector<3128x64xi32>
    %eq3A_32 = arith.cmpi eq, %eq3A, %iota3A : vector<3128x64xi32>
    %convert_element_type3A = arith.extui %eq3A_32 : vector<3128x64xi1> to vector<3128x64xi32>
    %convert_element_type3A_33 = arith.sitofp %convert_element_type3A : vector<3128x64xi32> to vector<3128x64xf32>
    %swap3A = arith.constant 0 : index
    %swap3A_34 = arith.constant 0 : index
    %swap3A_35 = vector.load %arg8[%swap3A, %swap3A_34] : memref<3128x64xf32, #tpu.memory_space<vmem>>, vector<3128x64xf32>
    tpu.vector_store %arg8[%swap3A, %swap3A_34], %add3A_28 {strides = array<i32>} : memref<3128x64xf32, #tpu.memory_space<vmem>>, vector<3128x64xf32>,
    %swap3A_36 = arith.constant 0 : index
    %swap3A_37 = arith.constant 0 : index
    %swap3A_38 = vector.load %arg9[%swap3A_36, %swap3A_37] : memref<3128x1xf32, #tpu.memory_space<vmem>>, vector<3128x1xf32>
    tpu.vector_store %arg9[%swap3A_36, %swap3A_37], %div3A_8 {strides = array<i32>} : memref<3128x1xf32, #tpu.memory_space<vmem>>, vector<3128x1xf32>,
    %eq3A_39 = arith.constant 0 : i32
    %eq3A_40 = arith.cmpi eq, %arg0, %eq3A_39 : i32
    %convert_element_type3A_41 = arith.extui %eq3A_40 : i1 to i32
    %cond3A = arith.constant 0 : i32
    %cond3A_42 = arith.cmpi ne, %convert_element_type3A_41, %cond3A : i32
    scf.if %cond3A_42 {
      %broadcast_in_dim3A_72 = arith.constant 0.000000e+00 : f32
      %broadcast_in_dim3A_73 = vector.broadcast %broadcast_in_dim3A_72 : f32 to vector<64x64xf32>
      %swap3A_74 = arith.constant 0 : index
      %swap3A_75 = arith.constant 0 : index
      %swap3A_76 = vector.load %arg10[%swap3A_74, %swap3A_75] : memref<64x64xf32, #tpu.memory_space<vmem>>, vector<64x64xf32>
      tpu.vector_store %arg10[%swap3A_74, %swap3A_75], %broadcast_in_dim3A_73 {strides = array<i32>} : memref<64x64xf32, #tpu.memory_space<vmem>>, vector<64x64xf32>,
      %broadcast_in_dim3A_77 = arith.constant 0.000000e+00 : f32
      %broadcast_in_dim3A_78 = vector.broadcast %broadcast_in_dim3A_77 : f32 to vector<64x64xf32>
      %swap3A_79 = arith.constant 0 : index
      %swap3A_80 = arith.constant 0 : index
      %swap3A_81 = vector.load %arg11[%swap3A_79, %swap3A_80] : memref<64x64xf32, #tpu.memory_space<vmem>>, vector<64x64xf32>
      tpu.vector_store %arg11[%swap3A_79, %swap3A_80], %broadcast_in_dim3A_78 {strides = array<i32>} : memref<64x64xf32, #tpu.memory_space<vmem>>, vector<64x64xf32>,
      %broadcast_in_dim3A_82 = arith.constant 0.000000e+00 : f32
      %broadcast_in_dim3A_83 = vector.broadcast %broadcast_in_dim3A_82 : f32 to vector<64x1xf32>
      %swap3A_84 = arith.constant 0 : index
      %swap3A_85 = arith.constant 0 : index
      %swap3A_86 = vector.load %arg12[%swap3A_84, %swap3A_85] : memref<64x1xf32, #tpu.memory_space<vmem>>, vector<64x1xf32>
      tpu.vector_store %arg12[%swap3A_84, %swap3A_85], %broadcast_in_dim3A_83 {strides = array<i32>} : memref<64x1xf32, #tpu.memory_space<vmem>>, vector<64x1xf32>,
    } else {
    }
    %get3A_43 = arith.constant 0 : index
    %get3A_44 = arith.constant 0 : index
    %get3A_45 = vector.load %arg10[%get3A_43, %get3A_44] : memref<64x64xf32, #tpu.memory_space<vmem>>, vector<64x64xf32>
    %dot_general3A_46 = arith.constant dense<0.000000e+00> : vector<64x64xf32>
    %dot_general3A_47 = tpu.matmul %convert_element_type3A_33, %add3A_28, %dot_general3A_46 {dimension_numbers = #tpu.dot_dimension_numbers<[0], [0], [1], [1], [0, 1, 1, 1], [], []>, transpose_lhs_hint = false} : vector<3128x64xf32>, vector<3128x64xf32>, vector<64x64xf32> -> vector<64x64xf32>
    %add3A_48 = arith.addf %get3A_45, %dot_general3A_47 : vector<64x64xf32>
    %swap3A_49 = arith.constant 0 : index
    %swap3A_50 = arith.constant 0 : index
    %swap3A_51 = vector.load %arg10[%swap3A_49, %swap3A_50] : memref<64x64xf32, #tpu.memory_space<vmem>>, vector<64x64xf32>
    tpu.vector_store %arg10[%swap3A_49, %swap3A_50], %add3A_48 {strides = array<i32>} : memref<64x64xf32, #tpu.memory_space<vmem>>, vector<64x64xf32>,
    %get3A_52 = arith.constant 0 : index
    %get3A_53 = arith.constant 0 : index
    %get3A_54 = vector.load %arg11[%get3A_52, %get3A_53] : memref<64x64xf32, #tpu.memory_space<vmem>>, vector<64x64xf32>
    %mul3A_55 = arith.mulf %add3A_28, %add3A_28 : vector<3128x64xf32>
    %dot_general3A_56 = arith.constant dense<0.000000e+00> : vector<64x64xf32>
    %dot_general3A_57 = tpu.matmul %convert_element_type3A_33, %mul3A_55, %dot_general3A_56 {dimension_numbers = #tpu.dot_dimension_numbers<[0], [0], [1], [1], [0, 1, 1, 1], [], []>, transpose_lhs_hint = false} : vector<3128x64xf32>, vector<3128x64xf32>, vector<64x64xf32> -> vector<64x64xf32>
    %add3A_58 = arith.addf %get3A_54, %dot_general3A_57 : vector<64x64xf32>
    %swap3A_59 = arith.constant 0 : index
    %swap3A_60 = arith.constant 0 : index
    %swap3A_61 = vector.load %arg11[%swap3A_59, %swap3A_60] : memref<64x64xf32, #tpu.memory_space<vmem>>, vector<64x64xf32>
    tpu.vector_store %arg11[%swap3A_59, %swap3A_60], %add3A_58 {strides = array<i32>} : memref<64x64xf32, #tpu.memory_space<vmem>>, vector<64x64xf32>,
    %get3A_62 = arith.constant 0 : index
    %get3A_63 = arith.constant 0 : index
    %get3A_64 = vector.load %arg12[%get3A_62, %get3A_63] : memref<64x1xf32, #tpu.memory_space<vmem>>, vector<64x1xf32>
    %broadcast_in_dim3A = arith.constant 1.000000e+00 : f32
    %broadcast_in_dim3A_65 = vector.broadcast %broadcast_in_dim3A : f32 to vector<3128x1xf32>
    %dot_general3A_66 = arith.constant dense<0.000000e+00> : vector<64x1xf32>
    %dot_general3A_67 = tpu.matmul %convert_element_type3A_33, %broadcast_in_dim3A_65, %dot_general3A_66 {dimension_numbers = #tpu.dot_dimension_numbers<[0], [0], [1], [1], [0, 1, 1, 1], [], []>, transpose_lhs_hint = false} : vector<3128x64xf32>, vector<3128x1xf32>, vector<64x1xf32> -> vector<64x1xf32>
    %add3A_68 = arith.addf %get3A_64, %dot_general3A_67 : vector<64x1xf32>
    %swap3A_69 = arith.constant 0 : index
    %swap3A_70 = arith.constant 0 : index
    %swap3A_71 = vector.load %arg12[%swap3A_69, %swap3A_70] : memref<64x1xf32, #tpu.memory_space<vmem>>, vector<64x1xf32>
    tpu.vector_store %arg12[%swap3A_69, %swap3A_70], %add3A_68 {strides = array<i32>} : memref<64x1xf32, #tpu.memory_space<vmem>>, vector<64x1xf32>,
    return
  }
  func.func @transform_0(%arg0: i32) -> (i32, i32) {
    %c0_i32 = arith.constant 0 : i32
    %c0_i32_0 = arith.constant 0 : i32
    return %arg0, %c0_i32 : i32, i32
  }
  func.func @transform_1(%arg0: i32) -> (i32, i32) {
    %c0_i32 = arith.constant 0 : i32
    %c0_i32_0 = arith.constant 0 : i32
    return %arg0, %c0_i32 : i32, i32
  }
  func.func @transform_2(%arg0: i32) -> (i32, i32) {
    %c0_i32 = arith.constant 0 : i32
    %c0_i32_0 = arith.constant 0 : i32
    return %arg0, %c0_i32 : i32, i32
  }
  func.func @transform_3(%arg0: i32) -> (i32, i32) {
    %c0_i32 = arith.constant 0 : i32
    %c0_i32_0 = arith.constant 0 : i32
    return %arg0, %c0_i32 : i32, i32
  }
  func.func @transform_4(%arg0: i32) -> (i32, i32) {
    %c0_i32 = arith.constant 0 : i32
    %c0_i32_0 = arith.constant 0 : i32
    %c0_i32_1 = arith.constant 0 : i32
    return %c0_i32, %c0_i32_0 : i32, i32
  }
  func.func @transform_5(%arg0: i32) -> (i32, i32) {
    %c0_i32 = arith.constant 0 : i32
    %c0_i32_0 = arith.constant 0 : i32
    %c0_i32_1 = arith.constant 0 : i32
    return %c0_i32, %c0_i32_0 : i32, i32
  }
  func.func @transform_6(%arg0: i32) -> (i32, i32) {
    %c0_i32 = arith.constant 0 : i32
    %c0_i32_0 = arith.constant 0 : i32
    %c0_i32_1 = arith.constant 0 : i32
    return %c0_i32, %c0_i32_0 : i32, i32
  }
  func.func @transform_7(%arg0: i32) -> (i32, i32) {
    %c0_i32 = arith.constant 0 : i32
    %c0_i32_0 = arith.constant 0 : i32
    return %arg0, %c0_i32 : i32, i32
  }
  func.func @transform_8(%arg0: i32) -> (i32, i32) {
    %c0_i32 = arith.constant 0 : i32
    %c0_i32_0 = arith.constant 0 : i32
    return %arg0, %c0_i32 : i32, i32
  }
  func.func @transform_9(%arg0: i32) -> (i32, i32) {
    %c0_i32 = arith.constant 0 : i32
    %c0_i32_0 = arith.constant 0 : i32
    %c0_i32_1 = arith.constant 0 : i32
    return %c0_i32, %c0_i32_0 : i32, i32
  }
  func.func @transform_10(%arg0: i32) -> (i32, i32) {
    %c0_i32 = arith.constant 0 : i32
    %c0_i32_0 = arith.constant 0 : i32
    %c0_i32_1 = arith.constant 0 : i32
    return %c0_i32, %c0_i32_0 : i32, i32
  }
  func.func @transform_11(%arg0: i32) -> (i32, i32) {
    %c0_i32 = arith.constant 0 : i32
    %c0_i32_0 = arith.constant 0 : i32
    %c0_i32_1 = arith.constant 0 : i32
    return %c0_i32, %c0_i32_0 : i32, i32
  }
}

module attributes {stable_mosaic.version = 14 : i64} {
  func.func @body(%arg0: i32, %arg1: memref<3128x64xf32, #tpu.memory_space<vmem>>, %arg2: memref<3128x1xi32, #tpu.memory_space<vmem>>, %arg3: memref<64x64xf32, #tpu.memory_space<vmem>>, %arg4: memref<64x64xf32, #tpu.memory_space<vmem>>, %arg5: memref<64x1xf32, #tpu.memory_space<vmem>>, %arg6: memref<1x64xf32, #tpu.memory_space<vmem>>, %arg7: memref<1x64xf32, #tpu.memory_space<vmem>>, %arg8: memref<1x64xf32, #tpu.memory_space<vmem>>, %arg9: memref<3128x32xf32, #tpu.memory_space<vmem>>, %arg10: memref<3128x32xf32, #tpu.memory_space<vmem>>) attributes {dimension_semantics = [#tpu.dimension_semantics<arbitrary>], iteration_bounds = array<i64: 16>, scalar_prefetch = 0 : i64, scratch_operands = 0 : i64, tpu.core_type = #tpu.core_type<tc>, window_params = [{transform_indices = @transform_0, window_bounds = array<i64: 3128, 64>}, {transform_indices = @transform_1, window_bounds = array<i64: 3128, 1>}, {pipeline_mode = #tpu.pipeline_mode<synchronous>, transform_indices = @transform_2, window_bounds = array<i64: 64, 64>}, {pipeline_mode = #tpu.pipeline_mode<synchronous>, transform_indices = @transform_3, window_bounds = array<i64: 64, 64>}, {pipeline_mode = #tpu.pipeline_mode<synchronous>, transform_indices = @transform_4, window_bounds = array<i64: 64, 1>}, {pipeline_mode = #tpu.pipeline_mode<synchronous>, transform_indices = @transform_5, window_bounds = array<i64: 1, 64>}, {pipeline_mode = #tpu.pipeline_mode<synchronous>, transform_indices = @transform_6, window_bounds = array<i64: 1, 64>}, {pipeline_mode = #tpu.pipeline_mode<synchronous>, transform_indices = @transform_7, window_bounds = array<i64: 1, 64>}, {transform_indices = @transform_8, window_bounds = array<i64: 3128, 32>}, {transform_indices = @transform_9, window_bounds = array<i64: 3128, 32>}]} {
    %get3A = arith.constant 0 : index
    %get3A_0 = arith.constant 0 : index
    %get3A_1 = vector.load %arg3[%get3A, %get3A_0] : memref<64x64xf32, #tpu.memory_space<vmem>>, vector<64x64xf32>
    %get3A_2 = arith.constant 0 : index
    %get3A_3 = arith.constant 0 : index
    %get3A_4 = vector.load %arg4[%get3A_2, %get3A_3] : memref<64x64xf32, #tpu.memory_space<vmem>>, vector<64x64xf32>
    %get3A_5 = arith.constant 0 : index
    %get3A_6 = arith.constant 0 : index
    %get3A_7 = vector.load %arg5[%get3A_5, %get3A_6] : memref<64x1xf32, #tpu.memory_space<vmem>>, vector<64x1xf32>
    %get3A_8 = arith.constant 0 : index
    %get3A_9 = arith.constant 0 : index
    %get3A_10 = vector.load %arg6[%get3A_8, %get3A_9] : memref<1x64xf32, #tpu.memory_space<vmem>>, vector<1x64xf32>
    %get3A_11 = arith.constant 0 : index
    %get3A_12 = arith.constant 0 : index
    %get3A_13 = vector.load %arg7[%get3A_11, %get3A_12] : memref<1x64xf32, #tpu.memory_space<vmem>>, vector<1x64xf32>
    %get3A_14 = arith.constant 0 : index
    %get3A_15 = arith.constant 0 : index
    %get3A_16 = vector.load %arg8[%get3A_14, %get3A_15] : memref<1x64xf32, #tpu.memory_space<vmem>>, vector<1x64xf32>
    %max3A = arith.constant 1.000000e+00 : f32
    %max3A_17 = vector.broadcast %max3A : f32 to vector<64x1xf32>
    %max3A_18 = arith.maximumf %get3A_7, %max3A_17 : vector<64x1xf32>
    %div3A = arith.constant 1.000000e+00 : f32
    %div3A_19 = vector.broadcast %div3A : f32 to vector<64x1xf32>
    %div3A_20 = arith.divf %div3A_19, %max3A_18 : vector<64x1xf32>
    %mul3A = vector.broadcast %div3A_20 : vector<64x1xf32> to vector<64x64xf32>
    %mul3A_21 = arith.mulf %get3A_1, %mul3A : vector<64x64xf32>
    %mul3A_22 = vector.broadcast %div3A_20 : vector<64x1xf32> to vector<64x64xf32>
    %mul3A_23 = arith.mulf %get3A_4, %mul3A_22 : vector<64x64xf32>
    %sub3A = arith.constant 2.000000e+00 : f32
    %sub3A_24 = vector.broadcast %sub3A : f32 to vector<1x64xf32>
    %sub3A_25 = arith.subf %sub3A_24, %get3A_16 : vector<1x64xf32>
    %mul3A_26 = arith.mulf %sub3A_25, %get3A_16 : vector<1x64xf32>
    %mul3A_27 = vector.broadcast %mul3A_26 : vector<1x64xf32> to vector<64x64xf32>
    %mul3A_28 = arith.mulf %mul3A_27, %mul3A_21 : vector<64x64xf32>
    %mul3A_29 = arith.mulf %mul3A_28, %mul3A_21 : vector<64x64xf32>
    %sub3A_30 = arith.subf %mul3A_23, %mul3A_29 : vector<64x64xf32>
    %add3A = arith.constant 9.99999974E-6 : f32
    %add3A_31 = vector.broadcast %add3A : f32 to vector<64x64xf32>
    %add3A_32 = arith.addf %sub3A_30, %add3A_31 : vector<64x64xf32>
    %rsqrt3A = math.rsqrt %add3A_32 : vector<64x64xf32>
    %mul3A_33 = vector.broadcast %get3A_10 : vector<1x64xf32> to vector<64x64xf32>
    %mul3A_34 = arith.mulf %mul3A_33, %rsqrt3A : vector<64x64xf32>
    %mul3A_35 = vector.broadcast %get3A_16 : vector<1x64xf32> to vector<64x64xf32>
    %mul3A_36 = arith.mulf %mul3A_34, %mul3A_35 : vector<64x64xf32>
    %mul3A_37 = arith.mulf %mul3A_36, %mul3A_21 : vector<64x64xf32>
    %sub3A_38 = vector.broadcast %get3A_13 : vector<1x64xf32> to vector<64x64xf32>
    %sub3A_39 = arith.subf %sub3A_38, %mul3A_37 : vector<64x64xf32>
    %get3A_40 = arith.constant 0 : index
    %get3A_41 = arith.constant 0 : index
    %get3A_42 = vector.load %arg2[%get3A_40, %get3A_41] : memref<3128x1xi32, #tpu.memory_space<vmem>>, vector<3128x1xi32>
    %iota3A = tpu.iota {dimensions = array<i32: 1>} : vector<3128x64xi32>
    %eq3A = vector.broadcast %get3A_42 : vector<3128x1xi32> to vector<3128x64xi32>
    %eq3A_43 = arith.cmpi eq, %eq3A, %iota3A : vector<3128x64xi32>
    %convert_element_type3A = arith.extui %eq3A_43 : vector<3128x64xi1> to vector<3128x64xi32>
    %convert_element_type3A_44 = arith.sitofp %convert_element_type3A : vector<3128x64xi32> to vector<3128x64xf32>
    %dot_general3A = arith.constant dense<0.000000e+00> : vector<3128x64xf32>
    %dot_general3A_45 = tpu.matmul %convert_element_type3A_44, %mul3A_34, %dot_general3A {dimension_numbers = #tpu.dot_dimension_numbers<[1], [0], [0], [1], [0, 0, 1, 1], [], []>, transpose_lhs_hint = false} : vector<3128x64xf32>, vector<64x64xf32>, vector<3128x64xf32> -> vector<3128x64xf32>
    %dot_general3A_46 = arith.constant dense<0.000000e+00> : vector<3128x64xf32>
    %dot_general3A_47 = tpu.matmul %convert_element_type3A_44, %sub3A_39, %dot_general3A_46 {dimension_numbers = #tpu.dot_dimension_numbers<[1], [0], [0], [1], [0, 0, 1, 1], [], []>, transpose_lhs_hint = false} : vector<3128x64xf32>, vector<64x64xf32>, vector<3128x64xf32> -> vector<3128x64xf32>
    %get3A_48 = arith.constant 0 : index
    %get3A_49 = arith.constant 0 : index
    %get3A_50 = vector.load %arg1[%get3A_48, %get3A_49] : memref<3128x64xf32, #tpu.memory_space<vmem>>, vector<3128x64xf32>
    %mul3A_51 = arith.mulf %dot_general3A_45, %get3A_50 : vector<3128x64xf32>
    %add3A_52 = arith.addf %mul3A_51, %dot_general3A_47 : vector<3128x64xf32>
    %max3A_53 = arith.constant 0.000000e+00 : f32
    %max3A_54 = vector.broadcast %max3A_53 : f32 to vector<3128x64xf32>
    %max3A_55 = arith.maximumf %add3A_52, %max3A_54 : vector<3128x64xf32>
    %slice3A = vector.extract_strided_slice %max3A_55 {offsets = [0, 0], sizes = [3128, 32], strides = [1, 1]} : vector<3128x64xf32> to vector<3128x32xf32>
    %swap3A = arith.constant 0 : index
    %swap3A_56 = arith.constant 0 : index
    %swap3A_57 = vector.load %arg9[%swap3A, %swap3A_56] : memref<3128x32xf32, #tpu.memory_space<vmem>>, vector<3128x32xf32>
    tpu.vector_store %arg9[%swap3A, %swap3A_56], %slice3A {strides = array<i32>} : memref<3128x32xf32, #tpu.memory_space<vmem>>, vector<3128x32xf32>,
    %slice3A_58 = vector.extract_strided_slice %max3A_55 {offsets = [0, 32], sizes = [3128, 32], strides = [1, 1]} : vector<3128x64xf32> to vector<3128x32xf32>
    %swap3A_59 = arith.constant 0 : index
    %swap3A_60 = arith.constant 0 : index
    %swap3A_61 = vector.load %arg10[%swap3A_59, %swap3A_60] : memref<3128x32xf32, #tpu.memory_space<vmem>>, vector<3128x32xf32>
    tpu.vector_store %arg10[%swap3A_59, %swap3A_60], %slice3A_58 {strides = array<i32>} : memref<3128x32xf32, #tpu.memory_space<vmem>>, vector<3128x32xf32>,
    return
  }
  func.func @transform_0(%arg0: i32) -> (i32, i32) {
    %c0_i32 = arith.constant 0 : i32
    %c0_i32_0 = arith.constant 0 : i32
    return %arg0, %c0_i32 : i32, i32
  }
  func.func @transform_1(%arg0: i32) -> (i32, i32) {
    %c0_i32 = arith.constant 0 : i32
    %c0_i32_0 = arith.constant 0 : i32
    return %arg0, %c0_i32 : i32, i32
  }
  func.func @transform_2(%arg0: i32) -> (i32, i32) {
    %c0_i32 = arith.constant 0 : i32
    %c0_i32_0 = arith.constant 0 : i32
    %c0_i32_1 = arith.constant 0 : i32
    return %c0_i32, %c0_i32_0 : i32, i32
  }
  func.func @transform_3(%arg0: i32) -> (i32, i32) {
    %c0_i32 = arith.constant 0 : i32
    %c0_i32_0 = arith.constant 0 : i32
    %c0_i32_1 = arith.constant 0 : i32
    return %c0_i32, %c0_i32_0 : i32, i32
  }
  func.func @transform_4(%arg0: i32) -> (i32, i32) {
    %c0_i32 = arith.constant 0 : i32
    %c0_i32_0 = arith.constant 0 : i32
    %c0_i32_1 = arith.constant 0 : i32
    return %c0_i32, %c0_i32_0 : i32, i32
  }
  func.func @transform_5(%arg0: i32) -> (i32, i32) {
    %c0_i32 = arith.constant 0 : i32
    %c0_i32_0 = arith.constant 0 : i32
    %c0_i32_1 = arith.constant 0 : i32
    return %c0_i32, %c0_i32_0 : i32, i32
  }
  func.func @transform_6(%arg0: i32) -> (i32, i32) {
    %c0_i32 = arith.constant 0 : i32
    %c0_i32_0 = arith.constant 0 : i32
    %c0_i32_1 = arith.constant 0 : i32
    return %c0_i32, %c0_i32_0 : i32, i32
  }
  func.func @transform_7(%arg0: i32) -> (i32, i32) {
    %c0_i32 = arith.constant 0 : i32
    %c0_i32_0 = arith.constant 0 : i32
    %c0_i32_1 = arith.constant 0 : i32
    return %c0_i32, %c0_i32_0 : i32, i32
  }
  func.func @transform_8(%arg0: i32) -> (i32, i32) {
    %c0_i32 = arith.constant 0 : i32
    %c0_i32_0 = arith.constant 0 : i32
    return %arg0, %c0_i32 : i32, i32
  }
  func.func @transform_9(%arg0: i32) -> (i32, i32) {
    %c0_i32 = arith.constant 0 : i32
    %c0_i32_0 = arith.constant 0 : i32
    return %arg0, %c0_i32 : i32, i32
  }
}

module attributes {stable_mosaic.version = 14 : i64} {
  func.func @body(%arg0: i32, %arg1: memref<3128x32xf32, #tpu.memory_space<vmem>>, %arg2: memref<3128x32xf32, #tpu.memory_space<vmem>>, %arg3: memref<3128x32xf32, #tpu.memory_space<vmem>>, %arg4: memref<3128x32xf32, #tpu.memory_space<vmem>>, %arg5: memref<3128x1xf32, #tpu.memory_space<vmem>>, %arg6: memref<3128x1xi32, #tpu.memory_space<vmem>>, %arg7: memref<64x64xf32, #tpu.memory_space<vmem>>, %arg8: memref<1x64xf32, #tpu.memory_space<vmem>>, %arg9: memref<64x64xf32, #tpu.memory_space<vmem>>, %arg10: memref<3128x64xf32, #tpu.memory_space<vmem>>, %arg11: memref<64x64xf32, #tpu.memory_space<vmem>>, %arg12: memref<64x64xf32, #tpu.memory_space<vmem>>) attributes {dimension_semantics = [#tpu.dimension_semantics<arbitrary>], iteration_bounds = array<i64: 16>, scalar_prefetch = 0 : i64, scratch_operands = 0 : i64, tpu.core_type = #tpu.core_type<tc>, window_params = [{transform_indices = @transform_0, window_bounds = array<i64: 3128, 32>}, {transform_indices = @transform_1, window_bounds = array<i64: 3128, 32>}, {transform_indices = @transform_2, window_bounds = array<i64: 3128, 32>}, {transform_indices = @transform_3, window_bounds = array<i64: 3128, 32>}, {transform_indices = @transform_4, window_bounds = array<i64: 3128, 1>}, {transform_indices = @transform_5, window_bounds = array<i64: 3128, 1>}, {pipeline_mode = #tpu.pipeline_mode<synchronous>, transform_indices = @transform_6, window_bounds = array<i64: 64, 64>}, {pipeline_mode = #tpu.pipeline_mode<synchronous>, transform_indices = @transform_7, window_bounds = array<i64: 1, 64>}, {pipeline_mode = #tpu.pipeline_mode<synchronous>, transform_indices = @transform_8, window_bounds = array<i64: 64, 64>}, {transform_indices = @transform_9, window_bounds = array<i64: 3128, 64>}, {pipeline_mode = #tpu.pipeline_mode<synchronous>, transform_indices = @transform_10, window_bounds = array<i64: 64, 64>}, {pipeline_mode = #tpu.pipeline_mode<synchronous>, transform_indices = @transform_11, window_bounds = array<i64: 64, 64>}]} {
    %get3A = arith.constant 0 : index
    %get3A_0 = arith.constant 0 : index
    %get3A_1 = vector.load %arg1[%get3A, %get3A_0] : memref<3128x32xf32, #tpu.memory_space<vmem>>, vector<3128x32xf32>
    %get3A_2 = arith.constant 0 : index
    %get3A_3 = arith.constant 0 : index
    %get3A_4 = vector.load %arg2[%get3A_2, %get3A_3] : memref<3128x32xf32, #tpu.memory_space<vmem>>, vector<3128x32xf32>
    %concatenate3A = tpu.concatenate %get3A_1, %get3A_4 in 1 : vector<3128x32xf32>, vector<3128x32xf32> -> vector<3128x64xf32>
    %get3A_5 = arith.constant 0 : index
    %get3A_6 = arith.constant 0 : index
    %get3A_7 = vector.load %arg3[%get3A_5, %get3A_6] : memref<3128x32xf32, #tpu.memory_space<vmem>>, vector<3128x32xf32>
    %get3A_8 = arith.constant 0 : index
    %get3A_9 = arith.constant 0 : index
    %get3A_10 = vector.load %arg4[%get3A_8, %get3A_9] : memref<3128x32xf32, #tpu.memory_space<vmem>>, vector<3128x32xf32>
    %concatenate3A_11 = tpu.concatenate %get3A_7, %get3A_10 in 1 : vector<3128x32xf32>, vector<3128x32xf32> -> vector<3128x64xf32>
    %get3A_12 = arith.constant 0 : index
    %get3A_13 = arith.constant 0 : index
    %get3A_14 = vector.load %arg5[%get3A_12, %get3A_13] : memref<3128x1xf32, #tpu.memory_space<vmem>>, vector<3128x1xf32>
    %mul3A = vector.broadcast %get3A_14 : vector<3128x1xf32> to vector<3128x64xf32>
    %mul3A_15 = arith.mulf %concatenate3A_11, %mul3A : vector<3128x64xf32>
    %get3A_16 = arith.constant 0 : index
    %get3A_17 = arith.constant 0 : index
    %get3A_18 = vector.load %arg7[%get3A_16, %get3A_17] : memref<64x64xf32, #tpu.memory_space<vmem>>, vector<64x64xf32>
    %dot_general3A = arith.constant dense<0.000000e+00> : vector<3128x64xf32>
    %dot_general3A_19 = tpu.matmul %mul3A_15, %get3A_18, %dot_general3A {dimension_numbers = #tpu.dot_dimension_numbers<[1], [0], [0], [1], [0, 0, 1, 1], [], []>, transpose_lhs_hint = false} : vector<3128x64xf32>, vector<64x64xf32>, vector<3128x64xf32> -> vector<3128x64xf32>
    %get3A_20 = arith.constant 0 : index
    %get3A_21 = arith.constant 0 : index
    %get3A_22 = vector.load %arg8[%get3A_20, %get3A_21] : memref<1x64xf32, #tpu.memory_space<vmem>>, vector<1x64xf32>
    %add3A = vector.broadcast %get3A_22 : vector<1x64xf32> to vector<3128x64xf32>
    %add3A_23 = arith.addf %dot_general3A_19, %add3A : vector<3128x64xf32>
    %get3A_24 = arith.constant 0 : index
    %get3A_25 = arith.constant 0 : index
    %get3A_26 = vector.load %arg9[%get3A_24, %get3A_25] : memref<64x64xf32, #tpu.memory_space<vmem>>, vector<64x64xf32>
    %dot_general3A_27 = arith.constant dense<0.000000e+00> : vector<3128x64xf32>
    %dot_general3A_28 = tpu.matmul %concatenate3A, %get3A_26, %dot_general3A_27 {dimension_numbers = #tpu.dot_dimension_numbers<[1], [0], [0], [1], [0, 0, 1, 1], [], []>, transpose_lhs_hint = false} : vector<3128x64xf32>, vector<64x64xf32>, vector<3128x64xf32> -> vector<3128x64xf32>
    %add3A_29 = arith.addf %add3A_23, %dot_general3A_28 : vector<3128x64xf32>
    %get3A_30 = arith.constant 0 : index
    %get3A_31 = arith.constant 0 : index
    %get3A_32 = vector.load %arg6[%get3A_30, %get3A_31] : memref<3128x1xi32, #tpu.memory_space<vmem>>, vector<3128x1xi32>
    %iota3A = tpu.iota {dimensions = array<i32: 1>} : vector<3128x64xi32>
    %eq3A = vector.broadcast %get3A_32 : vector<3128x1xi32> to vector<3128x64xi32>
    %eq3A_33 = arith.cmpi eq, %eq3A, %iota3A : vector<3128x64xi32>
    %convert_element_type3A = arith.extui %eq3A_33 : vector<3128x64xi1> to vector<3128x64xi32>
    %convert_element_type3A_34 = arith.sitofp %convert_element_type3A : vector<3128x64xi32> to vector<3128x64xf32>
    %swap3A = arith.constant 0 : index
    %swap3A_35 = arith.constant 0 : index
    %swap3A_36 = vector.load %arg10[%swap3A, %swap3A_35] : memref<3128x64xf32, #tpu.memory_space<vmem>>, vector<3128x64xf32>
    tpu.vector_store %arg10[%swap3A, %swap3A_35], %add3A_29 {strides = array<i32>} : memref<3128x64xf32, #tpu.memory_space<vmem>>, vector<3128x64xf32>,
    %eq3A_37 = arith.constant 0 : i32
    %eq3A_38 = arith.cmpi eq, %arg0, %eq3A_37 : i32
    %convert_element_type3A_39 = arith.extui %eq3A_38 : i1 to i32
    %cond3A = arith.constant 0 : i32
    %cond3A_40 = arith.cmpi ne, %convert_element_type3A_39, %cond3A : i32
    scf.if %cond3A_40 {
      %broadcast_in_dim3A = arith.constant 0.000000e+00 : f32
      %broadcast_in_dim3A_60 = vector.broadcast %broadcast_in_dim3A : f32 to vector<64x64xf32>
      %swap3A_61 = arith.constant 0 : index
      %swap3A_62 = arith.constant 0 : index
      %swap3A_63 = vector.load %arg11[%swap3A_61, %swap3A_62] : memref<64x64xf32, #tpu.memory_space<vmem>>, vector<64x64xf32>
      tpu.vector_store %arg11[%swap3A_61, %swap3A_62], %broadcast_in_dim3A_60 {strides = array<i32>} : memref<64x64xf32, #tpu.memory_space<vmem>>, vector<64x64xf32>,
      %broadcast_in_dim3A_64 = arith.constant 0.000000e+00 : f32
      %broadcast_in_dim3A_65 = vector.broadcast %broadcast_in_dim3A_64 : f32 to vector<64x64xf32>
      %swap3A_66 = arith.constant 0 : index
      %swap3A_67 = arith.constant 0 : index
      %swap3A_68 = vector.load %arg12[%swap3A_66, %swap3A_67] : memref<64x64xf32, #tpu.memory_space<vmem>>, vector<64x64xf32>
      tpu.vector_store %arg12[%swap3A_66, %swap3A_67], %broadcast_in_dim3A_65 {strides = array<i32>} : memref<64x64xf32, #tpu.memory_space<vmem>>, vector<64x64xf32>,
    } else {
    }
    %get3A_41 = arith.constant 0 : index
    %get3A_42 = arith.constant 0 : index
    %get3A_43 = vector.load %arg11[%get3A_41, %get3A_42] : memref<64x64xf32, #tpu.memory_space<vmem>>, vector<64x64xf32>
    %dot_general3A_44 = arith.constant dense<0.000000e+00> : vector<64x64xf32>
    %dot_general3A_45 = tpu.matmul %convert_element_type3A_34, %add3A_29, %dot_general3A_44 {dimension_numbers = #tpu.dot_dimension_numbers<[0], [0], [1], [1], [0, 1, 1, 1], [], []>, transpose_lhs_hint = false} : vector<3128x64xf32>, vector<3128x64xf32>, vector<64x64xf32> -> vector<64x64xf32>
    %add3A_46 = arith.addf %get3A_43, %dot_general3A_45 : vector<64x64xf32>
    %swap3A_47 = arith.constant 0 : index
    %swap3A_48 = arith.constant 0 : index
    %swap3A_49 = vector.load %arg11[%swap3A_47, %swap3A_48] : memref<64x64xf32, #tpu.memory_space<vmem>>, vector<64x64xf32>
    tpu.vector_store %arg11[%swap3A_47, %swap3A_48], %add3A_46 {strides = array<i32>} : memref<64x64xf32, #tpu.memory_space<vmem>>, vector<64x64xf32>,
    %get3A_50 = arith.constant 0 : index
    %get3A_51 = arith.constant 0 : index
    %get3A_52 = vector.load %arg12[%get3A_50, %get3A_51] : memref<64x64xf32, #tpu.memory_space<vmem>>, vector<64x64xf32>
    %mul3A_53 = arith.mulf %add3A_29, %add3A_29 : vector<3128x64xf32>
    %dot_general3A_54 = arith.constant dense<0.000000e+00> : vector<64x64xf32>
    %dot_general3A_55 = tpu.matmul %convert_element_type3A_34, %mul3A_53, %dot_general3A_54 {dimension_numbers = #tpu.dot_dimension_numbers<[0], [0], [1], [1], [0, 1, 1, 1], [], []>, transpose_lhs_hint = false} : vector<3128x64xf32>, vector<3128x64xf32>, vector<64x64xf32> -> vector<64x64xf32>
    %add3A_56 = arith.addf %get3A_52, %dot_general3A_55 : vector<64x64xf32>
    %swap3A_57 = arith.constant 0 : index
    %swap3A_58 = arith.constant 0 : index
    %swap3A_59 = vector.load %arg12[%swap3A_57, %swap3A_58] : memref<64x64xf32, #tpu.memory_space<vmem>>, vector<64x64xf32>
    tpu.vector_store %arg12[%swap3A_57, %swap3A_58], %add3A_56 {strides = array<i32>} : memref<64x64xf32, #tpu.memory_space<vmem>>, vector<64x64xf32>,
    return
  }
  func.func @transform_0(%arg0: i32) -> (i32, i32) {
    %c0_i32 = arith.constant 0 : i32
    %c0_i32_0 = arith.constant 0 : i32
    return %arg0, %c0_i32 : i32, i32
  }
  func.func @transform_1(%arg0: i32) -> (i32, i32) {
    %c0_i32 = arith.constant 0 : i32
    %c0_i32_0 = arith.constant 0 : i32
    return %arg0, %c0_i32 : i32, i32
  }
  func.func @transform_2(%arg0: i32) -> (i32, i32) {
    %c0_i32 = arith.constant 0 : i32
    %c0_i32_0 = arith.constant 0 : i32
    return %arg0, %c0_i32 : i32, i32
  }
  func.func @transform_3(%arg0: i32) -> (i32, i32) {
    %c0_i32 = arith.constant 0 : i32
    %c0_i32_0 = arith.constant 0 : i32
    return %arg0, %c0_i32 : i32, i32
  }
  func.func @transform_4(%arg0: i32) -> (i32, i32) {
    %c0_i32 = arith.constant 0 : i32
    %c0_i32_0 = arith.constant 0 : i32
    return %arg0, %c0_i32 : i32, i32
  }
  func.func @transform_5(%arg0: i32) -> (i32, i32) {
    %c0_i32 = arith.constant 0 : i32
    %c0_i32_0 = arith.constant 0 : i32
    return %arg0, %c0_i32 : i32, i32
  }
  func.func @transform_6(%arg0: i32) -> (i32, i32) {
    %c0_i32 = arith.constant 0 : i32
    %c0_i32_0 = arith.constant 0 : i32
    %c0_i32_1 = arith.constant 0 : i32
    return %c0_i32, %c0_i32_0 : i32, i32
  }
  func.func @transform_7(%arg0: i32) -> (i32, i32) {
    %c0_i32 = arith.constant 0 : i32
    %c0_i32_0 = arith.constant 0 : i32
    %c0_i32_1 = arith.constant 0 : i32
    return %c0_i32, %c0_i32_0 : i32, i32
  }
  func.func @transform_8(%arg0: i32) -> (i32, i32) {
    %c0_i32 = arith.constant 0 : i32
    %c0_i32_0 = arith.constant 0 : i32
    %c0_i32_1 = arith.constant 0 : i32
    return %c0_i32, %c0_i32_0 : i32, i32
  }
  func.func @transform_9(%arg0: i32) -> (i32, i32) {
    %c0_i32 = arith.constant 0 : i32
    %c0_i32_0 = arith.constant 0 : i32
    return %arg0, %c0_i32 : i32, i32
  }
  func.func @transform_10(%arg0: i32) -> (i32, i32) {
    %c0_i32 = arith.constant 0 : i32
    %c0_i32_0 = arith.constant 0 : i32
    %c0_i32_1 = arith.constant 0 : i32
    return %c0_i32, %c0_i32_0 : i32, i32
  }
  func.func @transform_11(%arg0: i32) -> (i32, i32) {
    %c0_i32 = arith.constant 0 : i32
    %c0_i32_0 = arith.constant 0 : i32
    %c0_i32_1 = arith.constant 0 : i32
    return %c0_i32, %c0_i32_0 : i32, i32
  }
}

module attributes {stable_mosaic.version = 14 : i64} {
  func.func @body(%arg0: i32, %arg1: memref<3128x64xf32, #tpu.memory_space<vmem>>, %arg2: memref<3128x1xi32, #tpu.memory_space<vmem>>, %arg3: memref<64x64xf32, #tpu.memory_space<vmem>>, %arg4: memref<64x64xf32, #tpu.memory_space<vmem>>, %arg5: memref<64x1xf32, #tpu.memory_space<vmem>>, %arg6: memref<1x64xf32, #tpu.memory_space<vmem>>, %arg7: memref<1x64xf32, #tpu.memory_space<vmem>>, %arg8: memref<1x64xf32, #tpu.memory_space<vmem>>, %arg9: memref<3128x32xf32, #tpu.memory_space<vmem>>, %arg10: memref<3128x32xf32, #tpu.memory_space<vmem>>, %arg11: memref<3128x32xf32, #tpu.memory_space<vmem>>, %arg12: memref<3128x32xf32, #tpu.memory_space<vmem>>) attributes {dimension_semantics = [#tpu.dimension_semantics<arbitrary>], iteration_bounds = array<i64: 16>, scalar_prefetch = 0 : i64, scratch_operands = 0 : i64, tpu.core_type = #tpu.core_type<tc>, window_params = [{transform_indices = @transform_0, window_bounds = array<i64: 3128, 64>}, {transform_indices = @transform_1, window_bounds = array<i64: 3128, 1>}, {pipeline_mode = #tpu.pipeline_mode<synchronous>, transform_indices = @transform_2, window_bounds = array<i64: 64, 64>}, {pipeline_mode = #tpu.pipeline_mode<synchronous>, transform_indices = @transform_3, window_bounds = array<i64: 64, 64>}, {pipeline_mode = #tpu.pipeline_mode<synchronous>, transform_indices = @transform_4, window_bounds = array<i64: 64, 1>}, {pipeline_mode = #tpu.pipeline_mode<synchronous>, transform_indices = @transform_5, window_bounds = array<i64: 1, 64>}, {pipeline_mode = #tpu.pipeline_mode<synchronous>, transform_indices = @transform_6, window_bounds = array<i64: 1, 64>}, {pipeline_mode = #tpu.pipeline_mode<synchronous>, transform_indices = @transform_7, window_bounds = array<i64: 1, 64>}, {transform_indices = @transform_8, window_bounds = array<i64: 3128, 32>}, {transform_indices = @transform_9, window_bounds = array<i64: 3128, 32>}, {transform_indices = @transform_10, window_bounds = array<i64: 3128, 32>}, {transform_indices = @transform_11, window_bounds = array<i64: 3128, 32>}]} {
    %get3A = arith.constant 0 : index
    %get3A_0 = arith.constant 0 : index
    %get3A_1 = vector.load %arg3[%get3A, %get3A_0] : memref<64x64xf32, #tpu.memory_space<vmem>>, vector<64x64xf32>
    %get3A_2 = arith.constant 0 : index
    %get3A_3 = arith.constant 0 : index
    %get3A_4 = vector.load %arg4[%get3A_2, %get3A_3] : memref<64x64xf32, #tpu.memory_space<vmem>>, vector<64x64xf32>
    %get3A_5 = arith.constant 0 : index
    %get3A_6 = arith.constant 0 : index
    %get3A_7 = vector.load %arg5[%get3A_5, %get3A_6] : memref<64x1xf32, #tpu.memory_space<vmem>>, vector<64x1xf32>
    %get3A_8 = arith.constant 0 : index
    %get3A_9 = arith.constant 0 : index
    %get3A_10 = vector.load %arg6[%get3A_8, %get3A_9] : memref<1x64xf32, #tpu.memory_space<vmem>>, vector<1x64xf32>
    %get3A_11 = arith.constant 0 : index
    %get3A_12 = arith.constant 0 : index
    %get3A_13 = vector.load %arg7[%get3A_11, %get3A_12] : memref<1x64xf32, #tpu.memory_space<vmem>>, vector<1x64xf32>
    %get3A_14 = arith.constant 0 : index
    %get3A_15 = arith.constant 0 : index
    %get3A_16 = vector.load %arg8[%get3A_14, %get3A_15] : memref<1x64xf32, #tpu.memory_space<vmem>>, vector<1x64xf32>
    %max3A = arith.constant 1.000000e+00 : f32
    %max3A_17 = vector.broadcast %max3A : f32 to vector<64x1xf32>
    %max3A_18 = arith.maximumf %get3A_7, %max3A_17 : vector<64x1xf32>
    %div3A = arith.constant 1.000000e+00 : f32
    %div3A_19 = vector.broadcast %div3A : f32 to vector<64x1xf32>
    %div3A_20 = arith.divf %div3A_19, %max3A_18 : vector<64x1xf32>
    %mul3A = vector.broadcast %div3A_20 : vector<64x1xf32> to vector<64x64xf32>
    %mul3A_21 = arith.mulf %get3A_1, %mul3A : vector<64x64xf32>
    %mul3A_22 = vector.broadcast %div3A_20 : vector<64x1xf32> to vector<64x64xf32>
    %mul3A_23 = arith.mulf %get3A_4, %mul3A_22 : vector<64x64xf32>
    %sub3A = arith.constant 2.000000e+00 : f32
    %sub3A_24 = vector.broadcast %sub3A : f32 to vector<1x64xf32>
    %sub3A_25 = arith.subf %sub3A_24, %get3A_16 : vector<1x64xf32>
    %mul3A_26 = arith.mulf %sub3A_25, %get3A_16 : vector<1x64xf32>
    %mul3A_27 = vector.broadcast %mul3A_26 : vector<1x64xf32> to vector<64x64xf32>
    %mul3A_28 = arith.mulf %mul3A_27, %mul3A_21 : vector<64x64xf32>
    %mul3A_29 = arith.mulf %mul3A_28, %mul3A_21 : vector<64x64xf32>
    %sub3A_30 = arith.subf %mul3A_23, %mul3A_29 : vector<64x64xf32>
    %add3A = arith.constant 9.99999974E-6 : f32
    %add3A_31 = vector.broadcast %add3A : f32 to vector<64x64xf32>
    %add3A_32 = arith.addf %sub3A_30, %add3A_31 : vector<64x64xf32>
    %rsqrt3A = math.rsqrt %add3A_32 : vector<64x64xf32>
    %mul3A_33 = vector.broadcast %get3A_10 : vector<1x64xf32> to vector<64x64xf32>
    %mul3A_34 = arith.mulf %mul3A_33, %rsqrt3A : vector<64x64xf32>
    %mul3A_35 = vector.broadcast %get3A_16 : vector<1x64xf32> to vector<64x64xf32>
    %mul3A_36 = arith.mulf %mul3A_34, %mul3A_35 : vector<64x64xf32>
    %mul3A_37 = arith.mulf %mul3A_36, %mul3A_21 : vector<64x64xf32>
    %sub3A_38 = vector.broadcast %get3A_13 : vector<1x64xf32> to vector<64x64xf32>
    %sub3A_39 = arith.subf %sub3A_38, %mul3A_37 : vector<64x64xf32>
    %get3A_40 = arith.constant 0 : index
    %get3A_41 = arith.constant 0 : index
    %get3A_42 = vector.load %arg2[%get3A_40, %get3A_41] : memref<3128x1xi32, #tpu.memory_space<vmem>>, vector<3128x1xi32>
    %iota3A = tpu.iota {dimensions = array<i32: 1>} : vector<3128x64xi32>
    %eq3A = vector.broadcast %get3A_42 : vector<3128x1xi32> to vector<3128x64xi32>
    %eq3A_43 = arith.cmpi eq, %eq3A, %iota3A : vector<3128x64xi32>
    %convert_element_type3A = arith.extui %eq3A_43 : vector<3128x64xi1> to vector<3128x64xi32>
    %convert_element_type3A_44 = arith.sitofp %convert_element_type3A : vector<3128x64xi32> to vector<3128x64xf32>
    %dot_general3A = arith.constant dense<0.000000e+00> : vector<3128x64xf32>
    %dot_general3A_45 = tpu.matmul %convert_element_type3A_44, %mul3A_34, %dot_general3A {dimension_numbers = #tpu.dot_dimension_numbers<[1], [0], [0], [1], [0, 0, 1, 1], [], []>, transpose_lhs_hint = false} : vector<3128x64xf32>, vector<64x64xf32>, vector<3128x64xf32> -> vector<3128x64xf32>
    %dot_general3A_46 = arith.constant dense<0.000000e+00> : vector<3128x64xf32>
    %dot_general3A_47 = tpu.matmul %convert_element_type3A_44, %sub3A_39, %dot_general3A_46 {dimension_numbers = #tpu.dot_dimension_numbers<[1], [0], [0], [1], [0, 0, 1, 1], [], []>, transpose_lhs_hint = false} : vector<3128x64xf32>, vector<64x64xf32>, vector<3128x64xf32> -> vector<3128x64xf32>
    %get3A_48 = arith.constant 0 : index
    %get3A_49 = arith.constant 0 : index
    %get3A_50 = vector.load %arg1[%get3A_48, %get3A_49] : memref<3128x64xf32, #tpu.memory_space<vmem>>, vector<3128x64xf32>
    %mul3A_51 = arith.mulf %dot_general3A_45, %get3A_50 : vector<3128x64xf32>
    %add3A_52 = arith.addf %mul3A_51, %dot_general3A_47 : vector<3128x64xf32>
    %get3A_53 = arith.constant 0 : index
    %get3A_54 = arith.constant 0 : index
    %get3A_55 = vector.load %arg9[%get3A_53, %get3A_54] : memref<3128x32xf32, #tpu.memory_space<vmem>>, vector<3128x32xf32>
    %get3A_56 = arith.constant 0 : index
    %get3A_57 = arith.constant 0 : index
    %get3A_58 = vector.load %arg10[%get3A_56, %get3A_57] : memref<3128x32xf32, #tpu.memory_space<vmem>>, vector<3128x32xf32>
    %concatenate3A = tpu.concatenate %get3A_55, %get3A_58 in 1 : vector<3128x32xf32>, vector<3128x32xf32> -> vector<3128x64xf32>
    %add3A_59 = arith.addf %add3A_52, %concatenate3A : vector<3128x64xf32>
    %max3A_60 = arith.constant 0.000000e+00 : f32
    %max3A_61 = vector.broadcast %max3A_60 : f32 to vector<3128x64xf32>
    %max3A_62 = arith.maximumf %add3A_59, %max3A_61 : vector<3128x64xf32>
    %slice3A = vector.extract_strided_slice %max3A_62 {offsets = [0, 0], sizes = [3128, 32], strides = [1, 1]} : vector<3128x64xf32> to vector<3128x32xf32>
    %swap3A = arith.constant 0 : index
    %swap3A_63 = arith.constant 0 : index
    %swap3A_64 = vector.load %arg11[%swap3A, %swap3A_63] : memref<3128x32xf32, #tpu.memory_space<vmem>>, vector<3128x32xf32>
    tpu.vector_store %arg11[%swap3A, %swap3A_63], %slice3A {strides = array<i32>} : memref<3128x32xf32, #tpu.memory_space<vmem>>, vector<3128x32xf32>,
    %slice3A_65 = vector.extract_strided_slice %max3A_62 {offsets = [0, 32], sizes = [3128, 32], strides = [1, 1]} : vector<3128x64xf32> to vector<3128x32xf32>
    %swap3A_66 = arith.constant 0 : index
    %swap3A_67 = arith.constant 0 : index
    %swap3A_68 = vector.load %arg12[%swap3A_66, %swap3A_67] : memref<3128x32xf32, #tpu.memory_space<vmem>>, vector<3128x32xf32>
    tpu.vector_store %arg12[%swap3A_66, %swap3A_67], %slice3A_65 {strides = array<i32>} : memref<3128x32xf32, #tpu.memory_space<vmem>>, vector<3128x32xf32>,
    return
  }
  func.func @transform_0(%arg0: i32) -> (i32, i32) {
    %c0_i32 = arith.constant 0 : i32
    %c0_i32_0 = arith.constant 0 : i32
    return %arg0, %c0_i32 : i32, i32
  }
  func.func @transform_1(%arg0: i32) -> (i32, i32) {
    %c0_i32 = arith.constant 0 : i32
    %c0_i32_0 = arith.constant 0 : i32
    return %arg0, %c0_i32 : i32, i32
  }
  func.func @transform_2(%arg0: i32) -> (i32, i32) {
    %c0_i32 = arith.constant 0 : i32
    %c0_i32_0 = arith.constant 0 : i32
    %c0_i32_1 = arith.constant 0 : i32
    return %c0_i32, %c0_i32_0 : i32, i32
  }
  func.func @transform_3(%arg0: i32) -> (i32, i32) {
    %c0_i32 = arith.constant 0 : i32
    %c0_i32_0 = arith.constant 0 : i32
    %c0_i32_1 = arith.constant 0 : i32
    return %c0_i32, %c0_i32_0 : i32, i32
  }
  func.func @transform_4(%arg0: i32) -> (i32, i32) {
    %c0_i32 = arith.constant 0 : i32
    %c0_i32_0 = arith.constant 0 : i32
    %c0_i32_1 = arith.constant 0 : i32
    return %c0_i32, %c0_i32_0 : i32, i32
  }
  func.func @transform_5(%arg0: i32) -> (i32, i32) {
    %c0_i32 = arith.constant 0 : i32
    %c0_i32_0 = arith.constant 0 : i32
    %c0_i32_1 = arith.constant 0 : i32
    return %c0_i32, %c0_i32_0 : i32, i32
  }
  func.func @transform_6(%arg0: i32) -> (i32, i32) {
    %c0_i32 = arith.constant 0 : i32
    %c0_i32_0 = arith.constant 0 : i32
    %c0_i32_1 = arith.constant 0 : i32
    return %c0_i32, %c0_i32_0 : i32, i32
  }
  func.func @transform_7(%arg0: i32) -> (i32, i32) {
    %c0_i32 = arith.constant 0 : i32
    %c0_i32_0 = arith.constant 0 : i32
    %c0_i32_1 = arith.constant 0 : i32
    return %c0_i32, %c0_i32_0 : i32, i32
  }
  func.func @transform_8(%arg0: i32) -> (i32, i32) {
    %c0_i32 = arith.constant 0 : i32
    %c0_i32_0 = arith.constant 0 : i32
    return %arg0, %c0_i32 : i32, i32
  }
  func.func @transform_9(%arg0: i32) -> (i32, i32) {
    %c0_i32 = arith.constant 0 : i32
    %c0_i32_0 = arith.constant 0 : i32
    return %arg0, %c0_i32 : i32, i32
  }
  func.func @transform_10(%arg0: i32) -> (i32, i32) {
    %c0_i32 = arith.constant 0 : i32
    %c0_i32_0 = arith.constant 0 : i32
    return %arg0, %c0_i32 : i32, i32
  }
  func.func @transform_11(%arg0: i32) -> (i32, i32) {
    %c0_i32 = arith.constant 0 : i32
    %c0_i32_0 = arith.constant 0 : i32
    return %arg0, %c0_i32 : i32, i32
  }
}

module attributes {stable_mosaic.version = 14 : i64} {
  func.func @body(%arg0: i32, %arg1: memref<3128x64xf32, #tpu.memory_space<vmem>>, %arg2: memref<3128x1xi32, #tpu.memory_space<vmem>>, %arg3: memref<64x64xf32, #tpu.memory_space<vmem>>, %arg4: memref<64x64xf32, #tpu.memory_space<vmem>>, %arg5: memref<64x1xf32, #tpu.memory_space<vmem>>, %arg6: memref<1x64xf32, #tpu.memory_space<vmem>>, %arg7: memref<1x64xf32, #tpu.memory_space<vmem>>, %arg8: memref<1x64xf32, #tpu.memory_space<vmem>>, %arg9: memref<3128x32xf32, #tpu.memory_space<vmem>>, %arg10: memref<3128x32xf32, #tpu.memory_space<vmem>>, %arg11: memref<64x3xf32, #tpu.memory_space<vmem>>, %arg12: memref<1x3xf32, #tpu.memory_space<vmem>>, %arg13: memref<64x3xf32, #tpu.memory_space<vmem>>, %arg14: memref<64x64xf32, #tpu.memory_space<vmem>>) attributes {dimension_semantics = [#tpu.dimension_semantics<arbitrary>], iteration_bounds = array<i64: 16>, scalar_prefetch = 0 : i64, scratch_operands = 1 : i64, tpu.core_type = #tpu.core_type<tc>, window_params = [{transform_indices = @transform_0, window_bounds = array<i64: 3128, 64>}, {transform_indices = @transform_1, window_bounds = array<i64: 3128, 1>}, {pipeline_mode = #tpu.pipeline_mode<synchronous>, transform_indices = @transform_2, window_bounds = array<i64: 64, 64>}, {pipeline_mode = #tpu.pipeline_mode<synchronous>, transform_indices = @transform_3, window_bounds = array<i64: 64, 64>}, {pipeline_mode = #tpu.pipeline_mode<synchronous>, transform_indices = @transform_4, window_bounds = array<i64: 64, 1>}, {pipeline_mode = #tpu.pipeline_mode<synchronous>, transform_indices = @transform_5, window_bounds = array<i64: 1, 64>}, {pipeline_mode = #tpu.pipeline_mode<synchronous>, transform_indices = @transform_6, window_bounds = array<i64: 1, 64>}, {pipeline_mode = #tpu.pipeline_mode<synchronous>, transform_indices = @transform_7, window_bounds = array<i64: 1, 64>}, {transform_indices = @transform_8, window_bounds = array<i64: 3128, 32>}, {transform_indices = @transform_9, window_bounds = array<i64: 3128, 32>}, {pipeline_mode = #tpu.pipeline_mode<synchronous>, transform_indices = @transform_10, window_bounds = array<i64: 64, 3>}, {pipeline_mode = #tpu.pipeline_mode<synchronous>, transform_indices = @transform_11, window_bounds = array<i64: 1, 3>}, {pipeline_mode = #tpu.pipeline_mode<synchronous>, transform_indices = @transform_12, window_bounds = array<i64: 64, 3>}]} {
    %get3A = arith.constant 0 : index
    %get3A_0 = arith.constant 0 : index
    %get3A_1 = vector.load %arg3[%get3A, %get3A_0] : memref<64x64xf32, #tpu.memory_space<vmem>>, vector<64x64xf32>
    %get3A_2 = arith.constant 0 : index
    %get3A_3 = arith.constant 0 : index
    %get3A_4 = vector.load %arg4[%get3A_2, %get3A_3] : memref<64x64xf32, #tpu.memory_space<vmem>>, vector<64x64xf32>
    %get3A_5 = arith.constant 0 : index
    %get3A_6 = arith.constant 0 : index
    %get3A_7 = vector.load %arg5[%get3A_5, %get3A_6] : memref<64x1xf32, #tpu.memory_space<vmem>>, vector<64x1xf32>
    %get3A_8 = arith.constant 0 : index
    %get3A_9 = arith.constant 0 : index
    %get3A_10 = vector.load %arg6[%get3A_8, %get3A_9] : memref<1x64xf32, #tpu.memory_space<vmem>>, vector<1x64xf32>
    %get3A_11 = arith.constant 0 : index
    %get3A_12 = arith.constant 0 : index
    %get3A_13 = vector.load %arg7[%get3A_11, %get3A_12] : memref<1x64xf32, #tpu.memory_space<vmem>>, vector<1x64xf32>
    %get3A_14 = arith.constant 0 : index
    %get3A_15 = arith.constant 0 : index
    %get3A_16 = vector.load %arg8[%get3A_14, %get3A_15] : memref<1x64xf32, #tpu.memory_space<vmem>>, vector<1x64xf32>
    %max3A = arith.constant 1.000000e+00 : f32
    %max3A_17 = vector.broadcast %max3A : f32 to vector<64x1xf32>
    %max3A_18 = arith.maximumf %get3A_7, %max3A_17 : vector<64x1xf32>
    %div3A = arith.constant 1.000000e+00 : f32
    %div3A_19 = vector.broadcast %div3A : f32 to vector<64x1xf32>
    %div3A_20 = arith.divf %div3A_19, %max3A_18 : vector<64x1xf32>
    %mul3A = vector.broadcast %div3A_20 : vector<64x1xf32> to vector<64x64xf32>
    %mul3A_21 = arith.mulf %get3A_1, %mul3A : vector<64x64xf32>
    %mul3A_22 = vector.broadcast %div3A_20 : vector<64x1xf32> to vector<64x64xf32>
    %mul3A_23 = arith.mulf %get3A_4, %mul3A_22 : vector<64x64xf32>
    %sub3A = arith.constant 2.000000e+00 : f32
    %sub3A_24 = vector.broadcast %sub3A : f32 to vector<1x64xf32>
    %sub3A_25 = arith.subf %sub3A_24, %get3A_16 : vector<1x64xf32>
    %mul3A_26 = arith.mulf %sub3A_25, %get3A_16 : vector<1x64xf32>
    %mul3A_27 = vector.broadcast %mul3A_26 : vector<1x64xf32> to vector<64x64xf32>
    %mul3A_28 = arith.mulf %mul3A_27, %mul3A_21 : vector<64x64xf32>
    %mul3A_29 = arith.mulf %mul3A_28, %mul3A_21 : vector<64x64xf32>
    %sub3A_30 = arith.subf %mul3A_23, %mul3A_29 : vector<64x64xf32>
    %add3A = arith.constant 9.99999974E-6 : f32
    %add3A_31 = vector.broadcast %add3A : f32 to vector<64x64xf32>
    %add3A_32 = arith.addf %sub3A_30, %add3A_31 : vector<64x64xf32>
    %rsqrt3A = math.rsqrt %add3A_32 : vector<64x64xf32>
    %mul3A_33 = vector.broadcast %get3A_10 : vector<1x64xf32> to vector<64x64xf32>
    %mul3A_34 = arith.mulf %mul3A_33, %rsqrt3A : vector<64x64xf32>
    %mul3A_35 = vector.broadcast %get3A_16 : vector<1x64xf32> to vector<64x64xf32>
    %mul3A_36 = arith.mulf %mul3A_34, %mul3A_35 : vector<64x64xf32>
    %mul3A_37 = arith.mulf %mul3A_36, %mul3A_21 : vector<64x64xf32>
    %sub3A_38 = vector.broadcast %get3A_13 : vector<1x64xf32> to vector<64x64xf32>
    %sub3A_39 = arith.subf %sub3A_38, %mul3A_37 : vector<64x64xf32>
    %get3A_40 = arith.constant 0 : index
    %get3A_41 = arith.constant 0 : index
    %get3A_42 = vector.load %arg2[%get3A_40, %get3A_41] : memref<3128x1xi32, #tpu.memory_space<vmem>>, vector<3128x1xi32>
    %iota3A = tpu.iota {dimensions = array<i32: 1>} : vector<3128x64xi32>
    %eq3A = vector.broadcast %get3A_42 : vector<3128x1xi32> to vector<3128x64xi32>
    %eq3A_43 = arith.cmpi eq, %eq3A, %iota3A : vector<3128x64xi32>
    %convert_element_type3A = arith.extui %eq3A_43 : vector<3128x64xi1> to vector<3128x64xi32>
    %convert_element_type3A_44 = arith.sitofp %convert_element_type3A : vector<3128x64xi32> to vector<3128x64xf32>
    %dot_general3A = arith.constant dense<0.000000e+00> : vector<3128x64xf32>
    %dot_general3A_45 = tpu.matmul %convert_element_type3A_44, %mul3A_34, %dot_general3A {dimension_numbers = #tpu.dot_dimension_numbers<[1], [0], [0], [1], [0, 0, 1, 1], [], []>, transpose_lhs_hint = false} : vector<3128x64xf32>, vector<64x64xf32>, vector<3128x64xf32> -> vector<3128x64xf32>
    %dot_general3A_46 = arith.constant dense<0.000000e+00> : vector<3128x64xf32>
    %dot_general3A_47 = tpu.matmul %convert_element_type3A_44, %sub3A_39, %dot_general3A_46 {dimension_numbers = #tpu.dot_dimension_numbers<[1], [0], [0], [1], [0, 0, 1, 1], [], []>, transpose_lhs_hint = false} : vector<3128x64xf32>, vector<64x64xf32>, vector<3128x64xf32> -> vector<3128x64xf32>
    %get3A_48 = arith.constant 0 : index
    %get3A_49 = arith.constant 0 : index
    %get3A_50 = vector.load %arg1[%get3A_48, %get3A_49] : memref<3128x64xf32, #tpu.memory_space<vmem>>, vector<3128x64xf32>
    %mul3A_51 = arith.mulf %dot_general3A_45, %get3A_50 : vector<3128x64xf32>
    %add3A_52 = arith.addf %mul3A_51, %dot_general3A_47 : vector<3128x64xf32>
    %get3A_53 = arith.constant 0 : index
    %get3A_54 = arith.constant 0 : index
    %get3A_55 = vector.load %arg9[%get3A_53, %get3A_54] : memref<3128x32xf32, #tpu.memory_space<vmem>>, vector<3128x32xf32>
    %get3A_56 = arith.constant 0 : index
    %get3A_57 = arith.constant 0 : index
    %get3A_58 = vector.load %arg10[%get3A_56, %get3A_57] : memref<3128x32xf32, #tpu.memory_space<vmem>>, vector<3128x32xf32>
    %concatenate3A = tpu.concatenate %get3A_55, %get3A_58 in 1 : vector<3128x32xf32>, vector<3128x32xf32> -> vector<3128x64xf32>
    %add3A_59 = arith.addf %add3A_52, %concatenate3A : vector<3128x64xf32>
    %max3A_60 = arith.constant 0.000000e+00 : f32
    %max3A_61 = vector.broadcast %max3A_60 : f32 to vector<3128x64xf32>
    %max3A_62 = arith.maximumf %add3A_59, %max3A_61 : vector<3128x64xf32>
    %eq3A_63 = arith.constant 0 : i32
    %eq3A_64 = arith.cmpi eq, %arg0, %eq3A_63 : i32
    %convert_element_type3A_65 = arith.extui %eq3A_64 : i1 to i32
    %cond3A = arith.constant 0 : i32
    %cond3A_66 = arith.cmpi ne, %convert_element_type3A_65, %cond3A : i32
    scf.if %cond3A_66 {
      %broadcast_in_dim3A = arith.constant 0.000000e+00 : f32
      %broadcast_in_dim3A_80 = vector.broadcast %broadcast_in_dim3A : f32 to vector<64x64xf32>
      %swap3A_81 = arith.constant 0 : index
      %swap3A_82 = arith.constant 0 : index
      %swap3A_83 = vector.load %arg14[%swap3A_81, %swap3A_82] : memref<64x64xf32, #tpu.memory_space<vmem>>, vector<64x64xf32>
      tpu.vector_store %arg14[%swap3A_81, %swap3A_82], %broadcast_in_dim3A_80 {strides = array<i32>} : memref<64x64xf32, #tpu.memory_space<vmem>>, vector<64x64xf32>,
    } else {
    }
    %get3A_67 = arith.constant 0 : index
    %get3A_68 = arith.constant 0 : index
    %get3A_69 = vector.load %arg14[%get3A_67, %get3A_68] : memref<64x64xf32, #tpu.memory_space<vmem>>, vector<64x64xf32>
    %dot_general3A_70 = arith.constant dense<0.000000e+00> : vector<64x64xf32>
    %dot_general3A_71 = tpu.matmul %convert_element_type3A_44, %max3A_62, %dot_general3A_70 {dimension_numbers = #tpu.dot_dimension_numbers<[0], [0], [1], [1], [0, 1, 1, 1], [], []>, transpose_lhs_hint = false} : vector<3128x64xf32>, vector<3128x64xf32>, vector<64x64xf32> -> vector<64x64xf32>
    %add3A_72 = arith.addf %get3A_69, %dot_general3A_71 : vector<64x64xf32>
    %swap3A = arith.constant 0 : index
    %swap3A_73 = arith.constant 0 : index
    %swap3A_74 = vector.load %arg14[%swap3A, %swap3A_73] : memref<64x64xf32, #tpu.memory_space<vmem>>, vector<64x64xf32>
    tpu.vector_store %arg14[%swap3A, %swap3A_73], %add3A_72 {strides = array<i32>} : memref<64x64xf32, #tpu.memory_space<vmem>>, vector<64x64xf32>,
    %eq3A_75 = arith.constant 15 : i32
    %eq3A_76 = arith.cmpi eq, %arg0, %eq3A_75 : i32
    %convert_element_type3A_77 = arith.extui %eq3A_76 : i1 to i32
    %cond3A_78 = arith.constant 0 : i32
    %cond3A_79 = arith.cmpi ne, %convert_element_type3A_77, %cond3A_78 : i32
    scf.if %cond3A_79 {
      %get3A_80 = arith.constant 0 : index
      %get3A_81 = arith.constant 0 : index
      %get3A_82 = vector.load %arg14[%get3A_80, %get3A_81] : memref<64x64xf32, #tpu.memory_space<vmem>>, vector<64x64xf32>
      %get3A_83 = arith.constant 0 : index
      %get3A_84 = arith.constant 0 : index
      %get3A_85 = vector.load %arg5[%get3A_83, %get3A_84] : memref<64x1xf32, #tpu.memory_space<vmem>>, vector<64x1xf32>
      %div3A_86 = vector.broadcast %get3A_85 : vector<64x1xf32> to vector<64x64xf32>
      %div3A_87 = arith.divf %get3A_82, %div3A_86 : vector<64x64xf32>
      %get3A_88 = arith.constant 0 : index
      %get3A_89 = arith.constant 0 : index
      %get3A_90 = vector.load %arg11[%get3A_88, %get3A_89] : memref<64x3xf32, #tpu.memory_space<vmem>>, vector<64x3xf32>
      %dot_general3A_91 = arith.constant dense<0.000000e+00> : vector<64x3xf32>
      %dot_general3A_92 = tpu.matmul %div3A_87, %get3A_90, %dot_general3A_91 {dimension_numbers = #tpu.dot_dimension_numbers<[1], [0], [0], [1], [0, 0, 1, 1], [], []>, transpose_lhs_hint = false} : vector<64x64xf32>, vector<64x3xf32>, vector<64x3xf32> -> vector<64x3xf32>
      %get3A_93 = arith.constant 0 : index
      %get3A_94 = arith.constant 0 : index
      %get3A_95 = vector.load %arg12[%get3A_93, %get3A_94] : memref<1x3xf32, #tpu.memory_space<vmem>>, vector<1x3xf32>
      %add3A_96 = vector.broadcast %get3A_95 : vector<1x3xf32> to vector<64x3xf32>
      %add3A_97 = arith.addf %dot_general3A_92, %add3A_96 : vector<64x3xf32>
      %swap3A_98 = arith.constant 0 : index
      %swap3A_99 = arith.constant 0 : index
      %swap3A_100 = vector.load %arg13[%swap3A_98, %swap3A_99] : memref<64x3xf32, #tpu.memory_space<vmem>>, vector<64x3xf32>
      tpu.vector_store %arg13[%swap3A_98, %swap3A_99], %add3A_97 {strides = array<i32>} : memref<64x3xf32, #tpu.memory_space<vmem>>, vector<64x3xf32>,
    } else {
    }
    return
  }
  func.func @transform_0(%arg0: i32) -> (i32, i32) {
    %c0_i32 = arith.constant 0 : i32
    %c0_i32_0 = arith.constant 0 : i32
    return %arg0, %c0_i32 : i32, i32
  }
  func.func @transform_1(%arg0: i32) -> (i32, i32) {
    %c0_i32 = arith.constant 0 : i32
    %c0_i32_0 = arith.constant 0 : i32
    return %arg0, %c0_i32 : i32, i32
  }
  func.func @transform_2(%arg0: i32) -> (i32, i32) {
    %c0_i32 = arith.constant 0 : i32
    %c0_i32_0 = arith.constant 0 : i32
    %c0_i32_1 = arith.constant 0 : i32
    return %c0_i32, %c0_i32_0 : i32, i32
  }
  func.func @transform_3(%arg0: i32) -> (i32, i32) {
    %c0_i32 = arith.constant 0 : i32
    %c0_i32_0 = arith.constant 0 : i32
    %c0_i32_1 = arith.constant 0 : i32
    return %c0_i32, %c0_i32_0 : i32, i32
  }
  func.func @transform_4(%arg0: i32) -> (i32, i32) {
    %c0_i32 = arith.constant 0 : i32
    %c0_i32_0 = arith.constant 0 : i32
    %c0_i32_1 = arith.constant 0 : i32
    return %c0_i32, %c0_i32_0 : i32, i32
  }
  func.func @transform_5(%arg0: i32) -> (i32, i32) {
    %c0_i32 = arith.constant 0 : i32
    %c0_i32_0 = arith.constant 0 : i32
    %c0_i32_1 = arith.constant 0 : i32
    return %c0_i32, %c0_i32_0 : i32, i32
  }
  func.func @transform_6(%arg0: i32) -> (i32, i32) {
    %c0_i32 = arith.constant 0 : i32
    %c0_i32_0 = arith.constant 0 : i32
    %c0_i32_1 = arith.constant 0 : i32
    return %c0_i32, %c0_i32_0 : i32, i32
  }
  func.func @transform_7(%arg0: i32) -> (i32, i32) {
    %c0_i32 = arith.constant 0 : i32
    %c0_i32_0 = arith.constant 0 : i32
    %c0_i32_1 = arith.constant 0 : i32
    return %c0_i32, %c0_i32_0 : i32, i32
  }
  func.func @transform_8(%arg0: i32) -> (i32, i32) {
    %c0_i32 = arith.constant 0 : i32
    %c0_i32_0 = arith.constant 0 : i32
    return %arg0, %c0_i32 : i32, i32
  }
  func.func @transform_9(%arg0: i32) -> (i32, i32) {
    %c0_i32 = arith.constant 0 : i32
    %c0_i32_0 = arith.constant 0 : i32
    return %arg0, %c0_i32 : i32, i32
  }
  func.func @transform_10(%arg0: i32) -> (i32, i32) {
    %c0_i32 = arith.constant 0 : i32
    %c0_i32_0 = arith.constant 0 : i32
    %c0_i32_1 = arith.constant 0 : i32
    return %c0_i32, %c0_i32_0 : i32, i32
  }
  func.func @transform_11(%arg0: i32) -> (i32, i32) {
    %c0_i32 = arith.constant 0 : i32
    %c0_i32_0 = arith.constant 0 : i32
    %c0_i32_1 = arith.constant 0 : i32
    return %c0_i32, %c0_i32_0 : i32, i32
  }
  func.func @transform_12(%arg0: i32) -> (i32, i32) {
    %c0_i32 = arith.constant 0 : i32
    %c0_i32_0 = arith.constant 0 : i32
    %c0_i32_1 = arith.constant 0 : i32
    return %c0_i32, %c0_i32_0 : i32, i32
  }
}

</mosaic_0001>

<sc_bundles>
// kernel: kernel.11.cloned.1.call-start
scs
__scs_entry_jumppad:
0x0: {  	(pc) =	sbr.rel $0x88, $3  }
0x1: {  	(tag) =	ssettag $0x0;
	lr =	simm.s32 $0x1  }
0x2: {  	[smem:$0x3F8A] =	sst lr;
	_ =	strace $0xD0000000  }
0x3: {  	_ = 	snop  }
0x4: {  	_ = 	snop  }
0x5: {  	_ = 	snop  }
0x6: {  	_ = 	snop  }
0x7: {  	_ = 	snop  }
__scs_overlays_trampoline_lowered:
0x8: {  	[smem:$0x3F99] =	sst s0  }
0x9: {  	[smem:$0x3F9A] =	sst s1  }
0xa: {  	[smem:$0x3F9B] =	sst s2  }
0xb: {  	[smem:$0x3F9C] =	sst s3  }
0xc: {  	[smem:$0x3F9D] =	sst s4  }
0xd: {  	[smem:$0x3F9E] =	sst s5  }
0xe: {  	[smem:$0x3F9F] =	sst s6  }
0xf: {  	[smem:$0x3FA0] =	sst s7  }
0x10: {  	[smem:$0x3FA1] =	sst s8  }
0x11: {  	[smem:$0x3FA2] =	sst s9;
	s0 =	simm.s32 @!p0 $0x0  }
0x12: {  	s1 =	sld [smem:$0x3F88];
	s0 =	simm.s32 @p0 $0x1  }
0x13: {  	[smem:$0x3FA3] =	sst s0;
	s0 =	simm.s32 @!p1 $0x0  }
0x14: {  	s2 =	sld [smem:$0x3F87];
	s0 =	simm.s32 @p1 $0x1  }
0x15: {  	[smem:$0x3FA4] =	sst s0;
	s0 =	simm.s32 @!p2 $0x0  }
0x16: {  	s3 =	sld [smem:$0x3FDB];
	s0 =	simm.s32 @p2 $0x1  }
0x17: {  	s4 =	simm.s32 $0x1BF5;
	[smem:$0x3FA6] =	sst s0  }
0x18: {  	s0 =	sld [smem:$0x3F89];
	_ =	swait.ge [sflag:s4], $0x0  }
0x19: {  	s7 =	sld [smem:$0x3F8A]  }
0x1a: {  	s8 =	sadd.s32 $0xFFFFE003, lr  }
0x1b: {  	s9 =	sadd.s32 $0xFFFFFEF7, lr;
	s5 =	simm.s32 $0xFFFFFFFF;
	p2 =	slt.u32 s8, $0xFFFFF086  }
0x1c: {  	p1 =	slt.u32 s9, $0xF7A;
	s5 =	simm.s32 @!p2 $0x0  }
0x1d: {  	s5 =	simm.s32 @p1 $0x1;
	p0 =	seq.s32 s7, s2  }
0x1e: {  	s7 =	smul.u32 @!p0 $0xF7A, s2;
	p2 =	seq.s32 @!p0 s5, $0x0  }
0x1f: {  	s9 =	smul.u32 $0xF7A, s1;
	s8 =	simm.s32 @!p0 $0x1BF5;
	p2 =	por !p2, p0  }
0x20: {  	[sflag:s8] =	ssyncset.s32 @!p0 $0xFFFFF086;
	s6 =	sadd.s32 @!p0 s3, s7;
	s7 =	simm.s32 @!p0 $0x108  }
0x21: {  	s3 =	sadd.s32 s3, s9;
	s6 =	sadd.s32 @!p0 $0x88, s6;
	s7 =	simm.s32 @p2 $0x1082  }
0x22: {  	[simem:s7], [sflag:s8] =	dma.local @!p0 [hbm:s6], $0xF7A  }
0x23: {  	s9 =	sor.u32 $0xD0000000, s2;
	s6 =	simm.s32 $0x108;
	_ =	swait.ge @!p0 [sflag:s8], $0x0  }
0x24: {  	s3 =	sadd.s32 $0x88, s3;
	s6 =	simm.s32 @!p1 $0x1082;
	[sflag:s4] =	ssyncset.s32 $0xFFFFF086  }
0x25: {  	[simem:s6], [sflag:s4] =	dma.local [hbm:s3], $0xF7A  }
0x26: {  	[smem:$0x3F8A] =	sst s1;
	(tag) =	ssettag s2;
	_ =	strace s9  }
0x27: {  	s1 =	sld [smem:$0x3F9A]  }
0x28: {  	s2 =	sld [smem:$0x3F9B]  }
0x29: {  	s4 =	sld [smem:$0x3F9D]  }
0x2a: {  	p0 =	seq.s32 s5, $0x0;
	s5 =	sld [smem:$0x3F9E]  }
0x2b: {  	s6 =	sld [smem:$0x3F9F]  }
0x2c: {  	s7 =	sld [smem:$0x3FA0]  }
0x2d: {  	s3 =	simm.s32 $0x108;
	s8 =	sld [smem:$0x3FA1]  }
0x2e: {  	s3 =	simm.s32 @!p0 $0x1082;
	s9 =	sld [smem:$0x3FA2]  }
0x2f: {  	lr =	sadd.s32 s0, s3;
	s0 =	sld [smem:$0x3F99]  }
0x30: {  	s3 =	sld [smem:$0x3F9C]  }
0x31: {  	[smem:$0x3FA5] =	sst s10  }
0x32: {  	s10 =	sld [smem:$0x3FA3];
	_ =	sdelay $0x3  }
0x33: {  	p0 =	seq.s32 s10, $0x1;
	s10 =	sld [smem:$0x3FA5];
	_ =	sdelay $0x3  }
0x34: {  	[smem:$0x3FA5] =	sst s10  }
0x35: {  	s10 =	sld [smem:$0x3FA4];
	_ =	sdelay $0x3  }
0x36: {  	p1 =	seq.s32 s10, $0x1;
	s10 =	sld [smem:$0x3FA5];
	_ =	sdelay $0x3  }
0x37: {  	[smem:$0x3FA5] =	sst s10  }
0x38: {  	s10 =	sld [smem:$0x3FA6]  }
0x39: {  	_ = 	snop;
	(pc) =	sbr.ind lr, $3  }
0x3a: {  	_ = 	snop  }
0x3b: {  	_ = 	snop  }
0x3c: {  	p2 =	seq.s32 s10, $0x1;
	s10 =	sld [smem:$0x3FA5]  }
0x3d: {  	_ =	shalt  }
0x3e: {  	_ =	shalt  }
0x3f: {  	_ =	shalt  }
0x40: {  	_ =	shalt  }
0x41: {  	_ =	shalt  }
0x42: {  	_ =	shalt  }
0x43: {  	_ =	shalt  }
0x44: {  	_ =	shalt  }
0x45: {  	_ =	shalt  }
0x46: {  	_ =	shalt  }
0x47: {  	_ =	shalt  }
0x48: {  	_ =	shalt  }
0x49: {  	_ =	shalt  }
0x4a: {  	_ =	shalt  }
0x4b: {  	_ =	shalt  }
0x4c: {  	_ =	shalt  }
0x4d: {  	_ =	shalt  }
0x4e: {  	_ =	shalt  }
0x4f: {  	_ =	shalt  }
0x50: {  	_ =	shalt  }
0x51: {  	_ =	shalt  }
0x52: {  	_ =	shalt  }
0x53: {  	_ =	shalt  }
0x54: {  	_ =	shalt  }
0x55: {  	_ =	shalt  }
0x56: {  	_ =	shalt  }
0x57: {  	_ =	shalt  }
0x58: {  	_ =	shalt  }
0x59: {  	_ =	shalt  }
0x5a: {  	_ =	shalt  }
0x5b: {  	_ =	shalt  }
0x5c: {  	_ =	shalt  }
0x5d: {  	_ =	shalt  }
0x5e: {  	_ =	shalt  }
0x5f: {  	_ =	shalt  }
0x60: {  	_ =	shalt  }
0x61: {  	_ =	shalt  }
0x62: {  	_ =	shalt  }
0x63: {  	_ =	shalt  }
0x64: {  	_ =	shalt  }
0x65: {  	_ =	shalt  }
0x66: {  	_ =	shalt  }
0x67: {  	_ =	shalt  }
0x68: {  	_ =	shalt  }
0x69: {  	_ =	shalt  }
0x6a: {  	_ =	shalt  }
0x6b: {  	_ =	shalt  }
0x6c: {  	_ =	shalt  }
0x6d: {  	_ =	shalt  }
0x6e: {  	_ =	shalt  }
0x6f: {  	_ =	shalt  }
0x70: {  	_ =	shalt  }
0x71: {  	_ =	shalt  }
0x72: {  	_ =	shalt  }
0x73: {  	_ =	shalt  }
0x74: {  	_ =	shalt  }
0x75: {  	_ =	shalt  }
0x76: {  	_ =	shalt  }
0x77: {  	_ =	shalt  }
0x78: {  	_ =	shalt  }
0x79: {  	_ =	shalt  }
0x7a: {  	_ =	shalt  }
0x7b: {  	_ =	shalt  }
0x7c: {  	_ =	shalt  }
0x7d: {  	_ =	shalt  }
0x7e: {  	_ =	shalt  }
0x7f: {  	_ =	shalt  }
0x80: {  	_ =	shalt  }
0x81: {  	_ =	shalt  }
0x82: {  	_ =	shalt  }
0x83: {  	_ =	shalt  }
0x84: {  	_ =	shalt  }
0x85: {  	_ =	shalt  }
0x86: {  	_ =	shalt  }
0x87: {  	_ =	shalt  }
.Lfunc_end0:
.L_simem_size_0:
called_computation_lowered:
.L_overlay_start_0:
0x88: {  	s2 =	sld [smem:$0x3FD9]  }
0x89: {  	s3 =	sld [smem:$0x3FFE];
	_ =	sdelay $0x1  }
0x8a: {  	s1 =	srdreg.scid  }
0x8b: {  	s0 =	sand.u32 $0x1, s1  }
0x8c: {  	s16 =	sshll.u32 s0, $0xA;
	s2 =	sadd.s32 s3, s2  }
0x8d: {  	s2 =	sadd.s32 s2, s16  }
0x8e: {  	[smem:$0x3FB1] =	sst s2  }
0x8f: {  	_ = 	snop  }
0x90: {  	(tm) =	ssettm $0x1  }
0x91: {  	s17 =	sld [smem:$0x3FFB];
	_ =	sdelay $0x3  }
0x92: {  	_ =	strace s17  }
0x93: {  	s2 =	sld [smem:$0x3FFC];
	_ =	sdelay $0x3  }
0x94: {  	_ =	strace s2  }
0x95: {  	s2 =	sld [smem:$0x3FFD];
	_ =	sdelay $0x3  }
0x96: {  	_ =	strace s2  }
0x97: {  	_ =	strace $0x8FFFFFFF  }
0x98: {  	s18 =	sld [smem:$0x3FDB];
	_ =	sdelay $0x1  }
0x99: {  	s19 =	simm.s32 $_scs_section_size  }
0x9a: {  	s4 =	simm.s32 $_size__tile_overlayer_lowered;
	s5 =	simm.s32 $_tile_overlayer_lowered  }
0x9b: {  	s22 =	simm.s32 $0x1BFF;
	s21 =	sshll.u32 s5, $0x1;
	s2 =	sadd.s32 s19, s18  }
0x9c: {  	s6 =	simm.s32 $0x0;
	s20 =	sshll.u32 s4, $0x1;
	s4 =	sadd.s32 s21, s2  }
0x9d: {  	[timem:s6], [sflag:s22] =	dma.local [hbm:s4], s20  }
0x9e: {  	_ =	swait.ge [sflag:s22], s20  }
0x9f: {  	s3 =	ssub.s32 $0x0, s20;
	[sflag:s22] =	ssyncset.done $0x0  }
0xa0: {  	[sflag:s22] =	ssyncadd.s32 s3;
	_ =	sdelay $0x1  }
0xa1: {  	s23 =	simm.s32 $0x1B8B  }
0xa2: {  	_ =	swait.ge [sflag:s23], $0x1  }
0xa3: {  	[sflag:s23] =	ssyncset.done $0x0  }
0xa4: {  	s25 =	simm.s32 $0x1B8E;
	s24 =	sld [smem:$0x3FFE];
	[sflag:s23] =	ssyncadd.s32 $0xFFFFFFFF  }
0xa5: {  	s26 =	simm.s32 $execute0_lowered;
	[smem:$0x3FD2] =	sst s25  }
0xa6: {  	s4 =	sshll.u32 s26, $0x1;
	_ =	strace $0x80000046;
	[dreg:$0x1] =	wrdreg $0xFFFFFFFF  }
0xa7: {  	s28 =	simm.s32 $_size_execute0_lowered;
	s2 =	sadd.s32 s2, s4;
	[dreg:$0x0] =	wrdreg $0x0  }
0xa8: {  	s4 =	sshll.u32 s28, $0x1;
	[dreg:$0x2] =	wrdreg s2  }
0xa9: {  	[dreg:$0x3] =	wrdreg s4  }
0xaa: {  	[dreg:$0x4] =	wrdreg $0xC0  }
0xab: {  	_ =	task [dreg:s6], $0x5FFFF  }
0xac: {  	[dreg:$0x1] =	wrdreg $0xFFFFFFFF  }
0xad: {  	[dreg:$0x0] =	wrdreg $0x60  }
0xae: {  	[dreg:$0x2] =	wrdreg s24  }
0xaf: {  	[dreg:$0x3] =	wrdreg $0x14000  }
0xb0: {  	[dreg:$0x4] =	wrdreg $0x9  }
0xb1: {  	_ =	task.clear_ibuf [dreg:s6], $0x5FFFF;
	_ =	strace $0x90000046  }
0xb2: {  	s29 =	simm.s32 $0x9;
	_ =	strace $0x80000048  }
0xb3: {  	_ =	swait.ge [sflag:s29], $0x1  }
0xb4: {  	[sflag:s29] =	ssyncadd.s32 $0xFFFFFFFF  }
0xb5: {  	_ =	strace $0x90000048  }
0xb6: {  	_ =	sfence  }
0xb7: {  	s30 =	sld [smem:$0x0];
	_ =	sdelay $0x2  }
0xb8: {  	s31 =	sshll.u32 s1, $0xD;
	s1 =	sshrl.u32 s1, $0x2  }
0xb9: {  	s3 =	sand.u32 $0x4000, s31;
	s1 =	sadd.s32 s1, s30  }
0xba: {  	s0 =	sor.u32 s3, s0;
	s1 =	sshll.u32 s1, $0x11  }
0xbb: {  	s0 =	sor.u32 s1, s0  }
0xbc: {  	s0 =	sadd.s32 $0x8F2B, s0  }
0xbd: {  	[sflag:s0] =	ssyncadd.remote.s32 $0x1  }
0xbe: {  	_ =	sfence.sel $0xFFFF  }
0xbf: {  	[dreg:$0x0] =	wrdreg $0xFFFFFFFF;
	(pc) =	sbr.abs _section_cstart, $3  }
0xc0: {  	[dreg:$0x1] =	wrdreg $0xFFFFFFFF  }
0xc1: {  	_ =	task.clear_ibuf [dreg:s6], $0x2FFFF;
	_ =	strace $0x9FFFFFFF  }
0xc2: {  	(tm) =	ssettm $0x7FFFFFFF  }
0xc3: {  	_ =	shalt  }
tec
execute0_lowered:
.L_overlay_start_1:
0x0: {  	(tag) =	ssettag $0x1  }
0x1: {  	s10 =	rddreg [dreg:$0x0]  }
0x2: {  	s1 =	rddreg [dreg:$0x1]  }
0x3: {  	s0 =	rddreg [dreg:$0x2]  }
0x4: {  	s2 =	simm.s32 $0x0;
	s6 =	srdreg.scid;
	s3 =	stileid.u32  }
0x5: {  	s16 =	simm.s32 $0x107C00;
	s19 =	simm.s32 $0x200;
	s20 =	simm.s32 $0x1  }
0x6: {  	s21 =	simm.s32 $0xC00;
	s22 =	simm.s32 $0x2;
	s23 =	simm.s32 $0x300  }
0x7: {  	s24 =	simm.s32 $0x0;
	[smem:$0x7FF] =	sst s2;
	s12 =	smul.u32 $0x61C0, s3  }
0x8: {  	s4 =	sadd.s32 $0xFAA00, s10;
	s5 =	sadd.s32 $0x5200, s10;
	s30 =	smul.u32 $0x1900, s3  }
0x9: {  	s11 =	sand.u32 $0x1, s6;
	s26 =	sshll.u32 s3, $0x1;
	s18 =	smul.u32 $0xC8, s3  }
0xa: {  	s6 =	sadd.s32 $0x106E00, s10;
	s29 =	sshll.u32 s3, $0x6;
	s17 =	smul.u32 $0xC80, s11  }
0xb: {  	_ =	strace $0x80000047;
	s8 =	sor.u32 s11, s26;
	s31 =	smul.u32 $0x64, s11  }
0xc: {  	s7 =	ssub.s32 $0x2, s11;
	p0 =	seq.s32 s11, $0x1;
	s13 =	smul.u32 $0xC80, s8  }
0xd: {  	s9 =	sshrl.u32 s7, $0x1;
	s28 =	smul.u32 $0x64, s8;
	s15 =	sadd.s32 s12, s1  }
0xe: {  	s12 =	sshrl.u32 s12, $0x3;
	s16 =	simm.s32 @!p0 $0x114000;
	s14 =	ssub.s32 s7, s9  }
0xf: {  	s7 =	sor.u32 $0x1C03, s29;
	s16 =	sadd.s32 s16, s10;
	s8 =	sadd.s32 s5, s13  }
0x10: {  	s9 =	sadd.s32 $0x63, s28;
	s13 =	sadd.s32 s30, s5;
	s10 =	smax.u32 s14, $0x1  }
0x11: {  	s11 =	sadd.s32 s16, s12;
	s14 =	sshrl.u32 s15, $0x3;
	s15 =	simm.s32 $0x3  }
0x12: {  	s16 =	simm.s32 $0x100;
	s13 =	sadd.s32 s17, s13;
	s17 =	simm.s32 $0xC8000  }
0x13: {  	s12 =	sadd.s32 $0x20, s13;
	s13 =	sadd.s32 s31, s18;
	s18 =	simm.s32 $0x400  }
.LBB2_1:
0x14: {  	[spmem:s14], [sflag:s7] =	dma.local [hbm:s6], $0xC38  }
0x15: {  	_ =	swait.ge [sflag:s15], $0xC38  }
0x16: {  	[sflag:s15] =	ssyncset.done $0x0  }
0x17: {  	[sflag:s15] =	ssyncadd.s32 $0xFFFFF3C8  }
0x18: {  	[bflag:$0x0] =	sbarrier.arrive $0xFFFF  }
0x19: {  	[tilespmem:s2], [sflag:$0x3] =	stream.strided.gather [hbm4b:s8+s16], $0x200, s17, s16, $0x38;
	[tilespmem:$0x75C0] =	vst v63  }
0x1a: {  	_ =	swait.ge [sflag:s15], $0x200  }
0x1b: {  	[sflag:s15] =	ssyncset.done $0x0  }
0x1c: {  	[sflag:s15] =	ssyncadd.s32 $0xFFFFFE00  }
0x1d: {  	[tilespmem:s18], [sflag:$0x1] =	stream.indirect.gather [hbm4b:s4+s16], $0x8, s2, s16, $0xb8;
	[tilespmem:$0x75C0] =	vst v63  }
0x1e: {  	_ = 	snop  }
0x1f: {  	[tilespmem:s19], [sflag:$0x3] =	stream.strided.gather [hbm4b:s12+s16], $0x200, s17, s16, $0x38;
	[tilespmem:$0x75C0] =	vst v63  }
0x20: {  	_ =	swait.ge [sflag:s15], $0x200  }
0x21: {  	[sflag:s15] =	ssyncset.done $0x0  }
0x22: {  	[sflag:s15] =	ssyncadd.s32 $0xFFFFFE00  }
0x23: {  	_ =	swait.ge [sflag:s20], $0x800  }
0x24: {  	s25 =	sadd.s32 $0x2, s13;
	[sflag:s20] =	ssyncset.done $0x0  }
0x25: {  	s26 =	smov.u32 s9;
	p0 =	slt.s32 s25, s9;
	[sflag:s20] =	ssyncadd.s32 $0xFFFFF800  }
0x26: {  	[tilespmem:s21], [sflag:$0x2] =	stream.indirect.gather [hbm4b:s4+s16], $0x8, s19, s16, $0xb8;
	[tilespmem:$0x75C0] =	vst v63  }
0x27: {  	s26 =	smov.u32 @p0 s25  }
0x28: {  	[spmem:s1] =	stream.indirect.scatter.add.f32 [tilespmem:s18], [sflag:$0x3], $0x8, s16, s16, $0xb8;
	[tilespmem:$0x75C0] =	vst v63  }
0x29: {  	s25 =	sshll.u32 s26, $0x5;
	_ =	swait.ge [sflag:s15], $0x800  }
0x2a: {  	s25 =	sand.u32 $0x1FFFFFE0, s25;
	[sflag:s15] =	ssyncset.done $0x0  }
0x2b: {  	s25 =	sadd.s32 s5, s25;
	[sflag:s15] =	ssyncadd.s32 $0xFFFFF800  }
0x2c: {  	[tilespmem:s2], [sflag:$0x3] =	stream.strided.gather [hbm4b:s25+s16], $0x200, s17, s16, $0x38;
	[tilespmem:$0x75C0] =	vst v63  }
0x2d: {  	_ =	swait.ge [sflag:s15], $0x200  }
0x2e: {  	[sflag:s15] =	ssyncset.done $0x0  }
0x2f: {  	[sflag:s15] =	ssyncadd.s32 $0xFFFFFE00  }
0x30: {  	_ =	swait.ge [sflag:s22], $0x800  }
0x31: {  	[sflag:s22] =	ssyncset.done $0x0  }
0x32: {  	[sflag:s22] =	ssyncadd.s32 $0xFFFFF800  }
0x33: {  	[tilespmem:s18], [sflag:$0x1] =	stream.indirect.gather [hbm4b:s4+s16], $0x8, s2, s16, $0xb8;
	[tilespmem:$0x75C0] =	vst v63  }
0x34: {  	_ = 	snop  }
0x35: {  	[spmem:s1] =	stream.indirect.scatter.add.f32 [tilespmem:s21], [sflag:$0x3], $0x8, s23, s16, $0xb8;
	[tilespmem:$0x75C0] =	vst v63  }
0x36: {  	s26 =	smov.u32 s12;
	s25 =	simm.s32 $0x4;
	_ =	swait.ge [sflag:s15], $0x800  }
.LBB2_2:
0x37: {  	p0 =	sne.s32 s25, $0x64;
	[sflag:s15] =	ssyncset.done $0x0;
	s26 =	sadd.s32 $0x40, s26  }
0x38: {  	s28 =	smov.u32 s25;
	s25 =	sadd.s32 $0x2, s25;
	[sflag:s15] =	ssyncadd.s32 $0xFFFFF800  }
0x39: {  	[tilespmem:s19], [sflag:$0x3] =	stream.strided.gather [hbm4b:s26+s16], $0x200, s17, s16, $0x38;
	[tilespmem:$0x75C0] =	vst v63  }
0x3a: {  	_ =	swait.ge [sflag:s15], $0x200  }
0x3b: {  	[sflag:s15] =	ssyncset.done $0x0  }
0x3c: {  	[sflag:s15] =	ssyncadd.s32 $0xFFFFFE00  }
0x3d: {  	_ =	swait.ge [sflag:s20], $0x800  }
0x3e: {  	[sflag:s20] =	ssyncset.done $0x0  }
0x3f: {  	s28 =	sadd.s32 s28, s13;
	[sflag:s20] =	ssyncadd.s32 $0xFFFFF800  }
0x40: {  	[tilespmem:s21], [sflag:$0x2] =	stream.indirect.gather [hbm4b:s4+s16], $0x8, s19, s16, $0xb8;
	[tilespmem:$0x75C0] =	vst v63  }
0x41: {  	s29 =	smov.u32 s9;
	p1 =	slt.s32 s28, s9  }
0x42: {  	[spmem:s1] =	stream.indirect.scatter.add.f32 [tilespmem:s18], [sflag:$0x3], $0x8, s16, s16, $0xb8;
	[tilespmem:$0x75C0] =	vst v63  }
0x43: {  	s29 =	smov.u32 @p1 s28;
	_ =	swait.ge [sflag:s15], $0x800  }
0x44: {  	s28 =	sshll.u32 s29, $0x5;
	[sflag:s15] =	ssyncset.done $0x0  }
0x45: {  	s28 =	sand.u32 $0x1FFFFFE0, s28;
	[sflag:s15] =	ssyncadd.s32 $0xFFFFF800  }
0x46: {  	s28 =	sadd.s32 s5, s28  }
0x47: {  	[tilespmem:s2], [sflag:$0x3] =	stream.strided.gather [hbm4b:s28+s16], $0x200, s17, s16, $0x38;
	[tilespmem:$0x75C0] =	vst v63  }
0x48: {  	_ =	swait.ge [sflag:s15], $0x200  }
0x49: {  	[sflag:s15] =	ssyncset.done $0x0  }
0x4a: {  	[sflag:s15] =	ssyncadd.s32 $0xFFFFFE00  }
0x4b: {  	_ =	swait.ge [sflag:s22], $0x800  }
0x4c: {  	[sflag:s22] =	ssyncset.done $0x0  }
.Ltmp0:
0x4d: {  	[sflag:s22] =	ssyncadd.s32 $0xFFFFF800;
	(pc) =	sbr.rel @p0 .LBB2_2-.Ltmp0, $4  }
0x4e: {  	[tilespmem:s18], [sflag:$0x1] =	stream.indirect.gather [hbm4b:s4+s16], $0x8, s2, s16, $0xb8;
	[tilespmem:$0x75C0] =	vst v63  }
0x4f: {  	_ = 	snop  }
0x50: {  	[spmem:s1] =	stream.indirect.scatter.add.f32 [tilespmem:s21], [sflag:$0x3], $0x8, s23, s16, $0xb8;
	[tilespmem:$0x75C0] =	vst v63  }
0x51: {  	_ =	swait.ge [sflag:s15], $0x800  }
0x52: {  	[sflag:s15] =	ssyncset.done $0x0  }
0x53: {  	[sflag:s15] =	ssyncadd.s32 $0xFFFFF800  }
0x54: {  	_ =	swait.ge [sflag:s20], $0x800  }
0x55: {  	s24 =	sadd.s32 $0x1, s24;
	[sflag:s20] =	ssyncset.done $0x0  }
0x56: {  	p0 =	sne.s32 s24, s10;
	[sflag:s20] =	ssyncadd.s32 $0xFFFFF800  }
.Ltmp1:
0x57: {  	[bflag:$0x0] =	sbarrier.arrive $0xFFFF;
	(pc) =	sbr.rel @p0 .LBB2_1-.Ltmp1, $4  }
0x58: {  	[hbm:s11], [sflag:s7] =	dma.local [spmem:s14], $0xC38  }
0x59: {  	_ =	swait.ge [sflag:s15], $0xC38  }
0x5a: {  	[sflag:s15] =	ssyncset.done $0x0  }
0x5b: {  	[sflag:s15] =	ssyncadd.s32 $0xFFFFF3C8  }
0x5c: {  	_ =	sfence.sel $0x180000  }
0x5d: {  	[bflag:$0x0] =	sbarrier.arrive $0xFFFF  }
0x5e: {  	p0 =	sne.s32 s3, $0x0;
	_ =	strace $0x90000047  }
0x5f: {  	s0 =	sadd.s32 @!p0 $0x100000, s0;
	[bflag:$0x2] =	sbarrier.arrive $0xFFFF  }
0x60: {  	[sflag:s0] =	ssyncadd.tile.s32 @!p0 $0x1;
	_ =	shalt  }
.Lfunc_end2:
_tile_overlayer_lowered:
.L_overlay_start_2:
0x61: {  	(tag) =	ssettag $0x2  }
0x62: {  	s0 =	rddreg [dreg:$0x0];
	s2 =	stileid.u32  }
0x63: {  	s1 =	rddreg [dreg:$0x1];
	p0 =	sne.s32 s2, $0x0  }
0x64: {  	s3 =	rddreg [dreg:$0x2];
	[bflag:$0x3] =	sbarrier.arrive $0xFFFF;
	s2 =	simm.s32 @!p0 $0x1C03  }
0x65: {  	[timem:s3], [sflag:s2] =	dma.local @!p0 [hbm:s0], s1  }
0x66: {  	s0 =	simm.s32 @!p0 $0x3  }
0x67: {  	_ =	swait.ge @!p0 [sflag:s0], s1  }
0x68: {  	s1 =	ssub.s32 @!p0 $0x0, s1;
	[sflag:s0] =	ssyncset.done @!p0 $0x0  }
0x69: {  	[sflag:s0] =	ssyncadd.s32 @!p0 s1  }
0x6a: {  	[bflag:$0x3] =	sbarrier.arrive $0xFFFF  }
0x6b: {  	_ =	shalt  }

// kernel: kernel.14.cloned.1.call-start
scs
__scs_entry_jumppad:
0x0: {  	(pc) =	sbr.rel $0x88, $3  }
0x1: {  	(tag) =	ssettag $0x0;
	lr =	simm.s32 $0x1  }
0x2: {  	[smem:$0x3F8A] =	sst lr;
	_ =	strace $0xD0000000  }
0x3: {  	_ = 	snop  }
0x4: {  	_ = 	snop  }
0x5: {  	_ = 	snop  }
0x6: {  	_ = 	snop  }
0x7: {  	_ = 	snop  }
__scs_overlays_trampoline_lowered:
0x8: {  	[smem:$0x3F99] =	sst s0  }
0x9: {  	[smem:$0x3F9A] =	sst s1  }
0xa: {  	[smem:$0x3F9B] =	sst s2  }
0xb: {  	[smem:$0x3F9C] =	sst s3  }
0xc: {  	[smem:$0x3F9D] =	sst s4  }
0xd: {  	[smem:$0x3F9E] =	sst s5  }
0xe: {  	[smem:$0x3F9F] =	sst s6  }
0xf: {  	[smem:$0x3FA0] =	sst s7  }
0x10: {  	[smem:$0x3FA1] =	sst s8  }
0x11: {  	[smem:$0x3FA2] =	sst s9;
	s0 =	simm.s32 @!p0 $0x0  }
0x12: {  	s1 =	sld [smem:$0x3F88];
	s0 =	simm.s32 @p0 $0x1  }
0x13: {  	[smem:$0x3FA3] =	sst s0;
	s0 =	simm.s32 @!p1 $0x0  }
0x14: {  	s2 =	sld [smem:$0x3F87];
	s0 =	simm.s32 @p1 $0x1  }
0x15: {  	[smem:$0x3FA4] =	sst s0;
	s0 =	simm.s32 @!p2 $0x0  }
0x16: {  	s3 =	sld [smem:$0x3FDB];
	s0 =	simm.s32 @p2 $0x1  }
0x17: {  	s4 =	simm.s32 $0x1BF5;
	[smem:$0x3FA6] =	sst s0  }
0x18: {  	s0 =	sld [smem:$0x3F89];
	_ =	swait.ge [sflag:s4], $0x0  }
0x19: {  	s7 =	sld [smem:$0x3F8A]  }
0x1a: {  	s8 =	sadd.s32 $0xFFFFE003, lr  }
0x1b: {  	s9 =	sadd.s32 $0xFFFFFEF7, lr;
	s5 =	simm.s32 $0xFFFFFFFF;
	p2 =	slt.u32 s8, $0xFFFFF086  }
0x1c: {  	p1 =	slt.u32 s9, $0xF7A;
	s5 =	simm.s32 @!p2 $0x0  }
0x1d: {  	s5 =	simm.s32 @p1 $0x1;
	p0 =	seq.s32 s7, s2  }
0x1e: {  	s7 =	smul.u32 @!p0 $0xF7A, s2;
	p2 =	seq.s32 @!p0 s5, $0x0  }
0x1f: {  	s9 =	smul.u32 $0xF7A, s1;
	s8 =	simm.s32 @!p0 $0x1BF5;
	p2 =	por !p2, p0  }
0x20: {  	[sflag:s8] =	ssyncset.s32 @!p0 $0xFFFFF086;
	s6 =	sadd.s32 @!p0 s3, s7;
	s7 =	simm.s32 @!p0 $0x108  }
0x21: {  	s3 =	sadd.s32 s3, s9;
	s6 =	sadd.s32 @!p0 $0x88, s6;
	s7 =	simm.s32 @p2 $0x1082  }
0x22: {  	[simem:s7], [sflag:s8] =	dma.local @!p0 [hbm:s6], $0xF7A  }
0x23: {  	s9 =	sor.u32 $0xD0000000, s2;
	s6 =	simm.s32 $0x108;
	_ =	swait.ge @!p0 [sflag:s8], $0x0  }
0x24: {  	s3 =	sadd.s32 $0x88, s3;
	s6 =	simm.s32 @!p1 $0x1082;
	[sflag:s4] =	ssyncset.s32 $0xFFFFF086  }
0x25: {  	[simem:s6], [sflag:s4] =	dma.local [hbm:s3], $0xF7A  }
0x26: {  	[smem:$0x3F8A] =	sst s1;
	(tag) =	ssettag s2;
	_ =	strace s9  }
0x27: {  	s1 =	sld [smem:$0x3F9A]  }
0x28: {  	s2 =	sld [smem:$0x3F9B]  }
0x29: {  	s4 =	sld [smem:$0x3F9D]  }
0x2a: {  	p0 =	seq.s32 s5, $0x0;
	s5 =	sld [smem:$0x3F9E]  }
0x2b: {  	s6 =	sld [smem:$0x3F9F]  }
0x2c: {  	s7 =	sld [smem:$0x3FA0]  }
0x2d: {  	s3 =	simm.s32 $0x108;
	s8 =	sld [smem:$0x3FA1]  }
0x2e: {  	s3 =	simm.s32 @!p0 $0x1082;
	s9 =	sld [smem:$0x3FA2]  }
0x2f: {  	lr =	sadd.s32 s0, s3;
	s0 =	sld [smem:$0x3F99]  }
0x30: {  	s3 =	sld [smem:$0x3F9C]  }
0x31: {  	[smem:$0x3FA5] =	sst s10  }
0x32: {  	s10 =	sld [smem:$0x3FA3];
	_ =	sdelay $0x3  }
0x33: {  	p0 =	seq.s32 s10, $0x1;
	s10 =	sld [smem:$0x3FA5];
	_ =	sdelay $0x3  }
0x34: {  	[smem:$0x3FA5] =	sst s10  }
0x35: {  	s10 =	sld [smem:$0x3FA4];
	_ =	sdelay $0x3  }
0x36: {  	p1 =	seq.s32 s10, $0x1;
	s10 =	sld [smem:$0x3FA5];
	_ =	sdelay $0x3  }
0x37: {  	[smem:$0x3FA5] =	sst s10  }
0x38: {  	s10 =	sld [smem:$0x3FA6]  }
0x39: {  	_ = 	snop;
	(pc) =	sbr.ind lr, $3  }
0x3a: {  	_ = 	snop  }
0x3b: {  	_ = 	snop  }
0x3c: {  	p2 =	seq.s32 s10, $0x1;
	s10 =	sld [smem:$0x3FA5]  }
0x3d: {  	_ =	shalt  }
0x3e: {  	_ =	shalt  }
0x3f: {  	_ =	shalt  }
0x40: {  	_ =	shalt  }
0x41: {  	_ =	shalt  }
0x42: {  	_ =	shalt  }
0x43: {  	_ =	shalt  }
0x44: {  	_ =	shalt  }
0x45: {  	_ =	shalt  }
0x46: {  	_ =	shalt  }
0x47: {  	_ =	shalt  }
0x48: {  	_ =	shalt  }
0x49: {  	_ =	shalt  }
0x4a: {  	_ =	shalt  }
0x4b: {  	_ =	shalt  }
0x4c: {  	_ =	shalt  }
0x4d: {  	_ =	shalt  }
0x4e: {  	_ =	shalt  }
0x4f: {  	_ =	shalt  }
0x50: {  	_ =	shalt  }
0x51: {  	_ =	shalt  }
0x52: {  	_ =	shalt  }
0x53: {  	_ =	shalt  }
0x54: {  	_ =	shalt  }
0x55: {  	_ =	shalt  }
0x56: {  	_ =	shalt  }
0x57: {  	_ =	shalt  }
0x58: {  	_ =	shalt  }
0x59: {  	_ =	shalt  }
0x5a: {  	_ =	shalt  }
0x5b: {  	_ =	shalt  }
0x5c: {  	_ =	shalt  }
0x5d: {  	_ =	shalt  }
0x5e: {  	_ =	shalt  }
0x5f: {  	_ =	shalt  }
0x60: {  	_ =	shalt  }
0x61: {  	_ =	shalt  }
0x62: {  	_ =	shalt  }
0x63: {  	_ =	shalt  }
0x64: {  	_ =	shalt  }
0x65: {  	_ =	shalt  }
0x66: {  	_ =	shalt  }
0x67: {  	_ =	shalt  }
0x68: {  	_ =	shalt  }
0x69: {  	_ =	shalt  }
0x6a: {  	_ =	shalt  }
0x6b: {  	_ =	shalt  }
0x6c: {  	_ =	shalt  }
0x6d: {  	_ =	shalt  }
0x6e: {  	_ =	shalt  }
0x6f: {  	_ =	shalt  }
0x70: {  	_ =	shalt  }
0x71: {  	_ =	shalt  }
0x72: {  	_ =	shalt  }
0x73: {  	_ =	shalt  }
0x74: {  	_ =	shalt  }
0x75: {  	_ =	shalt  }
0x76: {  	_ =	shalt  }
0x77: {  	_ =	shalt  }
0x78: {  	_ =	shalt  }
0x79: {  	_ =	shalt  }
0x7a: {  	_ =	shalt  }
0x7b: {  	_ =	shalt  }
0x7c: {  	_ =	shalt  }
0x7d: {  	_ =	shalt  }
0x7e: {  	_ =	shalt  }
0x7f: {  	_ =	shalt  }
0x80: {  	_ =	shalt  }
0x81: {  	_ =	shalt  }
0x82: {  	_ =	shalt  }
0x83: {  	_ =	shalt  }
0x84: {  	_ =	shalt  }
0x85: {  	_ =	shalt  }
0x86: {  	_ =	shalt  }
0x87: {  	_ =	shalt  }
.Lfunc_end0:
.L_simem_size_0:
called_computation.1_lowered:
.L_overlay_start_0:
0x88: {  	s2 =	sld [smem:$0x3FD9]  }
0x89: {  	s3 =	sld [smem:$0x3FFE];
	_ =	sdelay $0x1  }
0x8a: {  	s1 =	srdreg.scid  }
0x8b: {  	s0 =	sand.u32 $0x1, s1  }
0x8c: {  	s16 =	sshll.u32 s0, $0xA;
	s2 =	sadd.s32 s3, s2  }
0x8d: {  	s2 =	sadd.s32 s2, s16  }
0x8e: {  	[smem:$0x3FB1] =	sst s2  }
0x8f: {  	_ = 	snop  }
0x90: {  	(tm) =	ssettm $0x1  }
0x91: {  	s17 =	sld [smem:$0x3FFB];
	_ =	sdelay $0x3  }
0x92: {  	_ =	strace s17  }
0x93: {  	s2 =	sld [smem:$0x3FFC];
	_ =	sdelay $0x3  }
0x94: {  	_ =	strace s2  }
0x95: {  	s2 =	sld [smem:$0x3FFD];
	_ =	sdelay $0x3  }
0x96: {  	_ =	strace s2  }
0x97: {  	_ =	strace $0x8FFFFFFF  }
0x98: {  	s18 =	sld [smem:$0x3FDB];
	_ =	sdelay $0x1  }
0x99: {  	s19 =	simm.s32 $_scs_section_size  }
0x9a: {  	s4 =	simm.s32 $_size__tile_overlayer_lowered;
	s5 =	simm.s32 $_tile_overlayer_lowered  }
0x9b: {  	s22 =	simm.s32 $0x1BFF;
	s21 =	sshll.u32 s5, $0x1;
	s2 =	sadd.s32 s19, s18  }
0x9c: {  	s6 =	simm.s32 $0x0;
	s20 =	sshll.u32 s4, $0x1;
	s4 =	sadd.s32 s21, s2  }
0x9d: {  	[timem:s6], [sflag:s22] =	dma.local [hbm:s4], s20  }
0x9e: {  	_ =	swait.ge [sflag:s22], s20  }
0x9f: {  	s3 =	ssub.s32 $0x0, s20;
	[sflag:s22] =	ssyncset.done $0x0  }
0xa0: {  	[sflag:s22] =	ssyncadd.s32 s3;
	_ =	sdelay $0x1  }
0xa1: {  	s23 =	simm.s32 $0x1B8B  }
0xa2: {  	_ =	swait.ge [sflag:s23], $0x1  }
0xa3: {  	[sflag:s23] =	ssyncset.done $0x0  }
0xa4: {  	s25 =	simm.s32 $0x1B8E;
	s24 =	sld [smem:$0x3FFE];
	[sflag:s23] =	ssyncadd.s32 $0xFFFFFFFF  }
0xa5: {  	s26 =	simm.s32 $execute0_lowered;
	[smem:$0x3FD2] =	sst s25  }
0xa6: {  	s4 =	sshll.u32 s26, $0x1;
	_ =	strace $0x80000049;
	[dreg:$0x1] =	wrdreg $0xFFFFFFFF  }
0xa7: {  	s28 =	simm.s32 $_size_execute0_lowered;
	s2 =	sadd.s32 s2, s4;
	[dreg:$0x0] =	wrdreg $0x0  }
0xa8: {  	s4 =	sshll.u32 s28, $0x1;
	[dreg:$0x2] =	wrdreg s2  }
0xa9: {  	[dreg:$0x3] =	wrdreg s4  }
0xaa: {  	[dreg:$0x4] =	wrdreg $0xC0  }
0xab: {  	_ =	task [dreg:s6], $0x5FFFF  }
0xac: {  	[dreg:$0x1] =	wrdreg $0xFFFFFFFF  }
0xad: {  	[dreg:$0x0] =	wrdreg $0x60  }
0xae: {  	[dreg:$0x2] =	wrdreg s24  }
0xaf: {  	[dreg:$0x3] =	wrdreg $0x44000  }
0xb0: {  	[dreg:$0x4] =	wrdreg $0x9  }
0xb1: {  	_ =	task.clear_ibuf [dreg:s6], $0x5FFFF;
	_ =	strace $0x90000049  }
0xb2: {  	s29 =	simm.s32 $0x9;
	_ =	strace $0x8000004B  }
0xb3: {  	_ =	swait.ge [sflag:s29], $0x1  }
0xb4: {  	[sflag:s29] =	ssyncadd.s32 $0xFFFFFFFF  }
0xb5: {  	_ =	strace $0x9000004B  }
0xb6: {  	_ =	sfence  }
0xb7: {  	s30 =	sld [smem:$0x0];
	_ =	sdelay $0x2  }
0xb8: {  	s31 =	sshll.u32 s1, $0xD;
	s1 =	sshrl.u32 s1, $0x2  }
0xb9: {  	s3 =	sand.u32 $0x4000, s31;
	s1 =	sadd.s32 s1, s30  }
0xba: {  	s0 =	sor.u32 s3, s0;
	s1 =	sshll.u32 s1, $0x11  }
0xbb: {  	s0 =	sor.u32 s1, s0  }
0xbc: {  	s0 =	sadd.s32 $0x8F2B, s0  }
0xbd: {  	[sflag:s0] =	ssyncadd.remote.s32 $0x1  }
0xbe: {  	_ =	sfence.sel $0xFFFF  }
0xbf: {  	[dreg:$0x0] =	wrdreg $0xFFFFFFFF;
	(pc) =	sbr.abs _section_cstart, $3  }
0xc0: {  	[dreg:$0x1] =	wrdreg $0xFFFFFFFF  }
0xc1: {  	_ =	task.clear_ibuf [dreg:s6], $0x2FFFF;
	_ =	strace $0x9FFFFFFF  }
0xc2: {  	(tm) =	ssettm $0x7FFFFFFF  }
0xc3: {  	_ =	shalt  }
tec
execute0_lowered:
.L_overlay_start_1:
0x0: {  	(tag) =	ssettag $0x1  }
0x1: {  	s7 =	rddreg [dreg:$0x0]  }
0x2: {  	s1 =	rddreg [dreg:$0x1]  }
0x3: {  	s0 =	rddreg [dreg:$0x2];
	s2 =	simm.s32 $0x0;
	s3 =	srdreg.scid  }
0x4: {  	s19 =	simm.s32 $0xC8000;
	s20 =	simm.s32 $0x400;
	s21 =	simm.s32 $0x200  }
0x5: {  	s22 =	simm.s32 $0x1;
	s23 =	simm.s32 $0x2400;
	s24 =	simm.s32 $0x2  }
0x6: {  	s25 =	simm.s32 $0x300;
	s26 =	simm.s32 $0x0;
	s14 =	sadd.s32 $0x2D8200, s7  }
0x7: {  	[smem:$0x7FF] =	sst s2;
	s4 =	sadd.s32 $0x2A7400, s7;
	s5 =	sadd.s32 $0x5200, s7  }
0x8: {  	s10 =	sand.u32 $0x1, s3;
	s6 =	sadd.s32 $0xFAA00, s7;
	s3 =	stileid.u32  }
0x9: {  	s13 =	sadd.s32 $0x339E00, s7;
	s15 =	sadd.s32 $0x309000, s7;
	s11 =	smul.u32 $0x18700, s3  }
0xa: {  	_ =	strace $0x8000004A;
	s8 =	ssub.s32 $0x2, s10;
	s30 =	smul.u32 $0x1900, s3  }
0xb: {  	s7 =	smul.u32 $0xC8, s3;
	s31 =	sshll.u32 s3, $0x6;
	p0 =	seq.s32 s10, $0x0  }
0xc: {  	s9 =	sshrl.u32 s8, $0x1;
	s15 =	smov.u32 @p0 s13;
	s4 =	smov.u32 @p0 s14  }
0xd: {  	s12 =	ssub.s32 s8, s9;
	s16 =	sadd.s32 s11, s1;
	s8 =	sor.u32 $0x1C03, s31  }
0xe: {  	s9 =	sadd.s32 s5, s30;
	s10 =	sadd.s32 $0xC7, s7;
	s17 =	sshrl.u32 s11, $0x3  }
0xf: {  	s11 =	smax.u32 s12, $0x1;
	s12 =	sadd.s32 $0x18E0, s9;
	s18 =	sshll.u32 s10, $0x5  }
0x10: {  	s14 =	sadd.s32 s15, s17;
	s15 =	sadd.s32 $0x20, s9;
	s16 =	sshrl.u32 s16, $0x3  }
0x11: {  	s17 =	simm.s32 $0x3;
	s13 =	sadd.s32 s5, s18;
	s18 =	simm.s32 $0x100  }
.LBB2_1:
0x12: {  	[spmem:s16], [sflag:s8] =	dma.local [hbm:s6], $0x30E0  }
0x13: {  	_ =	swait.ge [sflag:s17], $0x30E0  }
0x14: {  	[sflag:s17] =	ssyncset.done $0x0  }
0x15: {  	[sflag:s17] =	ssyncadd.s32 $0xFFFFCF20  }
0x16: {  	[bflag:$0x0] =	sbarrier.arrive $0xFFFF  }
0x17: {  	[tilespmem:s2], [sflag:$0x3] =	stream.strided.gather [hbm4b:s9+s18], $0x200, s19, s18, $0x38;
	[tilespmem:$0x1CB00] =	vst v63  }
0x18: {  	_ =	swait.ge [sflag:s17], $0x200  }
0x19: {  	[sflag:s17] =	ssyncset.done $0x0  }
0x1a: {  	[sflag:s17] =	ssyncadd.s32 $0xFFFFFE00  }
0x1b: {  	[tilespmem:s20], [sflag:$0x1] =	stream.indirect.gather [hbm4b:s4+s18], $0x20, s2, s18, $0xb8;
	[tilespmem:$0x1CB00] =	vst v63  }
0x1c: {  	_ = 	snop  }
0x1d: {  	[tilespmem:s21], [sflag:$0x3] =	stream.strided.gather [hbm4b:s15+s18], $0x200, s19, s18, $0x38;
	[tilespmem:$0x1CB00] =	vst v63  }
0x1e: {  	_ =	swait.ge [sflag:s17], $0x200  }
0x1f: {  	[sflag:s17] =	ssyncset.done $0x0  }
0x20: {  	[sflag:s17] =	ssyncadd.s32 $0xFFFFFE00  }
0x21: {  	_ =	swait.ge [sflag:s22], $0x2000  }
0x22: {  	[sflag:s22] =	ssyncset.done $0x0  }
0x23: {  	s28 =	sadd.s32 $0x2, s7;
	[sflag:s22] =	ssyncadd.s32 $0xFFFFE000  }
0x24: {  	[tilespmem:s23], [sflag:$0x2] =	stream.indirect.gather [hbm4b:s4+s18], $0x20, s21, s18, $0xb8;
	[tilespmem:$0x1CB00] =	vst v63  }
0x25: {  	s29 =	smov.u32 s10;
	p0 =	slt.s32 s28, s10  }
0x26: {  	[spmem:s1] =	stream.indirect.scatter.add.f32 [tilespmem:s20], [sflag:$0x3], $0x20, s18, s18, $0xb8;
	[tilespmem:$0x1CB00] =	vst v63  }
0x27: {  	s29 =	smov.u32 @p0 s28;
	_ =	swait.ge [sflag:s17], $0x2000  }
0x28: {  	s28 =	sshll.u32 s29, $0x5;
	[sflag:s17] =	ssyncset.done $0x0  }
0x29: {  	s28 =	sadd.s32 s5, s28;
	[sflag:s17] =	ssyncadd.s32 $0xFFFFE000  }
0x2a: {  	[tilespmem:s2], [sflag:$0x3] =	stream.strided.gather [hbm4b:s28+s18], $0x200, s19, s18, $0x38;
	[tilespmem:$0x1CB00] =	vst v63  }
0x2b: {  	_ =	swait.ge [sflag:s17], $0x200  }
0x2c: {  	[sflag:s17] =	ssyncset.done $0x0  }
0x2d: {  	[sflag:s17] =	ssyncadd.s32 $0xFFFFFE00  }
0x2e: {  	_ =	swait.ge [sflag:s24], $0x2000  }
0x2f: {  	[sflag:s24] =	ssyncset.done $0x0  }
0x30: {  	[sflag:s24] =	ssyncadd.s32 $0xFFFFE000  }
0x31: {  	[tilespmem:s20], [sflag:$0x1] =	stream.indirect.gather [hbm4b:s4+s18], $0x20, s2, s18, $0xb8;
	[tilespmem:$0x1CB00] =	vst v63  }
0x32: {  	_ = 	snop  }
0x33: {  	[spmem:s1] =	stream.indirect.scatter.add.f32 [tilespmem:s23], [sflag:$0x3], $0x20, s25, s18, $0xb8;
	[tilespmem:$0x1CB00] =	vst v63  }
0x34: {  	s29 =	smov.u32 s15;
	s28 =	simm.s32 $0x4;
	_ =	swait.ge [sflag:s17], $0x2000  }
.LBB2_2:
0x35: {  	p0 =	sne.s32 s28, $0xC6;
	[sflag:s17] =	ssyncset.done $0x0;
	s29 =	sadd.s32 $0x40, s29  }
0x36: {  	s30 =	smov.u32 s28;
	s28 =	sadd.s32 $0x2, s28;
	[sflag:s17] =	ssyncadd.s32 $0xFFFFE000  }
0x37: {  	[tilespmem:s21], [sflag:$0x3] =	stream.strided.gather [hbm4b:s29+s18], $0x200, s19, s18, $0x38;
	[tilespmem:$0x1CB00] =	vst v63  }
0x38: {  	_ =	swait.ge [sflag:s17], $0x200  }
0x39: {  	[sflag:s17] =	ssyncset.done $0x0  }
0x3a: {  	[sflag:s17] =	ssyncadd.s32 $0xFFFFFE00  }
0x3b: {  	_ =	swait.ge [sflag:s22], $0x2000  }
0x3c: {  	[sflag:s22] =	ssyncset.done $0x0  }
0x3d: {  	[sflag:s22] =	ssyncadd.s32 $0xFFFFE000  }
0x3e: {  	[tilespmem:s23], [sflag:$0x2] =	stream.indirect.gather [hbm4b:s4+s18], $0x20, s21, s18, $0xb8;
	[tilespmem:$0x1CB00] =	vst v63  }
0x3f: {  	s30 =	sadd.s32 s30, s7  }
0x40: {  	[spmem:s1] =	stream.indirect.scatter.add.f32 [tilespmem:s20], [sflag:$0x3], $0x20, s18, s18, $0xb8;
	[tilespmem:$0x1CB00] =	vst v63  }
0x41: {  	s31 =	smov.u32 s10;
	p1 =	slt.s32 s30, s10;
	_ =	swait.ge [sflag:s17], $0x2000  }
0x42: {  	s31 =	smov.u32 @p1 s30;
	[sflag:s17] =	ssyncset.done $0x0  }
0x43: {  	s30 =	sshll.u32 s31, $0x5;
	[sflag:s17] =	ssyncadd.s32 $0xFFFFE000  }
0x44: {  	s30 =	sadd.s32 s5, s30  }
0x45: {  	[tilespmem:s2], [sflag:$0x3] =	stream.strided.gather [hbm4b:s30+s18], $0x200, s19, s18, $0x38;
	[tilespmem:$0x1CB00] =	vst v63  }
0x46: {  	_ =	swait.ge [sflag:s17], $0x200  }
0x47: {  	[sflag:s17] =	ssyncset.done $0x0  }
0x48: {  	[sflag:s17] =	ssyncadd.s32 $0xFFFFFE00  }
0x49: {  	_ =	swait.ge [sflag:s24], $0x2000  }
0x4a: {  	[sflag:s24] =	ssyncset.done $0x0  }
.Ltmp0:
0x4b: {  	[sflag:s24] =	ssyncadd.s32 $0xFFFFE000;
	(pc) =	sbr.rel @p0 .LBB2_2-.Ltmp0, $4  }
0x4c: {  	[tilespmem:s20], [sflag:$0x1] =	stream.indirect.gather [hbm4b:s4+s18], $0x20, s2, s18, $0xb8;
	[tilespmem:$0x1CB00] =	vst v63  }
0x4d: {  	_ = 	snop  }
0x4e: {  	[spmem:s1] =	stream.indirect.scatter.add.f32 [tilespmem:s23], [sflag:$0x3], $0x20, s25, s18, $0xb8;
	[tilespmem:$0x1CB00] =	vst v63  }
0x4f: {  	_ =	swait.ge [sflag:s17], $0x2000  }
0x50: {  	[sflag:s17] =	ssyncset.done $0x0  }
0x51: {  	[sflag:s17] =	ssyncadd.s32 $0xFFFFE000  }
0x52: {  	[tilespmem:s21], [sflag:$0x3] =	stream.strided.gather [hbm4b:s12+s18], $0x200, s19, s18, $0x38;
	[tilespmem:$0x1CB00] =	vst v63  }
0x53: {  	_ =	swait.ge [sflag:s17], $0x200  }
0x54: {  	[sflag:s17] =	ssyncset.done $0x0  }
0x55: {  	[sflag:s17] =	ssyncadd.s32 $0xFFFFFE00  }
0x56: {  	_ =	swait.ge [sflag:s22], $0x2000  }
0x57: {  	[sflag:s22] =	ssyncset.done $0x0  }
0x58: {  	[sflag:s22] =	ssyncadd.s32 $0xFFFFE000  }
0x59: {  	[tilespmem:s23], [sflag:$0x2] =	stream.indirect.gather [hbm4b:s4+s18], $0x20, s21, s18, $0xb8;
	[tilespmem:$0x1CB00] =	vst v63  }
0x5a: {  	_ = 	snop  }
0x5b: {  	[spmem:s1] =	stream.indirect.scatter.add.f32 [tilespmem:s20], [sflag:$0x3], $0x20, s18, s18, $0xb8;
	[tilespmem:$0x1CB00] =	vst v63  }
0x5c: {  	_ =	swait.ge [sflag:s17], $0x2000  }
0x5d: {  	[sflag:s17] =	ssyncset.done $0x0  }
0x5e: {  	[sflag:s17] =	ssyncadd.s32 $0xFFFFE000  }
0x5f: {  	[tilespmem:s2], [sflag:$0x3] =	stream.strided.gather [hbm4b:s13+s18], $0x200, s19, s18, $0x38;
	[tilespmem:$0x1CB00] =	vst v63  }
0x60: {  	_ =	swait.ge [sflag:s17], $0x200  }
0x61: {  	[sflag:s17] =	ssyncset.done $0x0  }
0x62: {  	[sflag:s17] =	ssyncadd.s32 $0xFFFFFE00  }
0x63: {  	_ =	swait.ge [sflag:s24], $0x2000  }
0x64: {  	[sflag:s24] =	ssyncset.done $0x0  }
0x65: {  	[sflag:s24] =	ssyncadd.s32 $0xFFFFE000  }
0x66: {  	[tilespmem:s20], [sflag:$0x1] =	stream.indirect.gather [hbm4b:s4+s18], $0x20, s2, s18, $0xb8;
	[tilespmem:$0x1CB00] =	vst v63  }
0x67: {  	_ = 	snop  }
0x68: {  	[spmem:s1] =	stream.indirect.scatter.add.f32 [tilespmem:s23], [sflag:$0x3], $0x20, s25, s18, $0xb8;
	[tilespmem:$0x1CB00] =	vst v63  }
0x69: {  	_ =	swait.ge [sflag:s17], $0x2000  }
0x6a: {  	[sflag:s17] =	ssyncset.done $0x0  }
0x6b: {  	[sflag:s17] =	ssyncadd.s32 $0xFFFFE000  }
0x6c: {  	_ =	swait.ge [sflag:s22], $0x2000  }
0x6d: {  	s26 =	sadd.s32 $0x1, s26;
	[sflag:s22] =	ssyncset.done $0x0  }
0x6e: {  	p0 =	sne.s32 s26, s11;
	[sflag:s22] =	ssyncadd.s32 $0xFFFFE000  }
.Ltmp1:
0x6f: {  	[bflag:$0x0] =	sbarrier.arrive $0xFFFF;
	(pc) =	sbr.rel @p0 .LBB2_1-.Ltmp1, $4  }
0x70: {  	[hbm:s14], [sflag:s8] =	dma.local [spmem:s16], $0x30E0  }
0x71: {  	_ =	swait.ge [sflag:s17], $0x30E0  }
0x72: {  	[sflag:s17] =	ssyncset.done $0x0  }
0x73: {  	[sflag:s17] =	ssyncadd.s32 $0xFFFFCF20  }
0x74: {  	_ =	sfence.sel $0x180000  }
0x75: {  	[bflag:$0x0] =	sbarrier.arrive $0xFFFF  }
0x76: {  	p0 =	sne.s32 s3, $0x0;
	_ =	strace $0x9000004A  }
0x77: {  	s0 =	sadd.s32 @!p0 $0x100000, s0;
	[bflag:$0x2] =	sbarrier.arrive $0xFFFF  }
0x78: {  	[sflag:s0] =	ssyncadd.tile.s32 @!p0 $0x1;
	_ =	shalt  }
.Lfunc_end2:
_tile_overlayer_lowered:
.L_overlay_start_2:
0x79: {  	(tag) =	ssettag $0x2  }
0x7a: {  	s0 =	rddreg [dreg:$0x0];
	s2 =	stileid.u32  }
0x7b: {  	s1 =	rddreg [dreg:$0x1];
	p0 =	sne.s32 s2, $0x0  }
0x7c: {  	s3 =	rddreg [dreg:$0x2];
	[bflag:$0x3] =	sbarrier.arrive $0xFFFF;
	s2 =	simm.s32 @!p0 $0x1C03  }
0x7d: {  	[timem:s3], [sflag:s2] =	dma.local @!p0 [hbm:s0], s1  }
0x7e: {  	s0 =	simm.s32 @!p0 $0x3  }
0x7f: {  	_ =	swait.ge @!p0 [sflag:s0], s1  }
0x80: {  	s1 =	ssub.s32 @!p0 $0x0, s1;
	[sflag:s0] =	ssyncset.done @!p0 $0x0  }
0x81: {  	[sflag:s0] =	ssyncadd.s32 @!p0 s1  }
0x82: {  	[bflag:$0x3] =	sbarrier.arrive $0xFFFF  }
0x83: {  	_ =	shalt  }

// kernel: kernel.17.cloned.1.call-start
scs
__scs_entry_jumppad:
0x0: {  	(pc) =	sbr.rel $0x88, $3  }
0x1: {  	(tag) =	ssettag $0x0;
	lr =	simm.s32 $0x1  }
0x2: {  	[smem:$0x3F8A] =	sst lr;
	_ =	strace $0xD0000000  }
0x3: {  	_ = 	snop  }
0x4: {  	_ = 	snop  }
0x5: {  	_ = 	snop  }
0x6: {  	_ = 	snop  }
0x7: {  	_ = 	snop  }
__scs_overlays_trampoline_lowered:
0x8: {  	[smem:$0x3F99] =	sst s0  }
0x9: {  	[smem:$0x3F9A] =	sst s1  }
0xa: {  	[smem:$0x3F9B] =	sst s2  }
0xb: {  	[smem:$0x3F9C] =	sst s3  }
0xc: {  	[smem:$0x3F9D] =	sst s4  }
0xd: {  	[smem:$0x3F9E] =	sst s5  }
0xe: {  	[smem:$0x3F9F] =	sst s6  }
0xf: {  	[smem:$0x3FA0] =	sst s7  }
0x10: {  	[smem:$0x3FA1] =	sst s8  }
0x11: {  	[smem:$0x3FA2] =	sst s9;
	s0 =	simm.s32 @!p0 $0x0  }
0x12: {  	s1 =	sld [smem:$0x3F88];
	s0 =	simm.s32 @p0 $0x1  }
0x13: {  	[smem:$0x3FA3] =	sst s0;
	s0 =	simm.s32 @!p1 $0x0  }
0x14: {  	s2 =	sld [smem:$0x3F87];
	s0 =	simm.s32 @p1 $0x1  }
0x15: {  	[smem:$0x3FA4] =	sst s0;
	s0 =	simm.s32 @!p2 $0x0  }
0x16: {  	s3 =	sld [smem:$0x3FDB];
	s0 =	simm.s32 @p2 $0x1  }
0x17: {  	s4 =	simm.s32 $0x1BF5;
	[smem:$0x3FA6] =	sst s0  }
0x18: {  	s0 =	sld [smem:$0x3F89];
	_ =	swait.ge [sflag:s4], $0x0  }
0x19: {  	s7 =	sld [smem:$0x3F8A]  }
0x1a: {  	s8 =	sadd.s32 $0xFFFFE003, lr  }
0x1b: {  	s9 =	sadd.s32 $0xFFFFFEF7, lr;
	s5 =	simm.s32 $0xFFFFFFFF;
	p2 =	slt.u32 s8, $0xFFFFF086  }
0x1c: {  	p1 =	slt.u32 s9, $0xF7A;
	s5 =	simm.s32 @!p2 $0x0  }
0x1d: {  	s5 =	simm.s32 @p1 $0x1;
	p0 =	seq.s32 s7, s2  }
0x1e: {  	s7 =	smul.u32 @!p0 $0xF7A, s2;
	p2 =	seq.s32 @!p0 s5, $0x0  }
0x1f: {  	s9 =	smul.u32 $0xF7A, s1;
	s8 =	simm.s32 @!p0 $0x1BF5;
	p2 =	por !p2, p0  }
0x20: {  	[sflag:s8] =	ssyncset.s32 @!p0 $0xFFFFF086;
	s6 =	sadd.s32 @!p0 s3, s7;
	s7 =	simm.s32 @!p0 $0x108  }
0x21: {  	s3 =	sadd.s32 s3, s9;
	s6 =	sadd.s32 @!p0 $0x88, s6;
	s7 =	simm.s32 @p2 $0x1082  }
0x22: {  	[simem:s7], [sflag:s8] =	dma.local @!p0 [hbm:s6], $0xF7A  }
0x23: {  	s9 =	sor.u32 $0xD0000000, s2;
	s6 =	simm.s32 $0x108;
	_ =	swait.ge @!p0 [sflag:s8], $0x0  }
0x24: {  	s3 =	sadd.s32 $0x88, s3;
	s6 =	simm.s32 @!p1 $0x1082;
	[sflag:s4] =	ssyncset.s32 $0xFFFFF086  }
0x25: {  	[simem:s6], [sflag:s4] =	dma.local [hbm:s3], $0xF7A  }
0x26: {  	[smem:$0x3F8A] =	sst s1;
	(tag) =	ssettag s2;
	_ =	strace s9  }
0x27: {  	s1 =	sld [smem:$0x3F9A]  }
0x28: {  	s2 =	sld [smem:$0x3F9B]  }
0x29: {  	s4 =	sld [smem:$0x3F9D]  }
0x2a: {  	p0 =	seq.s32 s5, $0x0;
	s5 =	sld [smem:$0x3F9E]  }
0x2b: {  	s6 =	sld [smem:$0x3F9F]  }
0x2c: {  	s7 =	sld [smem:$0x3FA0]  }
0x2d: {  	s3 =	simm.s32 $0x108;
	s8 =	sld [smem:$0x3FA1]  }
0x2e: {  	s3 =	simm.s32 @!p0 $0x1082;
	s9 =	sld [smem:$0x3FA2]  }
0x2f: {  	lr =	sadd.s32 s0, s3;
	s0 =	sld [smem:$0x3F99]  }
0x30: {  	s3 =	sld [smem:$0x3F9C]  }
0x31: {  	[smem:$0x3FA5] =	sst s10  }
0x32: {  	s10 =	sld [smem:$0x3FA3];
	_ =	sdelay $0x3  }
0x33: {  	p0 =	seq.s32 s10, $0x1;
	s10 =	sld [smem:$0x3FA5];
	_ =	sdelay $0x3  }
0x34: {  	[smem:$0x3FA5] =	sst s10  }
0x35: {  	s10 =	sld [smem:$0x3FA4];
	_ =	sdelay $0x3  }
0x36: {  	p1 =	seq.s32 s10, $0x1;
	s10 =	sld [smem:$0x3FA5];
	_ =	sdelay $0x3  }
0x37: {  	[smem:$0x3FA5] =	sst s10  }
0x38: {  	s10 =	sld [smem:$0x3FA6]  }
0x39: {  	_ = 	snop;
	(pc) =	sbr.ind lr, $3  }
0x3a: {  	_ = 	snop  }
0x3b: {  	_ = 	snop  }
0x3c: {  	p2 =	seq.s32 s10, $0x1;
	s10 =	sld [smem:$0x3FA5]  }
0x3d: {  	_ =	shalt  }
0x3e: {  	_ =	shalt  }
0x3f: {  	_ =	shalt  }
0x40: {  	_ =	shalt  }
0x41: {  	_ =	shalt  }
0x42: {  	_ =	shalt  }
0x43: {  	_ =	shalt  }
0x44: {  	_ =	shalt  }
0x45: {  	_ =	shalt  }
0x46: {  	_ =	shalt  }
0x47: {  	_ =	shalt  }
0x48: {  	_ =	shalt  }
0x49: {  	_ =	shalt  }
0x4a: {  	_ =	shalt  }
0x4b: {  	_ =	shalt  }
0x4c: {  	_ =	shalt  }
0x4d: {  	_ =	shalt  }
0x4e: {  	_ =	shalt  }
0x4f: {  	_ =	shalt  }
0x50: {  	_ =	shalt  }
0x51: {  	_ =	shalt  }
0x52: {  	_ =	shalt  }
0x53: {  	_ =	shalt  }
0x54: {  	_ =	shalt  }
0x55: {  	_ =	shalt  }
0x56: {  	_ =	shalt  }
0x57: {  	_ =	shalt  }
0x58: {  	_ =	shalt  }
0x59: {  	_ =	shalt  }
0x5a: {  	_ =	shalt  }
0x5b: {  	_ =	shalt  }
0x5c: {  	_ =	shalt  }
0x5d: {  	_ =	shalt  }
0x5e: {  	_ =	shalt  }
0x5f: {  	_ =	shalt  }
0x60: {  	_ =	shalt  }
0x61: {  	_ =	shalt  }
0x62: {  	_ =	shalt  }
0x63: {  	_ =	shalt  }
0x64: {  	_ =	shalt  }
0x65: {  	_ =	shalt  }
0x66: {  	_ =	shalt  }
0x67: {  	_ =	shalt  }
0x68: {  	_ =	shalt  }
0x69: {  	_ =	shalt  }
0x6a: {  	_ =	shalt  }
0x6b: {  	_ =	shalt  }
0x6c: {  	_ =	shalt  }
0x6d: {  	_ =	shalt  }
0x6e: {  	_ =	shalt  }
0x6f: {  	_ =	shalt  }
0x70: {  	_ =	shalt  }
0x71: {  	_ =	shalt  }
0x72: {  	_ =	shalt  }
0x73: {  	_ =	shalt  }
0x74: {  	_ =	shalt  }
0x75: {  	_ =	shalt  }
0x76: {  	_ =	shalt  }
0x77: {  	_ =	shalt  }
0x78: {  	_ =	shalt  }
0x79: {  	_ =	shalt  }
0x7a: {  	_ =	shalt  }
0x7b: {  	_ =	shalt  }
0x7c: {  	_ =	shalt  }
0x7d: {  	_ =	shalt  }
0x7e: {  	_ =	shalt  }
0x7f: {  	_ =	shalt  }
0x80: {  	_ =	shalt  }
0x81: {  	_ =	shalt  }
0x82: {  	_ =	shalt  }
0x83: {  	_ =	shalt  }
0x84: {  	_ =	shalt  }
0x85: {  	_ =	shalt  }
0x86: {  	_ =	shalt  }
0x87: {  	_ =	shalt  }
.Lfunc_end0:
.L_simem_size_0:
called_computation.2_lowered:
.L_overlay_start_0:
0x88: {  	s2 =	sld [smem:$0x3FD9]  }
0x89: {  	s3 =	sld [smem:$0x3FFE];
	_ =	sdelay $0x1  }
0x8a: {  	s1 =	srdreg.scid  }
0x8b: {  	s0 =	sand.u32 $0x1, s1  }
0x8c: {  	s16 =	sshll.u32 s0, $0xA;
	s2 =	sadd.s32 s3, s2  }
0x8d: {  	s2 =	sadd.s32 s2, s16  }
0x8e: {  	[smem:$0x3FB1] =	sst s2  }
0x8f: {  	_ = 	snop  }
0x90: {  	(tm) =	ssettm $0x1  }
0x91: {  	s17 =	sld [smem:$0x3FFB];
	_ =	sdelay $0x3  }
0x92: {  	_ =	strace s17  }
0x93: {  	s2 =	sld [smem:$0x3FFC];
	_ =	sdelay $0x3  }
0x94: {  	_ =	strace s2  }
0x95: {  	s2 =	sld [smem:$0x3FFD];
	_ =	sdelay $0x3  }
0x96: {  	_ =	strace s2  }
0x97: {  	_ =	strace $0x8FFFFFFF  }
0x98: {  	s18 =	sld [smem:$0x3FDB];
	_ =	sdelay $0x1  }
0x99: {  	s19 =	simm.s32 $_scs_section_size  }
0x9a: {  	s4 =	simm.s32 $_size__tile_overlayer_lowered;
	s5 =	simm.s32 $_tile_overlayer_lowered  }
0x9b: {  	s22 =	simm.s32 $0x1BFF;
	s21 =	sshll.u32 s5, $0x1;
	s2 =	sadd.s32 s19, s18  }
0x9c: {  	s6 =	simm.s32 $0x0;
	s20 =	sshll.u32 s4, $0x1;
	s4 =	sadd.s32 s21, s2  }
0x9d: {  	[timem:s6], [sflag:s22] =	dma.local [hbm:s4], s20  }
0x9e: {  	_ =	swait.ge [sflag:s22], s20  }
0x9f: {  	s3 =	ssub.s32 $0x0, s20;
	[sflag:s22] =	ssyncset.done $0x0  }
0xa0: {  	[sflag:s22] =	ssyncadd.s32 s3;
	_ =	sdelay $0x1  }
0xa1: {  	s23 =	simm.s32 $0x1B8B  }
0xa2: {  	_ =	swait.ge [sflag:s23], $0x1  }
0xa3: {  	[sflag:s23] =	ssyncset.done $0x0  }
0xa4: {  	s25 =	simm.s32 $0x1B8E;
	s24 =	sld [smem:$0x3FFE];
	[sflag:s23] =	ssyncadd.s32 $0xFFFFFFFF  }
0xa5: {  	s26 =	simm.s32 $execute0_lowered;
	[smem:$0x3FD2] =	sst s25  }
0xa6: {  	s4 =	sshll.u32 s26, $0x1;
	_ =	strace $0x8000004C;
	[dreg:$0x1] =	wrdreg $0xFFFFFFFF  }
0xa7: {  	s28 =	simm.s32 $_size_execute0_lowered;
	s2 =	sadd.s32 s2, s4;
	[dreg:$0x0] =	wrdreg $0x0  }
0xa8: {  	s4 =	sshll.u32 s28, $0x1;
	[dreg:$0x2] =	wrdreg s2  }
0xa9: {  	[dreg:$0x3] =	wrdreg s4  }
0xaa: {  	[dreg:$0x4] =	wrdreg $0xC0  }
0xab: {  	_ =	task [dreg:s6], $0x5FFFF  }
0xac: {  	[dreg:$0x1] =	wrdreg $0xFFFFFFFF  }
0xad: {  	[dreg:$0x0] =	wrdreg $0x60  }
0xae: {  	[dreg:$0x2] =	wrdreg s24  }
0xaf: {  	[dreg:$0x3] =	wrdreg $0x44000  }
0xb0: {  	[dreg:$0x4] =	wrdreg $0x9  }
0xb1: {  	_ =	task.clear_ibuf [dreg:s6], $0x5FFFF;
	_ =	strace $0x9000004C  }
0xb2: {  	s29 =	simm.s32 $0x9;
	_ =	strace $0x8000004E  }
0xb3: {  	_ =	swait.ge [sflag:s29], $0x1  }
0xb4: {  	[sflag:s29] =	ssyncadd.s32 $0xFFFFFFFF  }
0xb5: {  	_ =	strace $0x9000004E  }
0xb6: {  	_ =	sfence  }
0xb7: {  	s30 =	sld [smem:$0x0];
	_ =	sdelay $0x2  }
0xb8: {  	s31 =	sshll.u32 s1, $0xD;
	s1 =	sshrl.u32 s1, $0x2  }
0xb9: {  	s3 =	sand.u32 $0x4000, s31;
	s1 =	sadd.s32 s1, s30  }
0xba: {  	s0 =	sor.u32 s3, s0;
	s1 =	sshll.u32 s1, $0x11  }
0xbb: {  	s0 =	sor.u32 s1, s0  }
0xbc: {  	s0 =	sadd.s32 $0x8F2B, s0  }
0xbd: {  	[sflag:s0] =	ssyncadd.remote.s32 $0x1  }
0xbe: {  	_ =	sfence.sel $0xFFFF  }
0xbf: {  	[dreg:$0x0] =	wrdreg $0xFFFFFFFF;
	(pc) =	sbr.abs _section_cstart, $3  }
0xc0: {  	[dreg:$0x1] =	wrdreg $0xFFFFFFFF  }
0xc1: {  	_ =	task.clear_ibuf [dreg:s6], $0x2FFFF;
	_ =	strace $0x9FFFFFFF  }
0xc2: {  	(tm) =	ssettm $0x7FFFFFFF  }
0xc3: {  	_ =	shalt  }
tec
execute0_lowered:
.L_overlay_start_1:
0x0: {  	(tag) =	ssettag $0x1  }
0x1: {  	s7 =	rddreg [dreg:$0x0]  }
0x2: {  	s1 =	rddreg [dreg:$0x1]  }
0x3: {  	s0 =	rddreg [dreg:$0x2];
	s2 =	simm.s32 $0x0;
	s3 =	srdreg.scid  }
0x4: {  	s19 =	simm.s32 $0xC8000;
	s20 =	simm.s32 $0x400;
	s21 =	simm.s32 $0x200  }
0x5: {  	s22 =	simm.s32 $0x1;
	s23 =	simm.s32 $0x2400;
	s24 =	simm.s32 $0x2  }
0x6: {  	s25 =	simm.s32 $0x300;
	s26 =	simm.s32 $0x0;
	[smem:$0x7FF] =	sst s2  }
0x7: {  	s14 =	sadd.s32 $0x68000, s7;
	s4 =	sadd.s32 $0x37200, s7;
	s5 =	sadd.s32 $0x5200, s7  }
0x8: {  	s10 =	sand.u32 $0x1, s3;
	s6 =	sadd.s32 $0xFAA00, s7;
	s3 =	stileid.u32  }
0x9: {  	s13 =	sadd.s32 $0xC9C00, s7;
	s15 =	sadd.s32 $0x98E00, s7;
	s11 =	smul.u32 $0x18700, s3  }
0xa: {  	_ =	strace $0x8000004D;
	s8 =	ssub.s32 $0x2, s10;
	s30 =	smul.u32 $0x1900, s3  }
0xb: {  	s7 =	smul.u32 $0xC8, s3;
	s31 =	sshll.u32 s3, $0x6;
	p0 =	seq.s32 s10, $0x0  }
0xc: {  	s9 =	sshrl.u32 s8, $0x1;
	s15 =	smov.u32 @p0 s13;
	s4 =	smov.u32 @p0 s14  }
0xd: {  	s12 =	ssub.s32 s8, s9;
	s16 =	sadd.s32 s11, s1;
	s8 =	sor.u32 $0x1C03, s31  }
0xe: {  	s9 =	sadd.s32 s5, s30;
	s10 =	sadd.s32 $0xC7, s7;
	s17 =	sshrl.u32 s11, $0x3  }
0xf: {  	s11 =	smax.u32 s12, $0x1;
	s12 =	sadd.s32 $0x18E0, s9;
	s18 =	sshll.u32 s10, $0x5  }
0x10: {  	s14 =	sadd.s32 s15, s17;
	s15 =	sadd.s32 $0x20, s9;
	s16 =	sshrl.u32 s16, $0x3  }
0x11: {  	s17 =	simm.s32 $0x3;
	s13 =	sadd.s32 s5, s18;
	s18 =	simm.s32 $0x100  }
.LBB2_1:
0x12: {  	[spmem:s16], [sflag:s8] =	dma.local [hbm:s6], $0x30E0  }
0x13: {  	_ =	swait.ge [sflag:s17], $0x30E0  }
0x14: {  	[sflag:s17] =	ssyncset.done $0x0  }
0x15: {  	[sflag:s17] =	ssyncadd.s32 $0xFFFFCF20  }
0x16: {  	[bflag:$0x0] =	sbarrier.arrive $0xFFFF  }
0x17: {  	[tilespmem:s2], [sflag:$0x3] =	stream.strided.gather [hbm4b:s9+s18], $0x200, s19, s18, $0x38;
	[tilespmem:$0x1CB00] =	vst v63  }
0x18: {  	_ =	swait.ge [sflag:s17], $0x200  }
0x19: {  	[sflag:s17] =	ssyncset.done $0x0  }
0x1a: {  	[sflag:s17] =	ssyncadd.s32 $0xFFFFFE00  }
0x1b: {  	[tilespmem:s20], [sflag:$0x1] =	stream.indirect.gather [hbm4b:s4+s18], $0x20, s2, s18, $0xb8;
	[tilespmem:$0x1CB00] =	vst v63  }
0x1c: {  	_ = 	snop  }
0x1d: {  	[tilespmem:s21], [sflag:$0x3] =	stream.strided.gather [hbm4b:s15+s18], $0x200, s19, s18, $0x38;
	[tilespmem:$0x1CB00] =	vst v63  }
0x1e: {  	_ =	swait.ge [sflag:s17], $0x200  }
0x1f: {  	[sflag:s17] =	ssyncset.done $0x0  }
0x20: {  	[sflag:s17] =	ssyncadd.s32 $0xFFFFFE00  }
0x21: {  	_ =	swait.ge [sflag:s22], $0x2000  }
0x22: {  	[sflag:s22] =	ssyncset.done $0x0  }
0x23: {  	s28 =	sadd.s32 $0x2, s7;
	[sflag:s22] =	ssyncadd.s32 $0xFFFFE000  }
0x24: {  	[tilespmem:s23], [sflag:$0x2] =	stream.indirect.gather [hbm4b:s4+s18], $0x20, s21, s18, $0xb8;
	[tilespmem:$0x1CB00] =	vst v63  }
0x25: {  	s29 =	smov.u32 s10;
	p0 =	slt.s32 s28, s10  }
0x26: {  	[spmem:s1] =	stream.indirect.scatter.add.f32 [tilespmem:s20], [sflag:$0x3], $0x20, s18, s18, $0xb8;
	[tilespmem:$0x1CB00] =	vst v63  }
0x27: {  	s29 =	smov.u32 @p0 s28;
	_ =	swait.ge [sflag:s17], $0x2000  }
0x28: {  	s28 =	sshll.u32 s29, $0x5;
	[sflag:s17] =	ssyncset.done $0x0  }
0x29: {  	s28 =	sadd.s32 s5, s28;
	[sflag:s17] =	ssyncadd.s32 $0xFFFFE000  }
0x2a: {  	[tilespmem:s2], [sflag:$0x3] =	stream.strided.gather [hbm4b:s28+s18], $0x200, s19, s18, $0x38;
	[tilespmem:$0x1CB00] =	vst v63  }
0x2b: {  	_ =	swait.ge [sflag:s17], $0x200  }
0x2c: {  	[sflag:s17] =	ssyncset.done $0x0  }
0x2d: {  	[sflag:s17] =	ssyncadd.s32 $0xFFFFFE00  }
0x2e: {  	_ =	swait.ge [sflag:s24], $0x2000  }
0x2f: {  	[sflag:s24] =	ssyncset.done $0x0  }
0x30: {  	[sflag:s24] =	ssyncadd.s32 $0xFFFFE000  }
0x31: {  	[tilespmem:s20], [sflag:$0x1] =	stream.indirect.gather [hbm4b:s4+s18], $0x20, s2, s18, $0xb8;
	[tilespmem:$0x1CB00] =	vst v63  }
0x32: {  	_ = 	snop  }
0x33: {  	[spmem:s1] =	stream.indirect.scatter.add.f32 [tilespmem:s23], [sflag:$0x3], $0x20, s25, s18, $0xb8;
	[tilespmem:$0x1CB00] =	vst v63  }
0x34: {  	s29 =	smov.u32 s15;
	s28 =	simm.s32 $0x4;
	_ =	swait.ge [sflag:s17], $0x2000  }
.LBB2_2:
0x35: {  	p0 =	sne.s32 s28, $0xC6;
	[sflag:s17] =	ssyncset.done $0x0;
	s29 =	sadd.s32 $0x40, s29  }
0x36: {  	s30 =	smov.u32 s28;
	s28 =	sadd.s32 $0x2, s28;
	[sflag:s17] =	ssyncadd.s32 $0xFFFFE000  }
0x37: {  	[tilespmem:s21], [sflag:$0x3] =	stream.strided.gather [hbm4b:s29+s18], $0x200, s19, s18, $0x38;
	[tilespmem:$0x1CB00] =	vst v63  }
0x38: {  	_ =	swait.ge [sflag:s17], $0x200  }
0x39: {  	[sflag:s17] =	ssyncset.done $0x0  }
0x3a: {  	[sflag:s17] =	ssyncadd.s32 $0xFFFFFE00  }
0x3b: {  	_ =	swait.ge [sflag:s22], $0x2000  }
0x3c: {  	[sflag:s22] =	ssyncset.done $0x0  }
0x3d: {  	[sflag:s22] =	ssyncadd.s32 $0xFFFFE000  }
0x3e: {  	[tilespmem:s23], [sflag:$0x2] =	stream.indirect.gather [hbm4b:s4+s18], $0x20, s21, s18, $0xb8;
	[tilespmem:$0x1CB00] =	vst v63  }
0x3f: {  	s30 =	sadd.s32 s30, s7  }
0x40: {  	[spmem:s1] =	stream.indirect.scatter.add.f32 [tilespmem:s20], [sflag:$0x3], $0x20, s18, s18, $0xb8;
	[tilespmem:$0x1CB00] =	vst v63  }
0x41: {  	s31 =	smov.u32 s10;
	p1 =	slt.s32 s30, s10;
	_ =	swait.ge [sflag:s17], $0x2000  }
0x42: {  	s31 =	smov.u32 @p1 s30;
	[sflag:s17] =	ssyncset.done $0x0  }
0x43: {  	s30 =	sshll.u32 s31, $0x5;
	[sflag:s17] =	ssyncadd.s32 $0xFFFFE000  }
0x44: {  	s30 =	sadd.s32 s5, s30  }
0x45: {  	[tilespmem:s2], [sflag:$0x3] =	stream.strided.gather [hbm4b:s30+s18], $0x200, s19, s18, $0x38;
	[tilespmem:$0x1CB00] =	vst v63  }
0x46: {  	_ =	swait.ge [sflag:s17], $0x200  }
0x47: {  	[sflag:s17] =	ssyncset.done $0x0  }
0x48: {  	[sflag:s17] =	ssyncadd.s32 $0xFFFFFE00  }
0x49: {  	_ =	swait.ge [sflag:s24], $0x2000  }
0x4a: {  	[sflag:s24] =	ssyncset.done $0x0  }
.Ltmp0:
0x4b: {  	[sflag:s24] =	ssyncadd.s32 $0xFFFFE000;
	(pc) =	sbr.rel @p0 .LBB2_2-.Ltmp0, $4  }
0x4c: {  	[tilespmem:s20], [sflag:$0x1] =	stream.indirect.gather [hbm4b:s4+s18], $0x20, s2, s18, $0xb8;
	[tilespmem:$0x1CB00] =	vst v63  }
0x4d: {  	_ = 	snop  }
0x4e: {  	[spmem:s1] =	stream.indirect.scatter.add.f32 [tilespmem:s23], [sflag:$0x3], $0x20, s25, s18, $0xb8;
	[tilespmem:$0x1CB00] =	vst v63  }
0x4f: {  	_ =	swait.ge [sflag:s17], $0x2000  }
0x50: {  	[sflag:s17] =	ssyncset.done $0x0  }
0x51: {  	[sflag:s17] =	ssyncadd.s32 $0xFFFFE000  }
0x52: {  	[tilespmem:s21], [sflag:$0x3] =	stream.strided.gather [hbm4b:s12+s18], $0x200, s19, s18, $0x38;
	[tilespmem:$0x1CB00] =	vst v63  }
0x53: {  	_ =	swait.ge [sflag:s17], $0x200  }
0x54: {  	[sflag:s17] =	ssyncset.done $0x0  }
0x55: {  	[sflag:s17] =	ssyncadd.s32 $0xFFFFFE00  }
0x56: {  	_ =	swait.ge [sflag:s22], $0x2000  }
0x57: {  	[sflag:s22] =	ssyncset.done $0x0  }
0x58: {  	[sflag:s22] =	ssyncadd.s32 $0xFFFFE000  }
0x59: {  	[tilespmem:s23], [sflag:$0x2] =	stream.indirect.gather [hbm4b:s4+s18], $0x20, s21, s18, $0xb8;
	[tilespmem:$0x1CB00] =	vst v63  }
0x5a: {  	_ = 	snop  }
0x5b: {  	[spmem:s1] =	stream.indirect.scatter.add.f32 [tilespmem:s20], [sflag:$0x3], $0x20, s18, s18, $0xb8;
	[tilespmem:$0x1CB00] =	vst v63  }
0x5c: {  	_ =	swait.ge [sflag:s17], $0x2000  }
0x5d: {  	[sflag:s17] =	ssyncset.done $0x0  }
0x5e: {  	[sflag:s17] =	ssyncadd.s32 $0xFFFFE000  }
0x5f: {  	[tilespmem:s2], [sflag:$0x3] =	stream.strided.gather [hbm4b:s13+s18], $0x200, s19, s18, $0x38;
	[tilespmem:$0x1CB00] =	vst v63  }
0x60: {  	_ =	swait.ge [sflag:s17], $0x200  }
0x61: {  	[sflag:s17] =	ssyncset.done $0x0  }
0x62: {  	[sflag:s17] =	ssyncadd.s32 $0xFFFFFE00  }
0x63: {  	_ =	swait.ge [sflag:s24], $0x2000  }
0x64: {  	[sflag:s24] =	ssyncset.done $0x0  }
0x65: {  	[sflag:s24] =	ssyncadd.s32 $0xFFFFE000  }
0x66: {  	[tilespmem:s20], [sflag:$0x1] =	stream.indirect.gather [hbm4b:s4+s18], $0x20, s2, s18, $0xb8;
	[tilespmem:$0x1CB00] =	vst v63  }
0x67: {  	_ = 	snop  }
0x68: {  	[spmem:s1] =	stream.indirect.scatter.add.f32 [tilespmem:s23], [sflag:$0x3], $0x20, s25, s18, $0xb8;
	[tilespmem:$0x1CB00] =	vst v63  }
0x69: {  	_ =	swait.ge [sflag:s17], $0x2000  }
0x6a: {  	[sflag:s17] =	ssyncset.done $0x0  }
0x6b: {  	[sflag:s17] =	ssyncadd.s32 $0xFFFFE000  }
0x6c: {  	_ =	swait.ge [sflag:s22], $0x2000  }
0x6d: {  	s26 =	sadd.s32 $0x1, s26;
	[sflag:s22] =	ssyncset.done $0x0  }
0x6e: {  	p0 =	sne.s32 s26, s11;
	[sflag:s22] =	ssyncadd.s32 $0xFFFFE000  }
.Ltmp1:
0x6f: {  	[bflag:$0x0] =	sbarrier.arrive $0xFFFF;
	(pc) =	sbr.rel @p0 .LBB2_1-.Ltmp1, $4  }
0x70: {  	[hbm:s14], [sflag:s8] =	dma.local [spmem:s16], $0x30E0  }
0x71: {  	_ =	swait.ge [sflag:s17], $0x30E0  }
0x72: {  	[sflag:s17] =	ssyncset.done $0x0  }
0x73: {  	[sflag:s17] =	ssyncadd.s32 $0xFFFFCF20  }
0x74: {  	_ =	sfence.sel $0x180000  }
0x75: {  	[bflag:$0x0] =	sbarrier.arrive $0xFFFF  }
0x76: {  	p0 =	sne.s32 s3, $0x0;
	_ =	strace $0x9000004D  }
0x77: {  	s0 =	sadd.s32 @!p0 $0x100000, s0;
	[bflag:$0x2] =	sbarrier.arrive $0xFFFF  }
0x78: {  	[sflag:s0] =	ssyncadd.tile.s32 @!p0 $0x1;
	_ =	shalt  }
.Lfunc_end2:
_tile_overlayer_lowered:
.L_overlay_start_2:
0x79: {  	(tag) =	ssettag $0x2  }
0x7a: {  	s0 =	rddreg [dreg:$0x0];
	s2 =	stileid.u32  }
0x7b: {  	s1 =	rddreg [dreg:$0x1];
	p0 =	sne.s32 s2, $0x0  }
0x7c: {  	s3 =	rddreg [dreg:$0x2];
	[bflag:$0x3] =	sbarrier.arrive $0xFFFF;
	s2 =	simm.s32 @!p0 $0x1C03  }
0x7d: {  	[timem:s3], [sflag:s2] =	dma.local @!p0 [hbm:s0], s1  }
0x7e: {  	s0 =	simm.s32 @!p0 $0x3  }
0x7f: {  	_ =	swait.ge @!p0 [sflag:s0], s1  }
0x80: {  	s1 =	ssub.s32 @!p0 $0x0, s1;
	[sflag:s0] =	ssyncset.done @!p0 $0x0  }
0x81: {  	[sflag:s0] =	ssyncadd.s32 @!p0 s1  }
0x82: {  	[bflag:$0x3] =	sbarrier.arrive $0xFFFF  }
0x83: {  	_ =	shalt  }

</sc_bundles>
